<compile_context>
chip_gen: v7x
topology: tpu7x:2x2x1
jax: 0.10.2.dev20260603
libtpu: 0.0.44.dev20260713+nightly
codegen_flags: <defaults>
</compile_context>

<pallas_src>
import functools
import math

import jax
import jax.numpy as jnp
from jax import lax
from jax.experimental import pallas as pl
from jax.experimental.pallas import tpu as pltpu
from jax.experimental.pallas import tpu_sc as plsc

DIM = 128
HID = 32
K_NN = 16
B = 4
N = 2048
PPAD = 16
BLK_A = 512
BLK_C = 512
TOT = B * N * K_NN
INV_SQRT_D = 1.0 / math.sqrt(DIM)



def _knn_body(posb_ref, posT_ref, idx_ref, *, b0):
    b = pl.program_id(0) + b0
    pb = posb_ref[0]
    pT = posT_ref[0]
    d = None
    for c in range(3):
        diff = pb[:, c:c + 1] - pT[c:c + 1, :]
        sq = diff * diff
        d = sq if d is None else d + sq
    W = N // 4
    BIG = jnp.float32(1e30)
    lane = lax.broadcasted_iota(jnp.int32, (BLK_A, W), 1).astype(jnp.float32)
    g0, g1, g2, g3 = (d[:, 0:W], d[:, W:2 * W], d[:, 2 * W:3 * W],
                      d[:, 3 * W:4 * W])
    j1, j2, j3 = lane + W, lane + 2 * W, lane + 3 * W
    c = g1 < g0
    v1 = jnp.minimum(g0, g1)
    i1 = jnp.where(c, j1, lane)
    v2 = jnp.maximum(g0, g1)
    i2 = jnp.where(c, lane, j1)
    c = g2 < v1
    w = jnp.maximum(g2, v1)
    wi = jnp.where(c, i1, j2)
    v1 = jnp.minimum(g2, v1)
    i1 = jnp.where(c, j2, i1)
    c = w < v2
    v3 = jnp.maximum(w, v2)
    i3 = jnp.where(c, i2, wi)
    v2 = jnp.minimum(w, v2)
    i2 = jnp.where(c, wi, i2)
    c = g3 < v1
    w = jnp.maximum(g3, v1)
    wi = jnp.where(c, i1, j3)
    v1 = jnp.minimum(g3, v1)
    i1 = jnp.where(c, j3, i1)
    c = w < v2
    w2 = jnp.maximum(w, v2)
    w2i = jnp.where(c, i2, wi)
    v2 = jnp.minimum(w, v2)
    i2 = jnp.where(c, wi, i2)
    c = w2 < v3
    i3 = jnp.where(c, w2i, i3)
    v3 = jnp.minimum(w2, v3)

    def _ce(a, bq):
        (va, ia), (vb, ib) = a, bq
        cc = vb < va
        return ((jnp.minimum(va, vb), jnp.where(cc, ib, ia)),
                (jnp.maximum(va, vb), jnp.where(cc, ia, ib)))

    def _sort3(x0, x1, x2):
        x0, x1 = _ce(x0, x1)
        x1, x2 = _ce(x1, x2)
        x0, x1 = _ce(x0, x1)
        return x0, x1, x2

    def _merge33(A, Bq):
        s = [A[0], A[1], A[2], Bq[2], Bq[1], Bq[0]]
        for ii in range(3):
            s[ii], s[ii + 3] = _ce(s[ii], s[ii + 3])
        lo = _sort3(*s[0:3])
        hi = _sort3(*s[3:6])
        return list(lo) + list(hi)

    def _merge66_5(E, F):
        s = []
        for ii in range(6):
            lo, _ = _ce(E[ii], F[5 - ii])
            s.append(lo)
        for ii in range(3):
            s[ii], s[ii + 3] = _ce(s[ii], s[ii + 3])
        lo = _sort3(*s[0:3])
        hi = _sort3(*s[3:6])
        return [lo[0], lo[1], lo[2], hi[0], hi[1]]

    WF = W // 4
    sub = []
    for gg in range(4):
        sl = slice(gg * WF, (gg + 1) * WF)
        sub.append([(v1[:, sl], i1[:, sl]), (v2[:, sl], i2[:, sl]),
                    (v3[:, sl], i3[:, sl])])
    G = _merge66_5(_merge33(sub[0], sub[1]), _merge33(sub[2], sub[3]))
    V = [g[0] for g in G]
    I = [g[1] for g in G]

    cols = []
    for _ in range(K_NN):
        m = jnp.min(V[0], axis=1, keepdims=True)
        cstar = jnp.min(jnp.where(V[0] <= m, I[0], BIG), axis=1,
                        keepdims=True)
        cols.append(cstar)
        atl = I[0] == cstar
        for j in range(4):
            V[j] = jnp.where(atl, V[j + 1], V[j])
            I[j] = jnp.where(atl, I[j + 1], I[j])
        V[4] = jnp.where(atl, BIG, V[4])
    idxf = jnp.concatenate(cols, axis=1)
    idx_ref[0] = idxf.astype(jnp.int32) + b * N


def _knn_call(posp, posT, b0, nb):
    return pl.pallas_call(
        functools.partial(_knn_body, b0=b0),
        grid=(nb, N // BLK_A),
        in_specs=[
            pl.BlockSpec((1, BLK_A, PPAD), lambda b, i: (b, i, 0)),
            pl.BlockSpec((1, PPAD, N), lambda b, i: (b, 0, 0)),
        ],
        out_specs=pl.BlockSpec((1, BLK_A, K_NN), lambda b, i: (b, i, 0)),
        out_shape=jax.ShapeDtypeStruct((nb, N, K_NN), jnp.int32),
    )(posp, posT)



CHUNK = 128


def _make_sc_gather(tot):
    info = plsc.get_sparse_core_info()
    nc, ns = info.num_cores, info.num_subcores
    nw = nc * ns
    per_w = tot // nw
    n_ch = per_w // CHUNK
    mesh = plsc.VectorSubcoreMesh(core_axis_name="c", subcore_axis_name="s")

    @functools.partial(
        pl.kernel,
        mesh=mesh,
        compiler_params=pltpu.CompilerParams(use_tc_tiling_on_sc=False),
        out_type=[
            jax.ShapeDtypeStruct((tot, DIM), jnp.float32),
            jax.ShapeDtypeStruct((tot, PPAD), jnp.float32),
        ],
        scratch_types=[
            pltpu.VMEM((per_w,), jnp.int32),
            pltpu.VMEM((CHUNK, DIM), jnp.float32),
            pltpu.VMEM((CHUNK, DIM), jnp.float32),
            pltpu.VMEM((CHUNK, PPAD), jnp.float32),
            pltpu.VMEM((CHUNK, PPAD), jnp.float32),
            pltpu.SemaphoreType.DMA,
            pltpu.SemaphoreType.DMA,
            pltpu.SemaphoreType.DMA,
            pltpu.SemaphoreType.DMA,
        ],
    )
    def gather_k(xtab, ptab, idx_hbm, xg_out, pg_out, idx_v,
                 xb0, xb1, pb0, pb1, sg0, sg1, sw0, sw1):
        wid = lax.axis_index("s") * nc + lax.axis_index("c")
        base = wid * per_w
        pltpu.sync_copy(idx_hbm.at[pl.ds(base, per_w)], idx_v)
        xbufs, pbufs = (xb0, xb1), (pb0, pb1)
        sgs, sws = (sg0, sg1), (sw0, sw1)
        last = (n_ch - 1) * CHUNK

        def fire_gather(g, s):
            off = jnp.minimum(g * CHUNK, last)
            isl = idx_v.at[pl.ds(off, CHUNK)]
            pltpu.async_copy(xtab.at[isl], xbufs[s], sgs[s])
            pltpu.async_copy(ptab.at[isl], pbufs[s], sgs[s])

        def wait_gather(s):
            isl0 = idx_v.at[pl.ds(0, CHUNK)]
            pltpu.make_async_copy(xtab.at[isl0], xbufs[s], sgs[s]).wait()
            pltpu.make_async_copy(ptab.at[isl0], pbufs[s], sgs[s]).wait()

        fire_gather(0, 0)
        fire_gather(1, 1)

        def body(k2, carry):
            ws = []
            for s in (0, 1):
                g = 2 * k2 + s
                off = base + g * CHUNK
                wait_gather(s)
                ws.append(pltpu.async_copy(
                    xbufs[s], xg_out.at[pl.ds(off, CHUNK)], sws[s]))
                ws.append(pltpu.async_copy(
                    pbufs[s], pg_out.at[pl.ds(off, CHUNK)], sws[s]))
            for s in (0, 1):
                ws[2 * s].wait()
                ws[2 * s + 1].wait()
                fire_gather(2 * k2 + s + 2, s)
            return carry

        lax.fori_loop(0, n_ch // 2, body, 0)
        wait_gather(0)
        wait_gather(1)

    return gather_k



def _attn_body(x_ref, pp_ref, xg_ref, pg_ref, Wq_ref, Wk_ref, Wv_ref,
               W1_ref, b1_ref, W2_ref, b2_ref, A1_ref, ab1_ref, A2_ref,
               ab2_ref, o_ref):
    S = BLK_C * K_NN
    f32 = jnp.float32
    xb = x_ref[...]
    q = jnp.dot(xb, Wq_ref[...], preferred_element_type=f32)
    a = jnp.dot(pp_ref[...], W1_ref[...], preferred_element_type=f32)
    g = jnp.dot(pg_ref[...], W1_ref[...], preferred_element_type=f32)
    arep = jnp.broadcast_to(a.reshape(BLK_C, 1, HID),
                            (BLK_C, K_NN, HID)).reshape(S, HID)
    pe_in = jnp.maximum(arep - g + b1_ref[...], 0.0)
    pe = jnp.dot(pe_in, W2_ref[...], preferred_element_type=f32) + b2_ref[...]
    xg = xg_ref[...]
    k = jnp.dot(xg, Wk_ref[...], preferred_element_type=f32)
    v = jnp.dot(xg, Wv_ref[...], preferred_element_type=f32)
    qrep = jnp.broadcast_to(q.reshape(BLK_C, 1, DIM),
                            (BLK_C, K_NN, DIM)).reshape(S, DIM)
    h = qrep - k + pe
    t = jnp.maximum(jnp.dot(h.astype(jnp.bfloat16), A1_ref[...],
                            preferred_element_type=f32)
                    + ab1_ref[...], 0.0)
    z = (jnp.dot(t.astype(jnp.bfloat16), A2_ref[...],
                 preferred_element_type=f32)
         + ab2_ref[...]) * f32(INV_SQRT_D)
    z3 = z.reshape(BLK_C, K_NN, DIM)
    mx = jnp.max(z3, axis=1, keepdims=True)
    e = jnp.exp(z3 - mx)
    s = jnp.sum(e, axis=1, keepdims=True)
    w = e / s
    u = (v + pe).reshape(BLK_C, K_NN, DIM)
    o_ref[...] = jnp.sum(w * u, axis=1)


def _attn_call(x2, pp2, xg, pg, Wq, Wk, Wv, W1p, b1, W2, b2, A1, ab1, A2,
               ab2, blk0, nblk):
    S = BLK_C * K_NN

    def _w(shape):
        nd = len(shape)
        return pl.BlockSpec(shape, lambda i, _n=nd: (0,) * _n)

    return pl.pallas_call(
        _attn_body,
        grid=(nblk,),
        in_specs=[
            pl.BlockSpec((BLK_C, DIM), lambda i: (i + blk0, 0)),
            pl.BlockSpec((BLK_C, PPAD), lambda i: (i + blk0, 0)),
            pl.BlockSpec((S, DIM), lambda i: (i, 0)),
            pl.BlockSpec((S, PPAD), lambda i: (i, 0)),
            _w(Wq.shape), _w(Wk.shape), _w(Wv.shape),
            _w(W1p.shape), _w(b1.shape), _w(W2.shape), _w(b2.shape),
            _w(A1.shape), _w(ab1.shape), _w(A2.shape), _w(ab2.shape),
        ],
        out_specs=pl.BlockSpec((BLK_C, DIM), lambda i: (i, 0)),
        out_shape=jax.ShapeDtypeStruct((nblk * BLK_C, DIM), jnp.float32),
    )(x2, pp2, xg, pg, Wq, Wk, Wv, W1p, b1, W2, b2, A1, ab1, A2, ab2)



def kernel(x, pos, Wq, Wk, Wv, W1, b1, W2, b2, A1, ab1, A2, ab2):
    posp = jnp.concatenate(
        [pos, jnp.zeros((B, N, PPAD - 3), jnp.float32)], axis=-1)
    posT = jnp.swapaxes(posp, 1, 2)
    W1p = jnp.concatenate(
        [W1, jnp.zeros((PPAD - 3, HID), jnp.float32)], axis=0)

    xtab = x.reshape(B * N, DIM)
    ptab = posp.reshape(B * N, PPAD)
    b1r = b1.reshape(1, HID)
    b2r = b2.reshape(1, DIM)
    ab1r = ab1.reshape(1, DIM * 2)
    ab2r = ab2.reshape(1, DIM)

    hb = B // 2
    half_tot = hb * N * K_NN
    gather_fn = _make_sc_gather(half_tot)
    outs = []
    for h in range(B // hb):
        b0 = h * hb
        idx = _knn_call(posp[b0:b0 + hb], posT[b0:b0 + hb], b0, hb)
        idx_flat = idx.reshape(half_tot)
        xg, pg = gather_fn(xtab, ptab, idx_flat)
        outs.append(_attn_call(
            xtab, ptab, xg, pg, Wq, Wk, Wv, W1p, b1r, W2, b2r,
            A1.astype(jnp.bfloat16), ab1r, A2.astype(jnp.bfloat16), ab2r,
            b0 * N // BLK_C, hb * N // BLK_C))
    return jnp.concatenate(outs, axis=0).reshape(B, N, DIM)

# --- scband reference (transcript-rebuilt; emitter-appended) ---
"""Pipeline reference for scband-point-transformer-layer-59115929862838 (READ-ONLY COPY).

The authoritative reference and input builder live on the scoring server;
editing this copy changes nothing except your own understanding.
"""

import jax, jax.numpy as jnp
import numpy as np

DIM = 128
HID = 32
MULT = 2
K_NN = 16
B = 4
N = 2048


def index_points(points, idx):
    # points: [B, M, C], idx: [B, S, K] -> [B, S, K, C]
    return jax.vmap(lambda p, i: p[i])(points, idx)


def setup_inputs(seed: int = 0) -> dict:
    key = jax.random.key(seed)
    ks = jax.random.split(key, 12)
    x = jax.random.normal(ks[0], (B, N, DIM), dtype=jnp.float32)
    pos = jax.random.uniform(ks[1], (B, N, 3), dtype=jnp.float32)
    s_d = 1.0 / np.sqrt(DIM)
    Wq = jax.random.normal(ks[2], (DIM, DIM), dtype=jnp.float32) * s_d
    Wk = jax.random.normal(ks[3], (DIM, DIM), dtype=jnp.float32) * s_d
    Wv = jax.random.normal(ks[4], (DIM, DIM), dtype=jnp.float32) * s_d
    W1 = jax.random.normal(ks[5], (3, HID), dtype=jnp.float32) * (1.0 / np.sqrt(3.0))
    b1 = jnp.zeros((HID,), dtype=jnp.float32)
    W2 = jax.random.normal(ks[6], (HID, DIM), dtype=jnp.float32) * (1.0 / np.sqrt(HID))
    b2 = jnp.zeros((DIM,), dtype=jnp.float32)
    A1 = jax.random.normal(ks[7], (DIM, DIM * MULT), dtype=jnp.float32) * s_d
    ab1 = jnp.zeros((DIM * MULT,), dtype=jnp.float32)
    A2 = jax.random.normal(ks[8], (DIM * MULT, DIM), dtype=jnp.float32) * (1.0 / np.sqrt(DIM * MULT))
    ab2 = jnp.zeros((DIM,), dtype=jnp.float32)
    return {"x": x, "pos": pos, "Wq": Wq, "Wk": Wk, "Wv": Wv,
            "W1": W1, "b1": b1, "W2": W2, "b2": b2,
            "A1": A1, "ab1": ab1, "A2": A2, "ab2": ab2}


def reference(x, pos, Wq, Wk, Wv, W1, b1, W2, b2, A1, ab1, A2, ab2):
    # kNN via dense pairwise squared distance + argsort (self-attention: x2 = x, pos2 = pos)
    dists = jnp.sum((pos[:, :, None, :] - pos[:, None, :, :]) ** 2, axis=-1)  # [B, N, N]
    knn_idx = jnp.argsort(dists, axis=-1)[:, :, :K_NN]  # [B, N, K]
    knn_xyz = index_points(pos, knn_idx)  # [B, N, K, 3]
    q = x @ Wq  # [B, N, D]
    k = index_points(x @ Wk, knn_idx)  # [B, N, K, D]
    v = index_points(x @ Wv, knn_idx)  # [B, N, K, D]
    rel = pos[:, :, None, :] - knn_xyz  # [B, N, K, 3]
    pos_enc = jax.nn.relu(rel @ W1 + b1) @ W2 + b2  # [B, N, K, D]
    h = q[:, :, None, :] - k + pos_enc
    attn = jax.nn.relu(h @ A1 + ab1) @ A2 + ab2  # [B, N, K, D]
    attn = jax.nn.softmax(attn / np.sqrt(k.shape[-1]), axis=-2)
    agg = jnp.einsum('bijd,bijd->bid', attn, v + pos_enc)  # [B, N, D]
    return agg

if __name__ == "__main__":
    import jax
    _d = setup_inputs()
    print(jax.jit(kernel)(*tuple(_d.values())))

</pallas_src>

<mosaic_0001>
#map = affine_map<(d0, d1) -> (0, 0)>
#map1 = affine_map<(d0, d1) -> (0)>
module attributes {stable_mosaic.version = 14 : i64} {
  func.func @gather_k(%arg0: i32, %arg1: i32, %arg2: memref<8192x128xf32, #tpu.memory_space<hbm>>, %arg3: memref<8192x16xf32, #tpu.memory_space<hbm>>, %arg4: memref<65536xi32, #tpu.memory_space<hbm>>, %arg5: memref<65536x128xf32, #tpu.memory_space<hbm>>, %arg6: memref<65536x16xf32, #tpu.memory_space<hbm>>, %arg7: memref<2048xi32, #tpu.memory_space<vmem>>, %arg8: memref<128x128xf32, #tpu.memory_space<vmem>>, %arg9: memref<128x128xf32, #tpu.memory_space<vmem>>, %arg10: memref<128x16xf32, #tpu.memory_space<vmem>>, %arg11: memref<128x16xf32, #tpu.memory_space<vmem>>, %arg12: memref<!tpu.dma_semaphore, #tpu.memory_space<semaphore_mem>>, %arg13: memref<!tpu.dma_semaphore, #tpu.memory_space<semaphore_mem>>, %arg14: memref<!tpu.dma_semaphore, #tpu.memory_space<semaphore_mem>>, %arg15: memref<!tpu.dma_semaphore, #tpu.memory_space<semaphore_mem>>) attributes {dimension_semantics = [#tpu.dimension_semantics<core_parallel>, #tpu.dimension_semantics<subcore_parallel>], iteration_bounds = array<i64: 2, 16>, scalar_prefetch = 0 : i64, scratch_operands = 9 : i64, tpu.core_type = #tpu.core_type<sc_vector_subcore>, window_params = [{transform_indices = #map}, {transform_indices = #map}, {transform_indices = #map1}, {transform_indices = #map}, {transform_indices = #map}]} {
    %mul3A = arith.constant 2 : i32
    %mul3A_0 = arith.muli %arg1, %mul3A : i32
    %add3A = arith.addi %mul3A_0, %arg0 : i32
    %mul3A_1 = arith.constant 2048 : i32
    %mul3A_2 = arith.muli %add3A, %mul3A_1 : i32
    "tpu.region"() ({
      %run_scoped3A = tpu.sem_alloc : memref<!tpu.dma_semaphore, #tpu.memory_space<semaphore_mem>>
      %dma_start3A_47 = tpu.memref_slice %arg4[%mul3A_2] : memref<65536xi32, #tpu.memory_space<hbm>> -> memref<2048xi32, #tpu.memory_space<hbm>>
      %dma_start3A_48 = tpu.memref_slice %arg4[%mul3A_2] : memref<65536xi32, #tpu.memory_space<hbm>> -> memref<2048xi32, #tpu.memory_space<hbm>>
      tpu.enqueue_dma source(%dma_start3A_48 : memref<2048xi32, #tpu.memory_space<hbm>>) target(%arg7 : memref<2048xi32, #tpu.memory_space<vmem>>) target_semaphore(%run_scoped3A : memref<!tpu.dma_semaphore, #tpu.memory_space<semaphore_mem>>)
      %dma_wait3A_49 = tpu.memref_slice %arg4[%mul3A_2] : memref<65536xi32, #tpu.memory_space<hbm>> -> memref<2048xi32, #tpu.memory_space<hbm>>
      %dma_wait3A_50 = tpu.memref_slice %arg4[%mul3A_2] : memref<65536xi32, #tpu.memory_space<hbm>> -> memref<2048xi32, #tpu.memory_space<hbm>>
      tpu.wait_dma2 semaphore(%run_scoped3A : memref<!tpu.dma_semaphore, #tpu.memory_space<semaphore_mem>>) src(%dma_wait3A_50 : memref<2048xi32, #tpu.memory_space<hbm>>) dst(%arg7 : memref<2048xi32, #tpu.memory_space<vmem>>)
      tpu.yield
    }) : () -> ()
    %min3A = arith.constant 0 : i32
    %min3A_3 = arith.constant 1920 : i32
    %min3A_4 = arith.minsi %min3A, %min3A_3 : i32
    %dma_start3A = tpu.memref_slice %arg7[%min3A_4] : memref<2048xi32, #tpu.memory_space<vmem>> -> memref<128xi32, #tpu.memory_space<vmem>>
    %dma_start3A_5 = arith.constant 0 : i32
    %dma_start3A_6 = arith.constant 0 : i32
    %dma_start3A_7 = tpu.memref_slice %arg2[%dma_start3A_5, %dma_start3A_6] : memref<8192x128xf32, #tpu.memory_space<hbm>> -> memref<8192x128xf32, #tpu.memory_space<hbm>>
    tpu.enqueue_indirect_dma source(%dma_start3A_7 : memref<8192x128xf32, #tpu.memory_space<hbm>>) target(%arg8 : memref<128x128xf32, #tpu.memory_space<vmem>>) offsets(%dma_start3A : memref<128xi32, #tpu.memory_space<vmem>>) semaphore(%arg12 : memref<!tpu.dma_semaphore, #tpu.memory_space<semaphore_mem>>)
    %dma_start3A_8 = tpu.memref_slice %arg7[%min3A_4] : memref<2048xi32, #tpu.memory_space<vmem>> -> memref<128xi32, #tpu.memory_space<vmem>>
    %dma_start3A_9 = arith.constant 0 : i32
    %dma_start3A_10 = arith.constant 0 : i32
    %dma_start3A_11 = tpu.memref_slice %arg3[%dma_start3A_9, %dma_start3A_10] : memref<8192x16xf32, #tpu.memory_space<hbm>> -> memref<8192x16xf32, #tpu.memory_space<hbm>>
    tpu.enqueue_indirect_dma source(%dma_start3A_11 : memref<8192x16xf32, #tpu.memory_space<hbm>>) target(%arg10 : memref<128x16xf32, #tpu.memory_space<vmem>>) offsets(%dma_start3A_8 : memref<128xi32, #tpu.memory_space<vmem>>) semaphore(%arg12 : memref<!tpu.dma_semaphore, #tpu.memory_space<semaphore_mem>>)
    %min3A_12 = arith.constant 128 : i32
    %min3A_13 = arith.constant 1920 : i32
    %min3A_14 = arith.minsi %min3A_12, %min3A_13 : i32
    %dma_start3A_15 = tpu.memref_slice %arg7[%min3A_14] : memref<2048xi32, #tpu.memory_space<vmem>> -> memref<128xi32, #tpu.memory_space<vmem>>
    %dma_start3A_16 = arith.constant 0 : i32
    %dma_start3A_17 = arith.constant 0 : i32
    %dma_start3A_18 = tpu.memref_slice %arg2[%dma_start3A_16, %dma_start3A_17] : memref<8192x128xf32, #tpu.memory_space<hbm>> -> memref<8192x128xf32, #tpu.memory_space<hbm>>
    tpu.enqueue_indirect_dma source(%dma_start3A_18 : memref<8192x128xf32, #tpu.memory_space<hbm>>) target(%arg9 : memref<128x128xf32, #tpu.memory_space<vmem>>) offsets(%dma_start3A_15 : memref<128xi32, #tpu.memory_space<vmem>>) semaphore(%arg13 : memref<!tpu.dma_semaphore, #tpu.memory_space<semaphore_mem>>)
    %dma_start3A_19 = tpu.memref_slice %arg7[%min3A_14] : memref<2048xi32, #tpu.memory_space<vmem>> -> memref<128xi32, #tpu.memory_space<vmem>>
    %dma_start3A_20 = arith.constant 0 : i32
    %dma_start3A_21 = arith.constant 0 : i32
    %dma_start3A_22 = tpu.memref_slice %arg3[%dma_start3A_20, %dma_start3A_21] : memref<8192x16xf32, #tpu.memory_space<hbm>> -> memref<8192x16xf32, #tpu.memory_space<hbm>>
    tpu.enqueue_indirect_dma source(%dma_start3A_22 : memref<8192x16xf32, #tpu.memory_space<hbm>>) target(%arg11 : memref<128x16xf32, #tpu.memory_space<vmem>>) offsets(%dma_start3A_19 : memref<128xi32, #tpu.memory_space<vmem>>) semaphore(%arg13 : memref<!tpu.dma_semaphore, #tpu.memory_space<semaphore_mem>>)
    %scan3A = arith.constant 0 : i32
    %scan3A_23 = arith.constant 0 : i32
    %scan3A_24 = arith.constant 8 : i32
    %scan3A_25 = arith.addi %scan3A_23, %scan3A_24 : i32
    %scan3A_26 = arith.constant 1 : i32
    scf.for %scan3A_47 = %scan3A_23 to %scan3A_25 step %scan3A_26  : i32 {
      %mul3A_48 = arith.constant 2 : i32
      %mul3A_49 = arith.muli %mul3A_48, %scan3A_47 : i32
      %add3A_50 = arith.constant 0 : i32
      %add3A_51 = arith.addi %mul3A_49, %add3A_50 : i32
      %mul3A_52 = arith.constant 128 : i32
      %mul3A_53 = arith.muli %add3A_51, %mul3A_52 : i32
      %add3A_54 = arith.addi %mul3A_2, %mul3A_53 : i32
      %dma_wait3A_55 = arith.constant 0 : i32
      %dma_wait3A_56 = tpu.memref_slice %arg7[%dma_wait3A_55] : memref<2048xi32, #tpu.memory_space<vmem>> -> memref<128xi32, #tpu.memory_space<vmem>>
      %dma_wait3A_57 = arith.constant 0 : i32
      %dma_wait3A_58 = arith.constant 0 : i32
      %dma_wait3A_59 = tpu.memref_slice %arg2[%dma_wait3A_57, %dma_wait3A_58] : memref<8192x128xf32, #tpu.memory_space<hbm>> -> memref<8192x128xf32, #tpu.memory_space<hbm>>
      tpu.wait_indirect_dma semaphore(%arg12 : memref<!tpu.dma_semaphore, #tpu.memory_space<semaphore_mem>>) src(%dma_wait3A_59 : memref<8192x128xf32, #tpu.memory_space<hbm>>) dst(%arg8 : memref<128x128xf32, #tpu.memory_space<vmem>>)
      %dma_wait3A_60 = arith.constant 0 : i32
      %dma_wait3A_61 = tpu.memref_slice %arg7[%dma_wait3A_60] : memref<2048xi32, #tpu.memory_space<vmem>> -> memref<128xi32, #tpu.memory_space<vmem>>
      %dma_wait3A_62 = arith.constant 0 : i32
      %dma_wait3A_63 = arith.constant 0 : i32
      %dma_wait3A_64 = tpu.memref_slice %arg3[%dma_wait3A_62, %dma_wait3A_63] : memref<8192x16xf32, #tpu.memory_space<hbm>> -> memref<8192x16xf32, #tpu.memory_space<hbm>>
      tpu.wait_indirect_dma semaphore(%arg12 : memref<!tpu.dma_semaphore, #tpu.memory_space<semaphore_mem>>) src(%dma_wait3A_64 : memref<8192x16xf32, #tpu.memory_space<hbm>>) dst(%arg10 : memref<128x16xf32, #tpu.memory_space<vmem>>)
      %dma_start3A_65 = arith.constant 0 : i32
      %dma_start3A_66 = tpu.memref_slice %arg5[%add3A_54, %dma_start3A_65] : memref<65536x128xf32, #tpu.memory_space<hbm>> -> memref<128x128xf32, #tpu.memory_space<hbm>>
      %dma_start3A_67 = arith.constant 0 : i32
      %dma_start3A_68 = tpu.memref_slice %arg5[%add3A_54, %dma_start3A_67] : memref<65536x128xf32, #tpu.memory_space<hbm>> -> memref<128x128xf32, #tpu.memory_space<hbm>>
      tpu.enqueue_dma source(%arg8 : memref<128x128xf32, #tpu.memory_space<vmem>>) target(%dma_start3A_68 : memref<128x128xf32, #tpu.memory_space<hbm>>) target_semaphore(%arg14 : memref<!tpu.dma_semaphore, #tpu.memory_space<semaphore_mem>>)
      %dma_start3A_69 = arith.constant 0 : i32
      %dma_start3A_70 = tpu.memref_slice %arg6[%add3A_54, %dma_start3A_69] : memref<65536x16xf32, #tpu.memory_space<hbm>> -> memref<128x16xf32, #tpu.memory_space<hbm>>
      %dma_start3A_71 = arith.constant 0 : i32
      %dma_start3A_72 = tpu.memref_slice %arg6[%add3A_54, %dma_start3A_71] : memref<65536x16xf32, #tpu.memory_space<hbm>> -> memref<128x16xf32, #tpu.memory_space<hbm>>
      tpu.enqueue_dma source(%arg10 : memref<128x16xf32, #tpu.memory_space<vmem>>) target(%dma_start3A_72 : memref<128x16xf32, #tpu.memory_space<hbm>>) target_semaphore(%arg14 : memref<!tpu.dma_semaphore, #tpu.memory_space<semaphore_mem>>)
      %mul3A_73 = arith.constant 2 : i32
      %mul3A_74 = arith.muli %mul3A_73, %scan3A_47 : i32
      %add3A_75 = arith.constant 1 : i32
      %add3A_76 = arith.addi %mul3A_74, %add3A_75 : i32
      %mul3A_77 = arith.constant 128 : i32
      %mul3A_78 = arith.muli %add3A_76, %mul3A_77 : i32
      %add3A_79 = arith.addi %mul3A_2, %mul3A_78 : i32
      %dma_wait3A_80 = arith.constant 0 : i32
      %dma_wait3A_81 = tpu.memref_slice %arg7[%dma_wait3A_80] : memref<2048xi32, #tpu.memory_space<vmem>> -> memref<128xi32, #tpu.memory_space<vmem>>
      %dma_wait3A_82 = arith.constant 0 : i32
      %dma_wait3A_83 = arith.constant 0 : i32
      %dma_wait3A_84 = tpu.memref_slice %arg2[%dma_wait3A_82, %dma_wait3A_83] : memref<8192x128xf32, #tpu.memory_space<hbm>> -> memref<8192x128xf32, #tpu.memory_space<hbm>>
      tpu.wait_indirect_dma semaphore(%arg13 : memref<!tpu.dma_semaphore, #tpu.memory_space<semaphore_mem>>) src(%dma_wait3A_84 : memref<8192x128xf32, #tpu.memory_space<hbm>>) dst(%arg9 : memref<128x128xf32, #tpu.memory_space<vmem>>)
      %dma_wait3A_85 = arith.constant 0 : i32
      %dma_wait3A_86 = tpu.memref_slice %arg7[%dma_wait3A_85] : memref<2048xi32, #tpu.memory_space<vmem>> -> memref<128xi32, #tpu.memory_space<vmem>>
      %dma_wait3A_87 = arith.constant 0 : i32
      %dma_wait3A_88 = arith.constant 0 : i32
      %dma_wait3A_89 = tpu.memref_slice %arg3[%dma_wait3A_87, %dma_wait3A_88] : memref<8192x16xf32, #tpu.memory_space<hbm>> -> memref<8192x16xf32, #tpu.memory_space<hbm>>
      tpu.wait_indirect_dma semaphore(%arg13 : memref<!tpu.dma_semaphore, #tpu.memory_space<semaphore_mem>>) src(%dma_wait3A_89 : memref<8192x16xf32, #tpu.memory_space<hbm>>) dst(%arg11 : memref<128x16xf32, #tpu.memory_space<vmem>>)
      %dma_start3A_90 = arith.constant 0 : i32
      %dma_start3A_91 = tpu.memref_slice %arg5[%add3A_79, %dma_start3A_90] : memref<65536x128xf32, #tpu.memory_space<hbm>> -> memref<128x128xf32, #tpu.memory_space<hbm>>
      %dma_start3A_92 = arith.constant 0 : i32
      %dma_start3A_93 = tpu.memref_slice %arg5[%add3A_79, %dma_start3A_92] : memref<65536x128xf32, #tpu.memory_space<hbm>> -> memref<128x128xf32, #tpu.memory_space<hbm>>
      tpu.enqueue_dma source(%arg9 : memref<128x128xf32, #tpu.memory_space<vmem>>) target(%dma_start3A_93 : memref<128x128xf32, #tpu.memory_space<hbm>>) target_semaphore(%arg15 : memref<!tpu.dma_semaphore, #tpu.memory_space<semaphore_mem>>)
      %dma_start3A_94 = arith.constant 0 : i32
      %dma_start3A_95 = tpu.memref_slice %arg6[%add3A_79, %dma_start3A_94] : memref<65536x16xf32, #tpu.memory_space<hbm>> -> memref<128x16xf32, #tpu.memory_space<hbm>>
      %dma_start3A_96 = arith.constant 0 : i32
      %dma_start3A_97 = tpu.memref_slice %arg6[%add3A_79, %dma_start3A_96] : memref<65536x16xf32, #tpu.memory_space<hbm>> -> memref<128x16xf32, #tpu.memory_space<hbm>>
      tpu.enqueue_dma source(%arg11 : memref<128x16xf32, #tpu.memory_space<vmem>>) target(%dma_start3A_97 : memref<128x16xf32, #tpu.memory_space<hbm>>) target_semaphore(%arg15 : memref<!tpu.dma_semaphore, #tpu.memory_space<semaphore_mem>>)
      %dma_wait3A_98 = arith.constant 0 : i32
      %dma_wait3A_99 = tpu.memref_slice %arg5[%add3A_54, %dma_wait3A_98] : memref<65536x128xf32, #tpu.memory_space<hbm>> -> memref<128x128xf32, #tpu.memory_space<hbm>>
      %dma_wait3A_100 = arith.constant 0 : i32
      %dma_wait3A_101 = tpu.memref_slice %arg5[%add3A_54, %dma_wait3A_100] : memref<65536x128xf32, #tpu.memory_space<hbm>> -> memref<128x128xf32, #tpu.memory_space<hbm>>
      tpu.wait_dma2 semaphore(%arg14 : memref<!tpu.dma_semaphore, #tpu.memory_space<semaphore_mem>>) src(%arg8 : memref<128x128xf32, #tpu.memory_space<vmem>>) dst(%dma_wait3A_101 : memref<128x128xf32, #tpu.memory_space<hbm>>)
      %dma_wait3A_102 = arith.constant 0 : i32
      %dma_wait3A_103 = tpu.memref_slice %arg6[%add3A_54, %dma_wait3A_102] : memref<65536x16xf32, #tpu.memory_space<hbm>> -> memref<128x16xf32, #tpu.memory_space<hbm>>
      %dma_wait3A_104 = arith.constant 0 : i32
      %dma_wait3A_105 = tpu.memref_slice %arg6[%add3A_54, %dma_wait3A_104] : memref<65536x16xf32, #tpu.memory_space<hbm>> -> memref<128x16xf32, #tpu.memory_space<hbm>>
      tpu.wait_dma2 semaphore(%arg14 : memref<!tpu.dma_semaphore, #tpu.memory_space<semaphore_mem>>) src(%arg10 : memref<128x16xf32, #tpu.memory_space<vmem>>) dst(%dma_wait3A_105 : memref<128x16xf32, #tpu.memory_space<hbm>>)
      %mul3A_106 = arith.constant 2 : i32
      %mul3A_107 = arith.muli %mul3A_106, %scan3A_47 : i32
      %add3A_108 = arith.constant 0 : i32
      %add3A_109 = arith.addi %mul3A_107, %add3A_108 : i32
      %add3A_110 = arith.constant 2 : i32
      %add3A_111 = arith.addi %add3A_109, %add3A_110 : i32
      %mul3A_112 = arith.constant 128 : i32
      %mul3A_113 = arith.muli %add3A_111, %mul3A_112 : i32
      %min3A_114 = arith.constant 1920 : i32
      %min3A_115 = arith.minsi %mul3A_113, %min3A_114 : i32
      %dma_start3A_116 = tpu.memref_slice %arg7[%min3A_115] : memref<2048xi32, #tpu.memory_space<vmem>> -> memref<128xi32, #tpu.memory_space<vmem>>
      %dma_start3A_117 = arith.constant 0 : i32
      %dma_start3A_118 = arith.constant 0 : i32
      %dma_start3A_119 = tpu.memref_slice %arg2[%dma_start3A_117, %dma_start3A_118] : memref<8192x128xf32, #tpu.memory_space<hbm>> -> memref<8192x128xf32, #tpu.memory_space<hbm>>
      tpu.enqueue_indirect_dma source(%dma_start3A_119 : memref<8192x128xf32, #tpu.memory_space<hbm>>) target(%arg8 : memref<128x128xf32, #tpu.memory_space<vmem>>) offsets(%dma_start3A_116 : memref<128xi32, #tpu.memory_space<vmem>>) semaphore(%arg12 : memref<!tpu.dma_semaphore, #tpu.memory_space<semaphore_mem>>)
      %dma_start3A_120 = tpu.memref_slice %arg7[%min3A_115] : memref<2048xi32, #tpu.memory_space<vmem>> -> memref<128xi32, #tpu.memory_space<vmem>>
      %dma_start3A_121 = arith.constant 0 : i32
      %dma_start3A_122 = arith.constant 0 : i32
      %dma_start3A_123 = tpu.memref_slice %arg3[%dma_start3A_121, %dma_start3A_122] : memref<8192x16xf32, #tpu.memory_space<hbm>> -> memref<8192x16xf32, #tpu.memory_space<hbm>>
      tpu.enqueue_indirect_dma source(%dma_start3A_123 : memref<8192x16xf32, #tpu.memory_space<hbm>>) target(%arg10 : memref<128x16xf32, #tpu.memory_space<vmem>>) offsets(%dma_start3A_120 : memref<128xi32, #tpu.memory_space<vmem>>) semaphore(%arg12 : memref<!tpu.dma_semaphore, #tpu.memory_space<semaphore_mem>>)
      %dma_wait3A_124 = arith.constant 0 : i32
      %dma_wait3A_125 = tpu.memref_slice %arg5[%add3A_79, %dma_wait3A_124] : memref<65536x128xf32, #tpu.memory_space<hbm>> -> memref<128x128xf32, #tpu.memory_space<hbm>>
      %dma_wait3A_126 = arith.constant 0 : i32
      %dma_wait3A_127 = tpu.memref_slice %arg5[%add3A_79, %dma_wait3A_126] : memref<65536x128xf32, #tpu.memory_space<hbm>> -> memref<128x128xf32, #tpu.memory_space<hbm>>
      tpu.wait_dma2 semaphore(%arg15 : memref<!tpu.dma_semaphore, #tpu.memory_space<semaphore_mem>>) src(%arg9 : memref<128x128xf32, #tpu.memory_space<vmem>>) dst(%dma_wait3A_127 : memref<128x128xf32, #tpu.memory_space<hbm>>)
      %dma_wait3A_128 = arith.constant 0 : i32
      %dma_wait3A_129 = tpu.memref_slice %arg6[%add3A_79, %dma_wait3A_128] : memref<65536x16xf32, #tpu.memory_space<hbm>> -> memref<128x16xf32, #tpu.memory_space<hbm>>
      %dma_wait3A_130 = arith.constant 0 : i32
      %dma_wait3A_131 = tpu.memref_slice %arg6[%add3A_79, %dma_wait3A_130] : memref<65536x16xf32, #tpu.memory_space<hbm>> -> memref<128x16xf32, #tpu.memory_space<hbm>>
      tpu.wait_dma2 semaphore(%arg15 : memref<!tpu.dma_semaphore, #tpu.memory_space<semaphore_mem>>) src(%arg11 : memref<128x16xf32, #tpu.memory_space<vmem>>) dst(%dma_wait3A_131 : memref<128x16xf32, #tpu.memory_space<hbm>>)
      %mul3A_132 = arith.constant 2 : i32
      %mul3A_133 = arith.muli %mul3A_132, %scan3A_47 : i32
      %add3A_134 = arith.constant 1 : i32
      %add3A_135 = arith.addi %mul3A_133, %add3A_134 : i32
      %add3A_136 = arith.constant 2 : i32
      %add3A_137 = arith.addi %add3A_135, %add3A_136 : i32
      %mul3A_138 = arith.constant 128 : i32
      %mul3A_139 = arith.muli %add3A_137, %mul3A_138 : i32
      %min3A_140 = arith.constant 1920 : i32
      %min3A_141 = arith.minsi %mul3A_139, %min3A_140 : i32
      %dma_start3A_142 = tpu.memref_slice %arg7[%min3A_141] : memref<2048xi32, #tpu.memory_space<vmem>> -> memref<128xi32, #tpu.memory_space<vmem>>
      %dma_start3A_143 = arith.constant 0 : i32
      %dma_start3A_144 = arith.constant 0 : i32
      %dma_start3A_145 = tpu.memref_slice %arg2[%dma_start3A_143, %dma_start3A_144] : memref<8192x128xf32, #tpu.memory_space<hbm>> -> memref<8192x128xf32, #tpu.memory_space<hbm>>
      tpu.enqueue_indirect_dma source(%dma_start3A_145 : memref<8192x128xf32, #tpu.memory_space<hbm>>) target(%arg9 : memref<128x128xf32, #tpu.memory_space<vmem>>) offsets(%dma_start3A_142 : memref<128xi32, #tpu.memory_space<vmem>>) semaphore(%arg13 : memref<!tpu.dma_semaphore, #tpu.memory_space<semaphore_mem>>)
      %dma_start3A_146 = tpu.memref_slice %arg7[%min3A_141] : memref<2048xi32, #tpu.memory_space<vmem>> -> memref<128xi32, #tpu.memory_space<vmem>>
      %dma_start3A_147 = arith.constant 0 : i32
      %dma_start3A_148 = arith.constant 0 : i32
      %dma_start3A_149 = tpu.memref_slice %arg3[%dma_start3A_147, %dma_start3A_148] : memref<8192x16xf32, #tpu.memory_space<hbm>> -> memref<8192x16xf32, #tpu.memory_space<hbm>>
      tpu.enqueue_indirect_dma source(%dma_start3A_149 : memref<8192x16xf32, #tpu.memory_space<hbm>>) target(%arg11 : memref<128x16xf32, #tpu.memory_space<vmem>>) offsets(%dma_start3A_146 : memref<128xi32, #tpu.memory_space<vmem>>) semaphore(%arg13 : memref<!tpu.dma_semaphore, #tpu.memory_space<semaphore_mem>>)
    }
    %scan3A_27 = arith.constant 8 : i32
    %dma_wait3A = arith.constant 0 : i32
    %dma_wait3A_28 = tpu.memref_slice %arg7[%dma_wait3A] : memref<2048xi32, #tpu.memory_space<vmem>> -> memref<128xi32, #tpu.memory_space<vmem>>
    %dma_wait3A_29 = arith.constant 0 : i32
    %dma_wait3A_30 = arith.constant 0 : i32
    %dma_wait3A_31 = tpu.memref_slice %arg2[%dma_wait3A_29, %dma_wait3A_30] : memref<8192x128xf32, #tpu.memory_space<hbm>> -> memref<8192x128xf32, #tpu.memory_space<hbm>>
    tpu.wait_indirect_dma semaphore(%arg12 : memref<!tpu.dma_semaphore, #tpu.memory_space<semaphore_mem>>) src(%dma_wait3A_31 : memref<8192x128xf32, #tpu.memory_space<hbm>>) dst(%arg8 : memref<128x128xf32, #tpu.memory_space<vmem>>)
    %dma_wait3A_32 = arith.constant 0 : i32
    %dma_wait3A_33 = tpu.memref_slice %arg7[%dma_wait3A_32] : memref<2048xi32, #tpu.memory_space<vmem>> -> memref<128xi32, #tpu.memory_space<vmem>>
    %dma_wait3A_34 = arith.constant 0 : i32
    %dma_wait3A_35 = arith.constant 0 : i32
    %dma_wait3A_36 = tpu.memref_slice %arg3[%dma_wait3A_34, %dma_wait3A_35] : memref<8192x16xf32, #tpu.memory_space<hbm>> -> memref<8192x16xf32, #tpu.memory_space<hbm>>
    tpu.wait_indirect_dma semaphore(%arg12 : memref<!tpu.dma_semaphore, #tpu.memory_space<semaphore_mem>>) src(%dma_wait3A_36 : memref<8192x16xf32, #tpu.memory_space<hbm>>) dst(%arg10 : memref<128x16xf32, #tpu.memory_space<vmem>>)
    %dma_wait3A_37 = arith.constant 0 : i32
    %dma_wait3A_38 = tpu.memref_slice %arg7[%dma_wait3A_37] : memref<2048xi32, #tpu.memory_space<vmem>> -> memref<128xi32, #tpu.memory_space<vmem>>
    %dma_wait3A_39 = arith.constant 0 : i32
    %dma_wait3A_40 = arith.constant 0 : i32
    %dma_wait3A_41 = tpu.memref_slice %arg2[%dma_wait3A_39, %dma_wait3A_40] : memref<8192x128xf32, #tpu.memory_space<hbm>> -> memref<8192x128xf32, #tpu.memory_space<hbm>>
    tpu.wait_indirect_dma semaphore(%arg13 : memref<!tpu.dma_semaphore, #tpu.memory_space<semaphore_mem>>) src(%dma_wait3A_41 : memref<8192x128xf32, #tpu.memory_space<hbm>>) dst(%arg9 : memref<128x128xf32, #tpu.memory_space<vmem>>)
    %dma_wait3A_42 = arith.constant 0 : i32
    %dma_wait3A_43 = tpu.memref_slice %arg7[%dma_wait3A_42] : memref<2048xi32, #tpu.memory_space<vmem>> -> memref<128xi32, #tpu.memory_space<vmem>>
    %dma_wait3A_44 = arith.constant 0 : i32
    %dma_wait3A_45 = arith.constant 0 : i32
    %dma_wait3A_46 = tpu.memref_slice %arg3[%dma_wait3A_44, %dma_wait3A_45] : memref<8192x16xf32, #tpu.memory_space<hbm>> -> memref<8192x16xf32, #tpu.memory_space<hbm>>
    tpu.wait_indirect_dma semaphore(%arg13 : memref<!tpu.dma_semaphore, #tpu.memory_space<semaphore_mem>>) src(%dma_wait3A_46 : memref<8192x16xf32, #tpu.memory_space<hbm>>) dst(%arg11 : memref<128x16xf32, #tpu.memory_space<vmem>>)
    return
  }
}

#map = affine_map<(d0, d1) -> (0, 0)>
#map1 = affine_map<(d0, d1) -> (0)>
module attributes {stable_mosaic.version = 14 : i64} {
  func.func @gather_k(%arg0: i32, %arg1: i32, %arg2: memref<8192x128xf32, #tpu.memory_space<hbm>>, %arg3: memref<8192x16xf32, #tpu.memory_space<hbm>>, %arg4: memref<65536xi32, #tpu.memory_space<hbm>>, %arg5: memref<65536x128xf32, #tpu.memory_space<hbm>>, %arg6: memref<65536x16xf32, #tpu.memory_space<hbm>>, %arg7: memref<2048xi32, #tpu.memory_space<vmem>>, %arg8: memref<128x128xf32, #tpu.memory_space<vmem>>, %arg9: memref<128x128xf32, #tpu.memory_space<vmem>>, %arg10: memref<128x16xf32, #tpu.memory_space<vmem>>, %arg11: memref<128x16xf32, #tpu.memory_space<vmem>>, %arg12: memref<!tpu.dma_semaphore, #tpu.memory_space<semaphore_mem>>, %arg13: memref<!tpu.dma_semaphore, #tpu.memory_space<semaphore_mem>>, %arg14: memref<!tpu.dma_semaphore, #tpu.memory_space<semaphore_mem>>, %arg15: memref<!tpu.dma_semaphore, #tpu.memory_space<semaphore_mem>>) attributes {dimension_semantics = [#tpu.dimension_semantics<core_parallel>, #tpu.dimension_semantics<subcore_parallel>], iteration_bounds = array<i64: 2, 16>, scalar_prefetch = 0 : i64, scratch_operands = 9 : i64, tpu.core_type = #tpu.core_type<sc_vector_subcore>, window_params = [{transform_indices = #map}, {transform_indices = #map}, {transform_indices = #map1}, {transform_indices = #map}, {transform_indices = #map}]} {
    %mul3A = arith.constant 2 : i32
    %mul3A_0 = arith.muli %arg1, %mul3A : i32
    %add3A = arith.addi %mul3A_0, %arg0 : i32
    %mul3A_1 = arith.constant 2048 : i32
    %mul3A_2 = arith.muli %add3A, %mul3A_1 : i32
    "tpu.region"() ({
      %run_scoped3A = tpu.sem_alloc : memref<!tpu.dma_semaphore, #tpu.memory_space<semaphore_mem>>
      %dma_start3A_47 = tpu.memref_slice %arg4[%mul3A_2] : memref<65536xi32, #tpu.memory_space<hbm>> -> memref<2048xi32, #tpu.memory_space<hbm>>
      %dma_start3A_48 = tpu.memref_slice %arg4[%mul3A_2] : memref<65536xi32, #tpu.memory_space<hbm>> -> memref<2048xi32, #tpu.memory_space<hbm>>
      tpu.enqueue_dma source(%dma_start3A_48 : memref<2048xi32, #tpu.memory_space<hbm>>) target(%arg7 : memref<2048xi32, #tpu.memory_space<vmem>>) target_semaphore(%run_scoped3A : memref<!tpu.dma_semaphore, #tpu.memory_space<semaphore_mem>>)
      %dma_wait3A_49 = tpu.memref_slice %arg4[%mul3A_2] : memref<65536xi32, #tpu.memory_space<hbm>> -> memref<2048xi32, #tpu.memory_space<hbm>>
      %dma_wait3A_50 = tpu.memref_slice %arg4[%mul3A_2] : memref<65536xi32, #tpu.memory_space<hbm>> -> memref<2048xi32, #tpu.memory_space<hbm>>
      tpu.wait_dma2 semaphore(%run_scoped3A : memref<!tpu.dma_semaphore, #tpu.memory_space<semaphore_mem>>) src(%dma_wait3A_50 : memref<2048xi32, #tpu.memory_space<hbm>>) dst(%arg7 : memref<2048xi32, #tpu.memory_space<vmem>>)
      tpu.yield
    }) : () -> ()
    %min3A = arith.constant 0 : i32
    %min3A_3 = arith.constant 1920 : i32
    %min3A_4 = arith.minsi %min3A, %min3A_3 : i32
    %dma_start3A = tpu.memref_slice %arg7[%min3A_4] : memref<2048xi32, #tpu.memory_space<vmem>> -> memref<128xi32, #tpu.memory_space<vmem>>
    %dma_start3A_5 = arith.constant 0 : i32
    %dma_start3A_6 = arith.constant 0 : i32
    %dma_start3A_7 = tpu.memref_slice %arg2[%dma_start3A_5, %dma_start3A_6] : memref<8192x128xf32, #tpu.memory_space<hbm>> -> memref<8192x128xf32, #tpu.memory_space<hbm>>
    tpu.enqueue_indirect_dma source(%dma_start3A_7 : memref<8192x128xf32, #tpu.memory_space<hbm>>) target(%arg8 : memref<128x128xf32, #tpu.memory_space<vmem>>) offsets(%dma_start3A : memref<128xi32, #tpu.memory_space<vmem>>) semaphore(%arg12 : memref<!tpu.dma_semaphore, #tpu.memory_space<semaphore_mem>>)
    %dma_start3A_8 = tpu.memref_slice %arg7[%min3A_4] : memref<2048xi32, #tpu.memory_space<vmem>> -> memref<128xi32, #tpu.memory_space<vmem>>
    %dma_start3A_9 = arith.constant 0 : i32
    %dma_start3A_10 = arith.constant 0 : i32
    %dma_start3A_11 = tpu.memref_slice %arg3[%dma_start3A_9, %dma_start3A_10] : memref<8192x16xf32, #tpu.memory_space<hbm>> -> memref<8192x16xf32, #tpu.memory_space<hbm>>
    tpu.enqueue_indirect_dma source(%dma_start3A_11 : memref<8192x16xf32, #tpu.memory_space<hbm>>) target(%arg10 : memref<128x16xf32, #tpu.memory_space<vmem>>) offsets(%dma_start3A_8 : memref<128xi32, #tpu.memory_space<vmem>>) semaphore(%arg12 : memref<!tpu.dma_semaphore, #tpu.memory_space<semaphore_mem>>)
    %min3A_12 = arith.constant 128 : i32
    %min3A_13 = arith.constant 1920 : i32
    %min3A_14 = arith.minsi %min3A_12, %min3A_13 : i32
    %dma_start3A_15 = tpu.memref_slice %arg7[%min3A_14] : memref<2048xi32, #tpu.memory_space<vmem>> -> memref<128xi32, #tpu.memory_space<vmem>>
    %dma_start3A_16 = arith.constant 0 : i32
    %dma_start3A_17 = arith.constant 0 : i32
    %dma_start3A_18 = tpu.memref_slice %arg2[%dma_start3A_16, %dma_start3A_17] : memref<8192x128xf32, #tpu.memory_space<hbm>> -> memref<8192x128xf32, #tpu.memory_space<hbm>>
    tpu.enqueue_indirect_dma source(%dma_start3A_18 : memref<8192x128xf32, #tpu.memory_space<hbm>>) target(%arg9 : memref<128x128xf32, #tpu.memory_space<vmem>>) offsets(%dma_start3A_15 : memref<128xi32, #tpu.memory_space<vmem>>) semaphore(%arg13 : memref<!tpu.dma_semaphore, #tpu.memory_space<semaphore_mem>>)
    %dma_start3A_19 = tpu.memref_slice %arg7[%min3A_14] : memref<2048xi32, #tpu.memory_space<vmem>> -> memref<128xi32, #tpu.memory_space<vmem>>
    %dma_start3A_20 = arith.constant 0 : i32
    %dma_start3A_21 = arith.constant 0 : i32
    %dma_start3A_22 = tpu.memref_slice %arg3[%dma_start3A_20, %dma_start3A_21] : memref<8192x16xf32, #tpu.memory_space<hbm>> -> memref<8192x16xf32, #tpu.memory_space<hbm>>
    tpu.enqueue_indirect_dma source(%dma_start3A_22 : memref<8192x16xf32, #tpu.memory_space<hbm>>) target(%arg11 : memref<128x16xf32, #tpu.memory_space<vmem>>) offsets(%dma_start3A_19 : memref<128xi32, #tpu.memory_space<vmem>>) semaphore(%arg13 : memref<!tpu.dma_semaphore, #tpu.memory_space<semaphore_mem>>)
    %scan3A = arith.constant 0 : i32
    %scan3A_23 = arith.constant 0 : i32
    %scan3A_24 = arith.constant 8 : i32
    %scan3A_25 = arith.addi %scan3A_23, %scan3A_24 : i32
    %scan3A_26 = arith.constant 1 : i32
    scf.for %scan3A_47 = %scan3A_23 to %scan3A_25 step %scan3A_26  : i32 {
      %mul3A_48 = arith.constant 2 : i32
      %mul3A_49 = arith.muli %mul3A_48, %scan3A_47 : i32
      %add3A_50 = arith.constant 0 : i32
      %add3A_51 = arith.addi %mul3A_49, %add3A_50 : i32
      %mul3A_52 = arith.constant 128 : i32
      %mul3A_53 = arith.muli %add3A_51, %mul3A_52 : i32
      %add3A_54 = arith.addi %mul3A_2, %mul3A_53 : i32
      %dma_wait3A_55 = arith.constant 0 : i32
      %dma_wait3A_56 = tpu.memref_slice %arg7[%dma_wait3A_55] : memref<2048xi32, #tpu.memory_space<vmem>> -> memref<128xi32, #tpu.memory_space<vmem>>
      %dma_wait3A_57 = arith.constant 0 : i32
      %dma_wait3A_58 = arith.constant 0 : i32
      %dma_wait3A_59 = tpu.memref_slice %arg2[%dma_wait3A_57, %dma_wait3A_58] : memref<8192x128xf32, #tpu.memory_space<hbm>> -> memref<8192x128xf32, #tpu.memory_space<hbm>>
      tpu.wait_indirect_dma semaphore(%arg12 : memref<!tpu.dma_semaphore, #tpu.memory_space<semaphore_mem>>) src(%dma_wait3A_59 : memref<8192x128xf32, #tpu.memory_space<hbm>>) dst(%arg8 : memref<128x128xf32, #tpu.memory_space<vmem>>)
      %dma_wait3A_60 = arith.constant 0 : i32
      %dma_wait3A_61 = tpu.memref_slice %arg7[%dma_wait3A_60] : memref<2048xi32, #tpu.memory_space<vmem>> -> memref<128xi32, #tpu.memory_space<vmem>>
      %dma_wait3A_62 = arith.constant 0 : i32
      %dma_wait3A_63 = arith.constant 0 : i32
      %dma_wait3A_64 = tpu.memref_slice %arg3[%dma_wait3A_62, %dma_wait3A_63] : memref<8192x16xf32, #tpu.memory_space<hbm>> -> memref<8192x16xf32, #tpu.memory_space<hbm>>
      tpu.wait_indirect_dma semaphore(%arg12 : memref<!tpu.dma_semaphore, #tpu.memory_space<semaphore_mem>>) src(%dma_wait3A_64 : memref<8192x16xf32, #tpu.memory_space<hbm>>) dst(%arg10 : memref<128x16xf32, #tpu.memory_space<vmem>>)
      %dma_start3A_65 = arith.constant 0 : i32
      %dma_start3A_66 = tpu.memref_slice %arg5[%add3A_54, %dma_start3A_65] : memref<65536x128xf32, #tpu.memory_space<hbm>> -> memref<128x128xf32, #tpu.memory_space<hbm>>
      %dma_start3A_67 = arith.constant 0 : i32
      %dma_start3A_68 = tpu.memref_slice %arg5[%add3A_54, %dma_start3A_67] : memref<65536x128xf32, #tpu.memory_space<hbm>> -> memref<128x128xf32, #tpu.memory_space<hbm>>
      tpu.enqueue_dma source(%arg8 : memref<128x128xf32, #tpu.memory_space<vmem>>) target(%dma_start3A_68 : memref<128x128xf32, #tpu.memory_space<hbm>>) target_semaphore(%arg14 : memref<!tpu.dma_semaphore, #tpu.memory_space<semaphore_mem>>)
      %dma_start3A_69 = arith.constant 0 : i32
      %dma_start3A_70 = tpu.memref_slice %arg6[%add3A_54, %dma_start3A_69] : memref<65536x16xf32, #tpu.memory_space<hbm>> -> memref<128x16xf32, #tpu.memory_space<hbm>>
      %dma_start3A_71 = arith.constant 0 : i32
      %dma_start3A_72 = tpu.memref_slice %arg6[%add3A_54, %dma_start3A_71] : memref<65536x16xf32, #tpu.memory_space<hbm>> -> memref<128x16xf32, #tpu.memory_space<hbm>>
      tpu.enqueue_dma source(%arg10 : memref<128x16xf32, #tpu.memory_space<vmem>>) target(%dma_start3A_72 : memref<128x16xf32, #tpu.memory_space<hbm>>) target_semaphore(%arg14 : memref<!tpu.dma_semaphore, #tpu.memory_space<semaphore_mem>>)
      %mul3A_73 = arith.constant 2 : i32
      %mul3A_74 = arith.muli %mul3A_73, %scan3A_47 : i32
      %add3A_75 = arith.constant 1 : i32
      %add3A_76 = arith.addi %mul3A_74, %add3A_75 : i32
      %mul3A_77 = arith.constant 128 : i32
      %mul3A_78 = arith.muli %add3A_76, %mul3A_77 : i32
      %add3A_79 = arith.addi %mul3A_2, %mul3A_78 : i32
      %dma_wait3A_80 = arith.constant 0 : i32
      %dma_wait3A_81 = tpu.memref_slice %arg7[%dma_wait3A_80] : memref<2048xi32, #tpu.memory_space<vmem>> -> memref<128xi32, #tpu.memory_space<vmem>>
      %dma_wait3A_82 = arith.constant 0 : i32
      %dma_wait3A_83 = arith.constant 0 : i32
      %dma_wait3A_84 = tpu.memref_slice %arg2[%dma_wait3A_82, %dma_wait3A_83] : memref<8192x128xf32, #tpu.memory_space<hbm>> -> memref<8192x128xf32, #tpu.memory_space<hbm>>
      tpu.wait_indirect_dma semaphore(%arg13 : memref<!tpu.dma_semaphore, #tpu.memory_space<semaphore_mem>>) src(%dma_wait3A_84 : memref<8192x128xf32, #tpu.memory_space<hbm>>) dst(%arg9 : memref<128x128xf32, #tpu.memory_space<vmem>>)
      %dma_wait3A_85 = arith.constant 0 : i32
      %dma_wait3A_86 = tpu.memref_slice %arg7[%dma_wait3A_85] : memref<2048xi32, #tpu.memory_space<vmem>> -> memref<128xi32, #tpu.memory_space<vmem>>
      %dma_wait3A_87 = arith.constant 0 : i32
      %dma_wait3A_88 = arith.constant 0 : i32
      %dma_wait3A_89 = tpu.memref_slice %arg3[%dma_wait3A_87, %dma_wait3A_88] : memref<8192x16xf32, #tpu.memory_space<hbm>> -> memref<8192x16xf32, #tpu.memory_space<hbm>>
      tpu.wait_indirect_dma semaphore(%arg13 : memref<!tpu.dma_semaphore, #tpu.memory_space<semaphore_mem>>) src(%dma_wait3A_89 : memref<8192x16xf32, #tpu.memory_space<hbm>>) dst(%arg11 : memref<128x16xf32, #tpu.memory_space<vmem>>)
      %dma_start3A_90 = arith.constant 0 : i32
      %dma_start3A_91 = tpu.memref_slice %arg5[%add3A_79, %dma_start3A_90] : memref<65536x128xf32, #tpu.memory_space<hbm>> -> memref<128x128xf32, #tpu.memory_space<hbm>>
      %dma_start3A_92 = arith.constant 0 : i32
      %dma_start3A_93 = tpu.memref_slice %arg5[%add3A_79, %dma_start3A_92] : memref<65536x128xf32, #tpu.memory_space<hbm>> -> memref<128x128xf32, #tpu.memory_space<hbm>>
      tpu.enqueue_dma source(%arg9 : memref<128x128xf32, #tpu.memory_space<vmem>>) target(%dma_start3A_93 : memref<128x128xf32, #tpu.memory_space<hbm>>) target_semaphore(%arg15 : memref<!tpu.dma_semaphore, #tpu.memory_space<semaphore_mem>>)
      %dma_start3A_94 = arith.constant 0 : i32
      %dma_start3A_95 = tpu.memref_slice %arg6[%add3A_79, %dma_start3A_94] : memref<65536x16xf32, #tpu.memory_space<hbm>> -> memref<128x16xf32, #tpu.memory_space<hbm>>
      %dma_start3A_96 = arith.constant 0 : i32
      %dma_start3A_97 = tpu.memref_slice %arg6[%add3A_79, %dma_start3A_96] : memref<65536x16xf32, #tpu.memory_space<hbm>> -> memref<128x16xf32, #tpu.memory_space<hbm>>
      tpu.enqueue_dma source(%arg11 : memref<128x16xf32, #tpu.memory_space<vmem>>) target(%dma_start3A_97 : memref<128x16xf32, #tpu.memory_space<hbm>>) target_semaphore(%arg15 : memref<!tpu.dma_semaphore, #tpu.memory_space<semaphore_mem>>)
      %dma_wait3A_98 = arith.constant 0 : i32
      %dma_wait3A_99 = tpu.memref_slice %arg5[%add3A_54, %dma_wait3A_98] : memref<65536x128xf32, #tpu.memory_space<hbm>> -> memref<128x128xf32, #tpu.memory_space<hbm>>
      %dma_wait3A_100 = arith.constant 0 : i32
      %dma_wait3A_101 = tpu.memref_slice %arg5[%add3A_54, %dma_wait3A_100] : memref<65536x128xf32, #tpu.memory_space<hbm>> -> memref<128x128xf32, #tpu.memory_space<hbm>>
      tpu.wait_dma2 semaphore(%arg14 : memref<!tpu.dma_semaphore, #tpu.memory_space<semaphore_mem>>) src(%arg8 : memref<128x128xf32, #tpu.memory_space<vmem>>) dst(%dma_wait3A_101 : memref<128x128xf32, #tpu.memory_space<hbm>>)
      %dma_wait3A_102 = arith.constant 0 : i32
      %dma_wait3A_103 = tpu.memref_slice %arg6[%add3A_54, %dma_wait3A_102] : memref<65536x16xf32, #tpu.memory_space<hbm>> -> memref<128x16xf32, #tpu.memory_space<hbm>>
      %dma_wait3A_104 = arith.constant 0 : i32
      %dma_wait3A_105 = tpu.memref_slice %arg6[%add3A_54, %dma_wait3A_104] : memref<65536x16xf32, #tpu.memory_space<hbm>> -> memref<128x16xf32, #tpu.memory_space<hbm>>
      tpu.wait_dma2 semaphore(%arg14 : memref<!tpu.dma_semaphore, #tpu.memory_space<semaphore_mem>>) src(%arg10 : memref<128x16xf32, #tpu.memory_space<vmem>>) dst(%dma_wait3A_105 : memref<128x16xf32, #tpu.memory_space<hbm>>)
      %mul3A_106 = arith.constant 2 : i32
      %mul3A_107 = arith.muli %mul3A_106, %scan3A_47 : i32
      %add3A_108 = arith.constant 0 : i32
      %add3A_109 = arith.addi %mul3A_107, %add3A_108 : i32
      %add3A_110 = arith.constant 2 : i32
      %add3A_111 = arith.addi %add3A_109, %add3A_110 : i32
      %mul3A_112 = arith.constant 128 : i32
      %mul3A_113 = arith.muli %add3A_111, %mul3A_112 : i32
      %min3A_114 = arith.constant 1920 : i32
      %min3A_115 = arith.minsi %mul3A_113, %min3A_114 : i32
      %dma_start3A_116 = tpu.memref_slice %arg7[%min3A_115] : memref<2048xi32, #tpu.memory_space<vmem>> -> memref<128xi32, #tpu.memory_space<vmem>>
      %dma_start3A_117 = arith.constant 0 : i32
      %dma_start3A_118 = arith.constant 0 : i32
      %dma_start3A_119 = tpu.memref_slice %arg2[%dma_start3A_117, %dma_start3A_118] : memref<8192x128xf32, #tpu.memory_space<hbm>> -> memref<8192x128xf32, #tpu.memory_space<hbm>>
      tpu.enqueue_indirect_dma source(%dma_start3A_119 : memref<8192x128xf32, #tpu.memory_space<hbm>>) target(%arg8 : memref<128x128xf32, #tpu.memory_space<vmem>>) offsets(%dma_start3A_116 : memref<128xi32, #tpu.memory_space<vmem>>) semaphore(%arg12 : memref<!tpu.dma_semaphore, #tpu.memory_space<semaphore_mem>>)
      %dma_start3A_120 = tpu.memref_slice %arg7[%min3A_115] : memref<2048xi32, #tpu.memory_space<vmem>> -> memref<128xi32, #tpu.memory_space<vmem>>
      %dma_start3A_121 = arith.constant 0 : i32
      %dma_start3A_122 = arith.constant 0 : i32
      %dma_start3A_123 = tpu.memref_slice %arg3[%dma_start3A_121, %dma_start3A_122] : memref<8192x16xf32, #tpu.memory_space<hbm>> -> memref<8192x16xf32, #tpu.memory_space<hbm>>
      tpu.enqueue_indirect_dma source(%dma_start3A_123 : memref<8192x16xf32, #tpu.memory_space<hbm>>) target(%arg10 : memref<128x16xf32, #tpu.memory_space<vmem>>) offsets(%dma_start3A_120 : memref<128xi32, #tpu.memory_space<vmem>>) semaphore(%arg12 : memref<!tpu.dma_semaphore, #tpu.memory_space<semaphore_mem>>)
      %dma_wait3A_124 = arith.constant 0 : i32
      %dma_wait3A_125 = tpu.memref_slice %arg5[%add3A_79, %dma_wait3A_124] : memref<65536x128xf32, #tpu.memory_space<hbm>> -> memref<128x128xf32, #tpu.memory_space<hbm>>
      %dma_wait3A_126 = arith.constant 0 : i32
      %dma_wait3A_127 = tpu.memref_slice %arg5[%add3A_79, %dma_wait3A_126] : memref<65536x128xf32, #tpu.memory_space<hbm>> -> memref<128x128xf32, #tpu.memory_space<hbm>>
      tpu.wait_dma2 semaphore(%arg15 : memref<!tpu.dma_semaphore, #tpu.memory_space<semaphore_mem>>) src(%arg9 : memref<128x128xf32, #tpu.memory_space<vmem>>) dst(%dma_wait3A_127 : memref<128x128xf32, #tpu.memory_space<hbm>>)
      %dma_wait3A_128 = arith.constant 0 : i32
      %dma_wait3A_129 = tpu.memref_slice %arg6[%add3A_79, %dma_wait3A_128] : memref<65536x16xf32, #tpu.memory_space<hbm>> -> memref<128x16xf32, #tpu.memory_space<hbm>>
      %dma_wait3A_130 = arith.constant 0 : i32
      %dma_wait3A_131 = tpu.memref_slice %arg6[%add3A_79, %dma_wait3A_130] : memref<65536x16xf32, #tpu.memory_space<hbm>> -> memref<128x16xf32, #tpu.memory_space<hbm>>
      tpu.wait_dma2 semaphore(%arg15 : memref<!tpu.dma_semaphore, #tpu.memory_space<semaphore_mem>>) src(%arg11 : memref<128x16xf32, #tpu.memory_space<vmem>>) dst(%dma_wait3A_131 : memref<128x16xf32, #tpu.memory_space<hbm>>)
      %mul3A_132 = arith.constant 2 : i32
      %mul3A_133 = arith.muli %mul3A_132, %scan3A_47 : i32
      %add3A_134 = arith.constant 1 : i32
      %add3A_135 = arith.addi %mul3A_133, %add3A_134 : i32
      %add3A_136 = arith.constant 2 : i32
      %add3A_137 = arith.addi %add3A_135, %add3A_136 : i32
      %mul3A_138 = arith.constant 128 : i32
      %mul3A_139 = arith.muli %add3A_137, %mul3A_138 : i32
      %min3A_140 = arith.constant 1920 : i32
      %min3A_141 = arith.minsi %mul3A_139, %min3A_140 : i32
      %dma_start3A_142 = tpu.memref_slice %arg7[%min3A_141] : memref<2048xi32, #tpu.memory_space<vmem>> -> memref<128xi32, #tpu.memory_space<vmem>>
      %dma_start3A_143 = arith.constant 0 : i32
      %dma_start3A_144 = arith.constant 0 : i32
      %dma_start3A_145 = tpu.memref_slice %arg2[%dma_start3A_143, %dma_start3A_144] : memref<8192x128xf32, #tpu.memory_space<hbm>> -> memref<8192x128xf32, #tpu.memory_space<hbm>>
      tpu.enqueue_indirect_dma source(%dma_start3A_145 : memref<8192x128xf32, #tpu.memory_space<hbm>>) target(%arg9 : memref<128x128xf32, #tpu.memory_space<vmem>>) offsets(%dma_start3A_142 : memref<128xi32, #tpu.memory_space<vmem>>) semaphore(%arg13 : memref<!tpu.dma_semaphore, #tpu.memory_space<semaphore_mem>>)
      %dma_start3A_146 = tpu.memref_slice %arg7[%min3A_141] : memref<2048xi32, #tpu.memory_space<vmem>> -> memref<128xi32, #tpu.memory_space<vmem>>
      %dma_start3A_147 = arith.constant 0 : i32
      %dma_start3A_148 = arith.constant 0 : i32
      %dma_start3A_149 = tpu.memref_slice %arg3[%dma_start3A_147, %dma_start3A_148] : memref<8192x16xf32, #tpu.memory_space<hbm>> -> memref<8192x16xf32, #tpu.memory_space<hbm>>
      tpu.enqueue_indirect_dma source(%dma_start3A_149 : memref<8192x16xf32, #tpu.memory_space<hbm>>) target(%arg11 : memref<128x16xf32, #tpu.memory_space<vmem>>) offsets(%dma_start3A_146 : memref<128xi32, #tpu.memory_space<vmem>>) semaphore(%arg13 : memref<!tpu.dma_semaphore, #tpu.memory_space<semaphore_mem>>)
    }
    %scan3A_27 = arith.constant 8 : i32
    %dma_wait3A = arith.constant 0 : i32
    %dma_wait3A_28 = tpu.memref_slice %arg7[%dma_wait3A] : memref<2048xi32, #tpu.memory_space<vmem>> -> memref<128xi32, #tpu.memory_space<vmem>>
    %dma_wait3A_29 = arith.constant 0 : i32
    %dma_wait3A_30 = arith.constant 0 : i32
    %dma_wait3A_31 = tpu.memref_slice %arg2[%dma_wait3A_29, %dma_wait3A_30] : memref<8192x128xf32, #tpu.memory_space<hbm>> -> memref<8192x128xf32, #tpu.memory_space<hbm>>
    tpu.wait_indirect_dma semaphore(%arg12 : memref<!tpu.dma_semaphore, #tpu.memory_space<semaphore_mem>>) src(%dma_wait3A_31 : memref<8192x128xf32, #tpu.memory_space<hbm>>) dst(%arg8 : memref<128x128xf32, #tpu.memory_space<vmem>>)
    %dma_wait3A_32 = arith.constant 0 : i32
    %dma_wait3A_33 = tpu.memref_slice %arg7[%dma_wait3A_32] : memref<2048xi32, #tpu.memory_space<vmem>> -> memref<128xi32, #tpu.memory_space<vmem>>
    %dma_wait3A_34 = arith.constant 0 : i32
    %dma_wait3A_35 = arith.constant 0 : i32
    %dma_wait3A_36 = tpu.memref_slice %arg3[%dma_wait3A_34, %dma_wait3A_35] : memref<8192x16xf32, #tpu.memory_space<hbm>> -> memref<8192x16xf32, #tpu.memory_space<hbm>>
    tpu.wait_indirect_dma semaphore(%arg12 : memref<!tpu.dma_semaphore, #tpu.memory_space<semaphore_mem>>) src(%dma_wait3A_36 : memref<8192x16xf32, #tpu.memory_space<hbm>>) dst(%arg10 : memref<128x16xf32, #tpu.memory_space<vmem>>)
    %dma_wait3A_37 = arith.constant 0 : i32
    %dma_wait3A_38 = tpu.memref_slice %arg7[%dma_wait3A_37] : memref<2048xi32, #tpu.memory_space<vmem>> -> memref<128xi32, #tpu.memory_space<vmem>>
    %dma_wait3A_39 = arith.constant 0 : i32
    %dma_wait3A_40 = arith.constant 0 : i32
    %dma_wait3A_41 = tpu.memref_slice %arg2[%dma_wait3A_39, %dma_wait3A_40] : memref<8192x128xf32, #tpu.memory_space<hbm>> -> memref<8192x128xf32, #tpu.memory_space<hbm>>
    tpu.wait_indirect_dma semaphore(%arg13 : memref<!tpu.dma_semaphore, #tpu.memory_space<semaphore_mem>>) src(%dma_wait3A_41 : memref<8192x128xf32, #tpu.memory_space<hbm>>) dst(%arg9 : memref<128x128xf32, #tpu.memory_space<vmem>>)
    %dma_wait3A_42 = arith.constant 0 : i32
    %dma_wait3A_43 = tpu.memref_slice %arg7[%dma_wait3A_42] : memref<2048xi32, #tpu.memory_space<vmem>> -> memref<128xi32, #tpu.memory_space<vmem>>
    %dma_wait3A_44 = arith.constant 0 : i32
    %dma_wait3A_45 = arith.constant 0 : i32
    %dma_wait3A_46 = tpu.memref_slice %arg3[%dma_wait3A_44, %dma_wait3A_45] : memref<8192x16xf32, #tpu.memory_space<hbm>> -> memref<8192x16xf32, #tpu.memory_space<hbm>>
    tpu.wait_indirect_dma semaphore(%arg13 : memref<!tpu.dma_semaphore, #tpu.memory_space<semaphore_mem>>) src(%dma_wait3A_46 : memref<8192x16xf32, #tpu.memory_space<hbm>>) dst(%arg11 : memref<128x16xf32, #tpu.memory_space<vmem>>)
    return
  }
}

module attributes {stable_mosaic.version = 14 : i64} {
  func.func @_knn_body(%arg0: i32, %arg1: i32, %arg2: memref<1x512x16xf32, #tpu.memory_space<vmem>>, %arg3: memref<1x16x2048xf32, #tpu.memory_space<vmem>>, %arg4: memref<1x512x16xi32, #tpu.memory_space<vmem>>) attributes {dimension_semantics = [#tpu.dimension_semantics<arbitrary>, #tpu.dimension_semantics<arbitrary>], iteration_bounds = array<i64: 2, 4>, scalar_prefetch = 0 : i64, scratch_operands = 0 : i64, tpu.core_type = #tpu.core_type<tc>, window_params = [{transform_indices = @transform_0, window_bounds = array<i64: 1, 512, 16>}, {transform_indices = @transform_1, window_bounds = array<i64: 1, 16, 2048>}, {transform_indices = @transform_2, window_bounds = array<i64: 1, 512, 16>}]} {
    %add3A = arith.constant 2 : i32
    %add3A_0 = arith.addi %arg0, %add3A : i32
    %get3A = arith.constant 0 : index
    %get3A_1 = arith.constant 0 : index
    %get3A_2 = arith.constant 0 : index
    %get3A_3 = vector.load %arg2[%get3A, %get3A_1, %get3A_2] : memref<1x512x16xf32, #tpu.memory_space<vmem>>, vector<1x512x16xf32>
    %get3A_4 = vector.shape_cast %get3A_3 : vector<1x512x16xf32> to vector<512x16xf32>
    %get3A_5 = arith.constant 0 : index
    %get3A_6 = arith.constant 0 : index
    %get3A_7 = arith.constant 0 : index
    %get3A_8 = vector.load %arg3[%get3A_5, %get3A_6, %get3A_7] : memref<1x16x2048xf32, #tpu.memory_space<vmem>>, vector<1x16x2048xf32>
    %get3A_9 = vector.shape_cast %get3A_8 : vector<1x16x2048xf32> to vector<16x2048xf32>
    %slice3A = vector.extract_strided_slice %get3A_4 {offsets = [0, 0], sizes = [512, 1], strides = [1, 1]} : vector<512x16xf32> to vector<512x1xf32>
    %slice3A_10 = vector.extract_strided_slice %get3A_9 {offsets = [0, 0], sizes = [1, 2048], strides = [1, 1]} : vector<16x2048xf32> to vector<1x2048xf32>
    %sub3A = vector.broadcast %slice3A : vector<512x1xf32> to vector<512x2048xf32>
    %sub3A_11 = vector.broadcast %slice3A_10 : vector<1x2048xf32> to vector<512x2048xf32>
    %sub3A_12 = arith.subf %sub3A, %sub3A_11 : vector<512x2048xf32>
    %mul3A = arith.mulf %sub3A_12, %sub3A_12 : vector<512x2048xf32>
    %slice3A_13 = vector.extract_strided_slice %get3A_4 {offsets = [0, 1], sizes = [512, 1], strides = [1, 1]} : vector<512x16xf32> to vector<512x1xf32>
    %slice3A_14 = vector.extract_strided_slice %get3A_9 {offsets = [1, 0], sizes = [1, 2048], strides = [1, 1]} : vector<16x2048xf32> to vector<1x2048xf32>
    %sub3A_15 = vector.broadcast %slice3A_13 : vector<512x1xf32> to vector<512x2048xf32>
    %sub3A_16 = vector.broadcast %slice3A_14 : vector<1x2048xf32> to vector<512x2048xf32>
    %sub3A_17 = arith.subf %sub3A_15, %sub3A_16 : vector<512x2048xf32>
    %mul3A_18 = arith.mulf %sub3A_17, %sub3A_17 : vector<512x2048xf32>
    %add3A_19 = arith.addf %mul3A, %mul3A_18 : vector<512x2048xf32>
    %slice3A_20 = vector.extract_strided_slice %get3A_4 {offsets = [0, 2], sizes = [512, 1], strides = [1, 1]} : vector<512x16xf32> to vector<512x1xf32>
    %slice3A_21 = vector.extract_strided_slice %get3A_9 {offsets = [2, 0], sizes = [1, 2048], strides = [1, 1]} : vector<16x2048xf32> to vector<1x2048xf32>
    %sub3A_22 = vector.broadcast %slice3A_20 : vector<512x1xf32> to vector<512x2048xf32>
    %sub3A_23 = vector.broadcast %slice3A_21 : vector<1x2048xf32> to vector<512x2048xf32>
    %sub3A_24 = arith.subf %sub3A_22, %sub3A_23 : vector<512x2048xf32>
    %mul3A_25 = arith.mulf %sub3A_24, %sub3A_24 : vector<512x2048xf32>
    %add3A_26 = arith.addf %add3A_19, %mul3A_25 : vector<512x2048xf32>
    %iota3A = tpu.iota {dimensions = array<i32: 1>} : vector<512x512xi32>
    %convert_element_type3A = arith.sitofp %iota3A : vector<512x512xi32> to vector<512x512xf32>
    %slice3A_27 = vector.extract_strided_slice %add3A_26 {offsets = [0, 0], sizes = [512, 512], strides = [1, 1]} : vector<512x2048xf32> to vector<512x512xf32>
    %slice3A_28 = vector.extract_strided_slice %add3A_26 {offsets = [0, 512], sizes = [512, 512], strides = [1, 1]} : vector<512x2048xf32> to vector<512x512xf32>
    %slice3A_29 = vector.extract_strided_slice %add3A_26 {offsets = [0, 1024], sizes = [512, 512], strides = [1, 1]} : vector<512x2048xf32> to vector<512x512xf32>
    %slice3A_30 = vector.extract_strided_slice %add3A_26 {offsets = [0, 1536], sizes = [512, 512], strides = [1, 1]} : vector<512x2048xf32> to vector<512x512xf32>
    %add3A_31 = arith.constant 5.120000e+02 : f32
    %add3A_32 = vector.broadcast %add3A_31 : f32 to vector<512x512xf32>
    %add3A_33 = arith.addf %convert_element_type3A, %add3A_32 : vector<512x512xf32>
    %add3A_34 = arith.constant 1.024000e+03 : f32
    %add3A_35 = vector.broadcast %add3A_34 : f32 to vector<512x512xf32>
    %add3A_36 = arith.addf %convert_element_type3A, %add3A_35 : vector<512x512xf32>
    %add3A_37 = arith.constant 1.536000e+03 : f32
    %add3A_38 = vector.broadcast %add3A_37 : f32 to vector<512x512xf32>
    %add3A_39 = arith.addf %convert_element_type3A, %add3A_38 : vector<512x512xf32>
    %lt3A = arith.cmpf olt, %slice3A_28, %slice3A_27 : vector<512x512xf32>
    %min3A = arith.minimumf %slice3A_27, %slice3A_28 : vector<512x512xf32>
    %select_n3A = arith.select %lt3A, %add3A_33, %convert_element_type3A : vector<512x512xi1>, vector<512x512xf32>
    %max3A = arith.maximumf %slice3A_27, %slice3A_28 : vector<512x512xf32>
    %select_n3A_40 = arith.select %lt3A, %convert_element_type3A, %add3A_33 : vector<512x512xi1>, vector<512x512xf32>
    %lt3A_41 = arith.cmpf olt, %slice3A_29, %min3A : vector<512x512xf32>
    %max3A_42 = arith.maximumf %slice3A_29, %min3A : vector<512x512xf32>
    %select_n3A_43 = arith.select %lt3A_41, %select_n3A, %add3A_36 : vector<512x512xi1>, vector<512x512xf32>
    %min3A_44 = arith.minimumf %slice3A_29, %min3A : vector<512x512xf32>
    %select_n3A_45 = arith.select %lt3A_41, %add3A_36, %select_n3A : vector<512x512xi1>, vector<512x512xf32>
    %lt3A_46 = arith.cmpf olt, %max3A_42, %max3A : vector<512x512xf32>
    %max3A_47 = arith.maximumf %max3A_42, %max3A : vector<512x512xf32>
    %select_n3A_48 = arith.select %lt3A_46, %select_n3A_40, %select_n3A_43 : vector<512x512xi1>, vector<512x512xf32>
    %min3A_49 = arith.minimumf %max3A_42, %max3A : vector<512x512xf32>
    %select_n3A_50 = arith.select %lt3A_46, %select_n3A_43, %select_n3A_40 : vector<512x512xi1>, vector<512x512xf32>
    %lt3A_51 = arith.cmpf olt, %slice3A_30, %min3A_44 : vector<512x512xf32>
    %max3A_52 = arith.maximumf %slice3A_30, %min3A_44 : vector<512x512xf32>
    %select_n3A_53 = arith.select %lt3A_51, %select_n3A_45, %add3A_39 : vector<512x512xi1>, vector<512x512xf32>
    %min3A_54 = arith.minimumf %slice3A_30, %min3A_44 : vector<512x512xf32>
    %select_n3A_55 = arith.select %lt3A_51, %add3A_39, %select_n3A_45 : vector<512x512xi1>, vector<512x512xf32>
    %lt3A_56 = arith.cmpf olt, %max3A_52, %min3A_49 : vector<512x512xf32>
    %max3A_57 = arith.maximumf %max3A_52, %min3A_49 : vector<512x512xf32>
    %select_n3A_58 = arith.select %lt3A_56, %select_n3A_50, %select_n3A_53 : vector<512x512xi1>, vector<512x512xf32>
    %min3A_59 = arith.minimumf %max3A_52, %min3A_49 : vector<512x512xf32>
    %select_n3A_60 = arith.select %lt3A_56, %select_n3A_53, %select_n3A_50 : vector<512x512xi1>, vector<512x512xf32>
    %lt3A_61 = arith.cmpf olt, %max3A_57, %max3A_47 : vector<512x512xf32>
    %select_n3A_62 = arith.select %lt3A_61, %select_n3A_58, %select_n3A_48 : vector<512x512xi1>, vector<512x512xf32>
    %min3A_63 = arith.minimumf %max3A_57, %max3A_47 : vector<512x512xf32>
    %slice3A_64 = vector.extract_strided_slice %min3A_54 {offsets = [0, 0], sizes = [512, 128], strides = [1, 1]} : vector<512x512xf32> to vector<512x128xf32>
    %slice3A_65 = vector.extract_strided_slice %select_n3A_55 {offsets = [0, 0], sizes = [512, 128], strides = [1, 1]} : vector<512x512xf32> to vector<512x128xf32>
    %slice3A_66 = vector.extract_strided_slice %min3A_59 {offsets = [0, 0], sizes = [512, 128], strides = [1, 1]} : vector<512x512xf32> to vector<512x128xf32>
    %slice3A_67 = vector.extract_strided_slice %select_n3A_60 {offsets = [0, 0], sizes = [512, 128], strides = [1, 1]} : vector<512x512xf32> to vector<512x128xf32>
    %slice3A_68 = vector.extract_strided_slice %min3A_63 {offsets = [0, 0], sizes = [512, 128], strides = [1, 1]} : vector<512x512xf32> to vector<512x128xf32>
    %slice3A_69 = vector.extract_strided_slice %select_n3A_62 {offsets = [0, 0], sizes = [512, 128], strides = [1, 1]} : vector<512x512xf32> to vector<512x128xf32>
    %slice3A_70 = vector.extract_strided_slice %min3A_54 {offsets = [0, 128], sizes = [512, 128], strides = [1, 1]} : vector<512x512xf32> to vector<512x128xf32>
    %slice3A_71 = vector.extract_strided_slice %select_n3A_55 {offsets = [0, 128], sizes = [512, 128], strides = [1, 1]} : vector<512x512xf32> to vector<512x128xf32>
    %slice3A_72 = vector.extract_strided_slice %min3A_59 {offsets = [0, 128], sizes = [512, 128], strides = [1, 1]} : vector<512x512xf32> to vector<512x128xf32>
    %slice3A_73 = vector.extract_strided_slice %select_n3A_60 {offsets = [0, 128], sizes = [512, 128], strides = [1, 1]} : vector<512x512xf32> to vector<512x128xf32>
    %slice3A_74 = vector.extract_strided_slice %min3A_63 {offsets = [0, 128], sizes = [512, 128], strides = [1, 1]} : vector<512x512xf32> to vector<512x128xf32>
    %slice3A_75 = vector.extract_strided_slice %select_n3A_62 {offsets = [0, 128], sizes = [512, 128], strides = [1, 1]} : vector<512x512xf32> to vector<512x128xf32>
    %slice3A_76 = vector.extract_strided_slice %min3A_54 {offsets = [0, 256], sizes = [512, 128], strides = [1, 1]} : vector<512x512xf32> to vector<512x128xf32>
    %slice3A_77 = vector.extract_strided_slice %select_n3A_55 {offsets = [0, 256], sizes = [512, 128], strides = [1, 1]} : vector<512x512xf32> to vector<512x128xf32>
    %slice3A_78 = vector.extract_strided_slice %min3A_59 {offsets = [0, 256], sizes = [512, 128], strides = [1, 1]} : vector<512x512xf32> to vector<512x128xf32>
    %slice3A_79 = vector.extract_strided_slice %select_n3A_60 {offsets = [0, 256], sizes = [512, 128], strides = [1, 1]} : vector<512x512xf32> to vector<512x128xf32>
    %slice3A_80 = vector.extract_strided_slice %min3A_63 {offsets = [0, 256], sizes = [512, 128], strides = [1, 1]} : vector<512x512xf32> to vector<512x128xf32>
    %slice3A_81 = vector.extract_strided_slice %select_n3A_62 {offsets = [0, 256], sizes = [512, 128], strides = [1, 1]} : vector<512x512xf32> to vector<512x128xf32>
    %slice3A_82 = vector.extract_strided_slice %min3A_54 {offsets = [0, 384], sizes = [512, 128], strides = [1, 1]} : vector<512x512xf32> to vector<512x128xf32>
    %slice3A_83 = vector.extract_strided_slice %select_n3A_55 {offsets = [0, 384], sizes = [512, 128], strides = [1, 1]} : vector<512x512xf32> to vector<512x128xf32>
    %slice3A_84 = vector.extract_strided_slice %min3A_59 {offsets = [0, 384], sizes = [512, 128], strides = [1, 1]} : vector<512x512xf32> to vector<512x128xf32>
    %slice3A_85 = vector.extract_strided_slice %select_n3A_60 {offsets = [0, 384], sizes = [512, 128], strides = [1, 1]} : vector<512x512xf32> to vector<512x128xf32>
    %slice3A_86 = vector.extract_strided_slice %min3A_63 {offsets = [0, 384], sizes = [512, 128], strides = [1, 1]} : vector<512x512xf32> to vector<512x128xf32>
    %slice3A_87 = vector.extract_strided_slice %select_n3A_62 {offsets = [0, 384], sizes = [512, 128], strides = [1, 1]} : vector<512x512xf32> to vector<512x128xf32>
    %lt3A_88 = arith.cmpf olt, %slice3A_74, %slice3A_64 : vector<512x128xf32>
    %min3A_89 = arith.minimumf %slice3A_64, %slice3A_74 : vector<512x128xf32>
    %select_n3A_90 = arith.select %lt3A_88, %slice3A_75, %slice3A_65 : vector<512x128xi1>, vector<512x128xf32>
    %max3A_91 = arith.maximumf %slice3A_64, %slice3A_74 : vector<512x128xf32>
    %select_n3A_92 = arith.select %lt3A_88, %slice3A_65, %slice3A_75 : vector<512x128xi1>, vector<512x128xf32>
    %lt3A_93 = arith.cmpf olt, %slice3A_72, %slice3A_66 : vector<512x128xf32>
    %min3A_94 = arith.minimumf %slice3A_66, %slice3A_72 : vector<512x128xf32>
    %select_n3A_95 = arith.select %lt3A_93, %slice3A_73, %slice3A_67 : vector<512x128xi1>, vector<512x128xf32>
    %max3A_96 = arith.maximumf %slice3A_66, %slice3A_72 : vector<512x128xf32>
    %select_n3A_97 = arith.select %lt3A_93, %slice3A_67, %slice3A_73 : vector<512x128xi1>, vector<512x128xf32>
    %lt3A_98 = arith.cmpf olt, %slice3A_70, %slice3A_68 : vector<512x128xf32>
    %min3A_99 = arith.minimumf %slice3A_68, %slice3A_70 : vector<512x128xf32>
    %select_n3A_100 = arith.select %lt3A_98, %slice3A_71, %slice3A_69 : vector<512x128xi1>, vector<512x128xf32>
    %max3A_101 = arith.maximumf %slice3A_68, %slice3A_70 : vector<512x128xf32>
    %select_n3A_102 = arith.select %lt3A_98, %slice3A_69, %slice3A_71 : vector<512x128xi1>, vector<512x128xf32>
    %lt3A_103 = arith.cmpf olt, %min3A_94, %min3A_89 : vector<512x128xf32>
    %min3A_104 = arith.minimumf %min3A_89, %min3A_94 : vector<512x128xf32>
    %select_n3A_105 = arith.select %lt3A_103, %select_n3A_95, %select_n3A_90 : vector<512x128xi1>, vector<512x128xf32>
    %max3A_106 = arith.maximumf %min3A_89, %min3A_94 : vector<512x128xf32>
    %select_n3A_107 = arith.select %lt3A_103, %select_n3A_90, %select_n3A_95 : vector<512x128xi1>, vector<512x128xf32>
    %lt3A_108 = arith.cmpf olt, %min3A_99, %max3A_106 : vector<512x128xf32>
    %min3A_109 = arith.minimumf %max3A_106, %min3A_99 : vector<512x128xf32>
    %select_n3A_110 = arith.select %lt3A_108, %select_n3A_100, %select_n3A_107 : vector<512x128xi1>, vector<512x128xf32>
    %max3A_111 = arith.maximumf %max3A_106, %min3A_99 : vector<512x128xf32>
    %select_n3A_112 = arith.select %lt3A_108, %select_n3A_107, %select_n3A_100 : vector<512x128xi1>, vector<512x128xf32>
    %lt3A_113 = arith.cmpf olt, %min3A_109, %min3A_104 : vector<512x128xf32>
    %min3A_114 = arith.minimumf %min3A_104, %min3A_109 : vector<512x128xf32>
    %select_n3A_115 = arith.select %lt3A_113, %select_n3A_110, %select_n3A_105 : vector<512x128xi1>, vector<512x128xf32>
    %max3A_116 = arith.maximumf %min3A_104, %min3A_109 : vector<512x128xf32>
    %select_n3A_117 = arith.select %lt3A_113, %select_n3A_105, %select_n3A_110 : vector<512x128xi1>, vector<512x128xf32>
    %lt3A_118 = arith.cmpf olt, %max3A_96, %max3A_91 : vector<512x128xf32>
    %min3A_119 = arith.minimumf %max3A_91, %max3A_96 : vector<512x128xf32>
    %select_n3A_120 = arith.select %lt3A_118, %select_n3A_97, %select_n3A_92 : vector<512x128xi1>, vector<512x128xf32>
    %max3A_121 = arith.maximumf %max3A_91, %max3A_96 : vector<512x128xf32>
    %select_n3A_122 = arith.select %lt3A_118, %select_n3A_92, %select_n3A_97 : vector<512x128xi1>, vector<512x128xf32>
    %lt3A_123 = arith.cmpf olt, %max3A_101, %max3A_121 : vector<512x128xf32>
    %min3A_124 = arith.minimumf %max3A_121, %max3A_101 : vector<512x128xf32>
    %select_n3A_125 = arith.select %lt3A_123, %select_n3A_102, %select_n3A_122 : vector<512x128xi1>, vector<512x128xf32>
    %max3A_126 = arith.maximumf %max3A_121, %max3A_101 : vector<512x128xf32>
    %select_n3A_127 = arith.select %lt3A_123, %select_n3A_122, %select_n3A_102 : vector<512x128xi1>, vector<512x128xf32>
    %lt3A_128 = arith.cmpf olt, %min3A_124, %min3A_119 : vector<512x128xf32>
    %min3A_129 = arith.minimumf %min3A_119, %min3A_124 : vector<512x128xf32>
    %select_n3A_130 = arith.select %lt3A_128, %select_n3A_125, %select_n3A_120 : vector<512x128xi1>, vector<512x128xf32>
    %max3A_131 = arith.maximumf %min3A_119, %min3A_124 : vector<512x128xf32>
    %select_n3A_132 = arith.select %lt3A_128, %select_n3A_120, %select_n3A_125 : vector<512x128xi1>, vector<512x128xf32>
    %lt3A_133 = arith.cmpf olt, %slice3A_86, %slice3A_76 : vector<512x128xf32>
    %min3A_134 = arith.minimumf %slice3A_76, %slice3A_86 : vector<512x128xf32>
    %select_n3A_135 = arith.select %lt3A_133, %slice3A_87, %slice3A_77 : vector<512x128xi1>, vector<512x128xf32>
    %max3A_136 = arith.maximumf %slice3A_76, %slice3A_86 : vector<512x128xf32>
    %select_n3A_137 = arith.select %lt3A_133, %slice3A_77, %slice3A_87 : vector<512x128xi1>, vector<512x128xf32>
    %lt3A_138 = arith.cmpf olt, %slice3A_84, %slice3A_78 : vector<512x128xf32>
    %min3A_139 = arith.minimumf %slice3A_78, %slice3A_84 : vector<512x128xf32>
    %select_n3A_140 = arith.select %lt3A_138, %slice3A_85, %slice3A_79 : vector<512x128xi1>, vector<512x128xf32>
    %max3A_141 = arith.maximumf %slice3A_78, %slice3A_84 : vector<512x128xf32>
    %select_n3A_142 = arith.select %lt3A_138, %slice3A_79, %slice3A_85 : vector<512x128xi1>, vector<512x128xf32>
    %lt3A_143 = arith.cmpf olt, %slice3A_82, %slice3A_80 : vector<512x128xf32>
    %min3A_144 = arith.minimumf %slice3A_80, %slice3A_82 : vector<512x128xf32>
    %select_n3A_145 = arith.select %lt3A_143, %slice3A_83, %slice3A_81 : vector<512x128xi1>, vector<512x128xf32>
    %max3A_146 = arith.maximumf %slice3A_80, %slice3A_82 : vector<512x128xf32>
    %select_n3A_147 = arith.select %lt3A_143, %slice3A_81, %slice3A_83 : vector<512x128xi1>, vector<512x128xf32>
    %lt3A_148 = arith.cmpf olt, %min3A_139, %min3A_134 : vector<512x128xf32>
    %min3A_149 = arith.minimumf %min3A_134, %min3A_139 : vector<512x128xf32>
    %select_n3A_150 = arith.select %lt3A_148, %select_n3A_140, %select_n3A_135 : vector<512x128xi1>, vector<512x128xf32>
    %max3A_151 = arith.maximumf %min3A_134, %min3A_139 : vector<512x128xf32>
    %select_n3A_152 = arith.select %lt3A_148, %select_n3A_135, %select_n3A_140 : vector<512x128xi1>, vector<512x128xf32>
    %lt3A_153 = arith.cmpf olt, %min3A_144, %max3A_151 : vector<512x128xf32>
    %min3A_154 = arith.minimumf %max3A_151, %min3A_144 : vector<512x128xf32>
    %select_n3A_155 = arith.select %lt3A_153, %select_n3A_145, %select_n3A_152 : vector<512x128xi1>, vector<512x128xf32>
    %max3A_156 = arith.maximumf %max3A_151, %min3A_144 : vector<512x128xf32>
    %select_n3A_157 = arith.select %lt3A_153, %select_n3A_152, %select_n3A_145 : vector<512x128xi1>, vector<512x128xf32>
    %lt3A_158 = arith.cmpf olt, %min3A_154, %min3A_149 : vector<512x128xf32>
    %min3A_159 = arith.minimumf %min3A_149, %min3A_154 : vector<512x128xf32>
    %select_n3A_160 = arith.select %lt3A_158, %select_n3A_155, %select_n3A_150 : vector<512x128xi1>, vector<512x128xf32>
    %max3A_161 = arith.maximumf %min3A_149, %min3A_154 : vector<512x128xf32>
    %select_n3A_162 = arith.select %lt3A_158, %select_n3A_150, %select_n3A_155 : vector<512x128xi1>, vector<512x128xf32>
    %lt3A_163 = arith.cmpf olt, %max3A_141, %max3A_136 : vector<512x128xf32>
    %min3A_164 = arith.minimumf %max3A_136, %max3A_141 : vector<512x128xf32>
    %select_n3A_165 = arith.select %lt3A_163, %select_n3A_142, %select_n3A_137 : vector<512x128xi1>, vector<512x128xf32>
    %max3A_166 = arith.maximumf %max3A_136, %max3A_141 : vector<512x128xf32>
    %select_n3A_167 = arith.select %lt3A_163, %select_n3A_137, %select_n3A_142 : vector<512x128xi1>, vector<512x128xf32>
    %lt3A_168 = arith.cmpf olt, %max3A_146, %max3A_166 : vector<512x128xf32>
    %min3A_169 = arith.minimumf %max3A_166, %max3A_146 : vector<512x128xf32>
    %select_n3A_170 = arith.select %lt3A_168, %select_n3A_147, %select_n3A_167 : vector<512x128xi1>, vector<512x128xf32>
    %max3A_171 = arith.maximumf %max3A_166, %max3A_146 : vector<512x128xf32>
    %select_n3A_172 = arith.select %lt3A_168, %select_n3A_167, %select_n3A_147 : vector<512x128xi1>, vector<512x128xf32>
    %lt3A_173 = arith.cmpf olt, %min3A_169, %min3A_164 : vector<512x128xf32>
    %min3A_174 = arith.minimumf %min3A_164, %min3A_169 : vector<512x128xf32>
    %select_n3A_175 = arith.select %lt3A_173, %select_n3A_170, %select_n3A_165 : vector<512x128xi1>, vector<512x128xf32>
    %max3A_176 = arith.maximumf %min3A_164, %min3A_169 : vector<512x128xf32>
    %select_n3A_177 = arith.select %lt3A_173, %select_n3A_165, %select_n3A_170 : vector<512x128xi1>, vector<512x128xf32>
    %lt3A_178 = arith.cmpf olt, %max3A_171, %min3A_114 : vector<512x128xf32>
    %min3A_179 = arith.minimumf %min3A_114, %max3A_171 : vector<512x128xf32>
    %select_n3A_180 = arith.select %lt3A_178, %select_n3A_172, %select_n3A_115 : vector<512x128xi1>, vector<512x128xf32>
    %lt3A_181 = arith.cmpf olt, %max3A_176, %max3A_116 : vector<512x128xf32>
    %min3A_182 = arith.minimumf %max3A_116, %max3A_176 : vector<512x128xf32>
    %select_n3A_183 = arith.select %lt3A_181, %select_n3A_177, %select_n3A_117 : vector<512x128xi1>, vector<512x128xf32>
    %lt3A_184 = arith.cmpf olt, %min3A_174, %max3A_111 : vector<512x128xf32>
    %min3A_185 = arith.minimumf %max3A_111, %min3A_174 : vector<512x128xf32>
    %select_n3A_186 = arith.select %lt3A_184, %select_n3A_175, %select_n3A_112 : vector<512x128xi1>, vector<512x128xf32>
    %lt3A_187 = arith.cmpf olt, %max3A_156, %min3A_129 : vector<512x128xf32>
    %min3A_188 = arith.minimumf %min3A_129, %max3A_156 : vector<512x128xf32>
    %select_n3A_189 = arith.select %lt3A_187, %select_n3A_157, %select_n3A_130 : vector<512x128xi1>, vector<512x128xf32>
    %lt3A_190 = arith.cmpf olt, %max3A_161, %max3A_131 : vector<512x128xf32>
    %min3A_191 = arith.minimumf %max3A_131, %max3A_161 : vector<512x128xf32>
    %select_n3A_192 = arith.select %lt3A_190, %select_n3A_162, %select_n3A_132 : vector<512x128xi1>, vector<512x128xf32>
    %lt3A_193 = arith.cmpf olt, %min3A_159, %max3A_126 : vector<512x128xf32>
    %min3A_194 = arith.minimumf %max3A_126, %min3A_159 : vector<512x128xf32>
    %select_n3A_195 = arith.select %lt3A_193, %select_n3A_160, %select_n3A_127 : vector<512x128xi1>, vector<512x128xf32>
    %lt3A_196 = arith.cmpf olt, %min3A_188, %min3A_179 : vector<512x128xf32>
    %min3A_197 = arith.minimumf %min3A_179, %min3A_188 : vector<512x128xf32>
    %select_n3A_198 = arith.select %lt3A_196, %select_n3A_189, %select_n3A_180 : vector<512x128xi1>, vector<512x128xf32>
    %max3A_199 = arith.maximumf %min3A_179, %min3A_188 : vector<512x128xf32>
    %select_n3A_200 = arith.select %lt3A_196, %select_n3A_180, %select_n3A_189 : vector<512x128xi1>, vector<512x128xf32>
    %lt3A_201 = arith.cmpf olt, %min3A_191, %min3A_182 : vector<512x128xf32>
    %min3A_202 = arith.minimumf %min3A_182, %min3A_191 : vector<512x128xf32>
    %select_n3A_203 = arith.select %lt3A_201, %select_n3A_192, %select_n3A_183 : vector<512x128xi1>, vector<512x128xf32>
    %max3A_204 = arith.maximumf %min3A_182, %min3A_191 : vector<512x128xf32>
    %select_n3A_205 = arith.select %lt3A_201, %select_n3A_183, %select_n3A_192 : vector<512x128xi1>, vector<512x128xf32>
    %lt3A_206 = arith.cmpf olt, %min3A_194, %min3A_185 : vector<512x128xf32>
    %min3A_207 = arith.minimumf %min3A_185, %min3A_194 : vector<512x128xf32>
    %select_n3A_208 = arith.select %lt3A_206, %select_n3A_195, %select_n3A_186 : vector<512x128xi1>, vector<512x128xf32>
    %max3A_209 = arith.maximumf %min3A_185, %min3A_194 : vector<512x128xf32>
    %select_n3A_210 = arith.select %lt3A_206, %select_n3A_186, %select_n3A_195 : vector<512x128xi1>, vector<512x128xf32>
    %lt3A_211 = arith.cmpf olt, %min3A_202, %min3A_197 : vector<512x128xf32>
    %min3A_212 = arith.minimumf %min3A_197, %min3A_202 : vector<512x128xf32>
    %select_n3A_213 = arith.select %lt3A_211, %select_n3A_203, %select_n3A_198 : vector<512x128xi1>, vector<512x128xf32>
    %max3A_214 = arith.maximumf %min3A_197, %min3A_202 : vector<512x128xf32>
    %select_n3A_215 = arith.select %lt3A_211, %select_n3A_198, %select_n3A_203 : vector<512x128xi1>, vector<512x128xf32>
    %lt3A_216 = arith.cmpf olt, %min3A_207, %max3A_214 : vector<512x128xf32>
    %min3A_217 = arith.minimumf %max3A_214, %min3A_207 : vector<512x128xf32>
    %select_n3A_218 = arith.select %lt3A_216, %select_n3A_208, %select_n3A_215 : vector<512x128xi1>, vector<512x128xf32>
    %max3A_219 = arith.maximumf %max3A_214, %min3A_207 : vector<512x128xf32>
    %select_n3A_220 = arith.select %lt3A_216, %select_n3A_215, %select_n3A_208 : vector<512x128xi1>, vector<512x128xf32>
    %lt3A_221 = arith.cmpf olt, %min3A_217, %min3A_212 : vector<512x128xf32>
    %min3A_222 = arith.minimumf %min3A_212, %min3A_217 : vector<512x128xf32>
    %select_n3A_223 = arith.select %lt3A_221, %select_n3A_218, %select_n3A_213 : vector<512x128xi1>, vector<512x128xf32>
    %max3A_224 = arith.maximumf %min3A_212, %min3A_217 : vector<512x128xf32>
    %select_n3A_225 = arith.select %lt3A_221, %select_n3A_213, %select_n3A_218 : vector<512x128xi1>, vector<512x128xf32>
    %lt3A_226 = arith.cmpf olt, %max3A_204, %max3A_199 : vector<512x128xf32>
    %min3A_227 = arith.minimumf %max3A_199, %max3A_204 : vector<512x128xf32>
    %select_n3A_228 = arith.select %lt3A_226, %select_n3A_205, %select_n3A_200 : vector<512x128xi1>, vector<512x128xf32>
    %max3A_229 = arith.maximumf %max3A_199, %max3A_204 : vector<512x128xf32>
    %select_n3A_230 = arith.select %lt3A_226, %select_n3A_200, %select_n3A_205 : vector<512x128xi1>, vector<512x128xf32>
    %lt3A_231 = arith.cmpf olt, %max3A_209, %max3A_229 : vector<512x128xf32>
    %min3A_232 = arith.minimumf %max3A_229, %max3A_209 : vector<512x128xf32>
    %select_n3A_233 = arith.select %lt3A_231, %select_n3A_210, %select_n3A_230 : vector<512x128xi1>, vector<512x128xf32>
    %lt3A_234 = arith.cmpf olt, %min3A_232, %min3A_227 : vector<512x128xf32>
    %min3A_235 = arith.minimumf %min3A_227, %min3A_232 : vector<512x128xf32>
    %select_n3A_236 = arith.select %lt3A_234, %select_n3A_233, %select_n3A_228 : vector<512x128xi1>, vector<512x128xf32>
    %max3A_237 = arith.maximumf %min3A_227, %min3A_232 : vector<512x128xf32>
    %select_n3A_238 = arith.select %lt3A_234, %select_n3A_228, %select_n3A_233 : vector<512x128xi1>, vector<512x128xf32>
    %reduce_min3A = arith.constant dense<0x7F800000> : vector<512xf32>
    %reduce_min3A_239 = vector.multi_reduction <minimumf>, %min3A_222, %reduce_min3A [1] : vector<512x128xf32> to vector<512xf32>
    %broadcast_in_dim3A = vector.shape_cast %reduce_min3A_239 : vector<512xf32> to vector<512x1xf32>
    %le3A = vector.broadcast %broadcast_in_dim3A : vector<512x1xf32> to vector<512x128xf32>
    %le3A_240 = arith.cmpf ole, %min3A_222, %le3A : vector<512x128xf32>
    %jit3A = arith.constant 1.000000e+30 : f32
    %broadcast_in_dim3A_241 = vector.broadcast %jit3A : f32 to vector<512x128xf32>
    %select_n3A_242 = arith.select %le3A_240, %select_n3A_223, %broadcast_in_dim3A_241 : vector<512x128xi1>, vector<512x128xf32>
    %reduce_min3A_243 = arith.constant dense<0x7F800000> : vector<512xf32>
    %reduce_min3A_244 = vector.multi_reduction <minimumf>, %select_n3A_242, %reduce_min3A_243 [1] : vector<512x128xf32> to vector<512xf32>
    %broadcast_in_dim3A_245 = vector.shape_cast %reduce_min3A_244 : vector<512xf32> to vector<512x1xf32>
    %eq3A = vector.broadcast %broadcast_in_dim3A_245 : vector<512x1xf32> to vector<512x128xf32>
    %eq3A_246 = arith.cmpf oeq, %select_n3A_223, %eq3A : vector<512x128xf32>
    %select_n3A_247 = arith.select %eq3A_246, %max3A_224, %min3A_222 : vector<512x128xi1>, vector<512x128xf32>
    %select_n3A_248 = arith.select %eq3A_246, %select_n3A_225, %select_n3A_223 : vector<512x128xi1>, vector<512x128xf32>
    %select_n3A_249 = arith.select %eq3A_246, %max3A_219, %max3A_224 : vector<512x128xi1>, vector<512x128xf32>
    %select_n3A_250 = arith.select %eq3A_246, %select_n3A_220, %select_n3A_225 : vector<512x128xi1>, vector<512x128xf32>
    %select_n3A_251 = arith.select %eq3A_246, %min3A_235, %max3A_219 : vector<512x128xi1>, vector<512x128xf32>
    %select_n3A_252 = arith.select %eq3A_246, %select_n3A_236, %select_n3A_220 : vector<512x128xi1>, vector<512x128xf32>
    %select_n3A_253 = arith.select %eq3A_246, %max3A_237, %min3A_235 : vector<512x128xi1>, vector<512x128xf32>
    %select_n3A_254 = arith.select %eq3A_246, %select_n3A_238, %select_n3A_236 : vector<512x128xi1>, vector<512x128xf32>
    %jit3A_255 = arith.constant 1.000000e+30 : f32
    %broadcast_in_dim3A_256 = vector.broadcast %jit3A_255 : f32 to vector<512x128xf32>
    %select_n3A_257 = arith.select %eq3A_246, %broadcast_in_dim3A_256, %max3A_237 : vector<512x128xi1>, vector<512x128xf32>
    %reduce_min3A_258 = arith.constant dense<0x7F800000> : vector<512xf32>
    %reduce_min3A_259 = vector.multi_reduction <minimumf>, %select_n3A_247, %reduce_min3A_258 [1] : vector<512x128xf32> to vector<512xf32>
    %broadcast_in_dim3A_260 = vector.shape_cast %reduce_min3A_259 : vector<512xf32> to vector<512x1xf32>
    %le3A_261 = vector.broadcast %broadcast_in_dim3A_260 : vector<512x1xf32> to vector<512x128xf32>
    %le3A_262 = arith.cmpf ole, %select_n3A_247, %le3A_261 : vector<512x128xf32>
    %jit3A_263 = arith.constant 1.000000e+30 : f32
    %broadcast_in_dim3A_264 = vector.broadcast %jit3A_263 : f32 to vector<512x128xf32>
    %select_n3A_265 = arith.select %le3A_262, %select_n3A_248, %broadcast_in_dim3A_264 : vector<512x128xi1>, vector<512x128xf32>
    %reduce_min3A_266 = arith.constant dense<0x7F800000> : vector<512xf32>
    %reduce_min3A_267 = vector.multi_reduction <minimumf>, %select_n3A_265, %reduce_min3A_266 [1] : vector<512x128xf32> to vector<512xf32>
    %broadcast_in_dim3A_268 = vector.shape_cast %reduce_min3A_267 : vector<512xf32> to vector<512x1xf32>
    %eq3A_269 = vector.broadcast %broadcast_in_dim3A_268 : vector<512x1xf32> to vector<512x128xf32>
    %eq3A_270 = arith.cmpf oeq, %select_n3A_248, %eq3A_269 : vector<512x128xf32>
    %select_n3A_271 = arith.select %eq3A_270, %select_n3A_249, %select_n3A_247 : vector<512x128xi1>, vector<512x128xf32>
    %select_n3A_272 = arith.select %eq3A_270, %select_n3A_250, %select_n3A_248 : vector<512x128xi1>, vector<512x128xf32>
    %select_n3A_273 = arith.select %eq3A_270, %select_n3A_251, %select_n3A_249 : vector<512x128xi1>, vector<512x128xf32>
    %select_n3A_274 = arith.select %eq3A_270, %select_n3A_252, %select_n3A_250 : vector<512x128xi1>, vector<512x128xf32>
    %select_n3A_275 = arith.select %eq3A_270, %select_n3A_253, %select_n3A_251 : vector<512x128xi1>, vector<512x128xf32>
    %select_n3A_276 = arith.select %eq3A_270, %select_n3A_254, %select_n3A_252 : vector<512x128xi1>, vector<512x128xf32>
    %select_n3A_277 = arith.select %eq3A_270, %select_n3A_257, %select_n3A_253 : vector<512x128xi1>, vector<512x128xf32>
    %select_n3A_278 = arith.select %eq3A_270, %select_n3A_238, %select_n3A_254 : vector<512x128xi1>, vector<512x128xf32>
    %jit3A_279 = arith.constant 1.000000e+30 : f32
    %broadcast_in_dim3A_280 = vector.broadcast %jit3A_279 : f32 to vector<512x128xf32>
    %select_n3A_281 = arith.select %eq3A_270, %broadcast_in_dim3A_280, %select_n3A_257 : vector<512x128xi1>, vector<512x128xf32>
    %reduce_min3A_282 = arith.constant dense<0x7F800000> : vector<512xf32>
    %reduce_min3A_283 = vector.multi_reduction <minimumf>, %select_n3A_271, %reduce_min3A_282 [1] : vector<512x128xf32> to vector<512xf32>
    %broadcast_in_dim3A_284 = vector.shape_cast %reduce_min3A_283 : vector<512xf32> to vector<512x1xf32>
    %le3A_285 = vector.broadcast %broadcast_in_dim3A_284 : vector<512x1xf32> to vector<512x128xf32>
    %le3A_286 = arith.cmpf ole, %select_n3A_271, %le3A_285 : vector<512x128xf32>
    %jit3A_287 = arith.constant 1.000000e+30 : f32
    %broadcast_in_dim3A_288 = vector.broadcast %jit3A_287 : f32 to vector<512x128xf32>
    %select_n3A_289 = arith.select %le3A_286, %select_n3A_272, %broadcast_in_dim3A_288 : vector<512x128xi1>, vector<512x128xf32>
    %reduce_min3A_290 = arith.constant dense<0x7F800000> : vector<512xf32>
    %reduce_min3A_291 = vector.multi_reduction <minimumf>, %select_n3A_289, %reduce_min3A_290 [1] : vector<512x128xf32> to vector<512xf32>
    %broadcast_in_dim3A_292 = vector.shape_cast %reduce_min3A_291 : vector<512xf32> to vector<512x1xf32>
    %eq3A_293 = vector.broadcast %broadcast_in_dim3A_292 : vector<512x1xf32> to vector<512x128xf32>
    %eq3A_294 = arith.cmpf oeq, %select_n3A_272, %eq3A_293 : vector<512x128xf32>
    %select_n3A_295 = arith.select %eq3A_294, %select_n3A_273, %select_n3A_271 : vector<512x128xi1>, vector<512x128xf32>
    %select_n3A_296 = arith.select %eq3A_294, %select_n3A_274, %select_n3A_272 : vector<512x128xi1>, vector<512x128xf32>
    %select_n3A_297 = arith.select %eq3A_294, %select_n3A_275, %select_n3A_273 : vector<512x128xi1>, vector<512x128xf32>
    %select_n3A_298 = arith.select %eq3A_294, %select_n3A_276, %select_n3A_274 : vector<512x128xi1>, vector<512x128xf32>
    %select_n3A_299 = arith.select %eq3A_294, %select_n3A_277, %select_n3A_275 : vector<512x128xi1>, vector<512x128xf32>
    %select_n3A_300 = arith.select %eq3A_294, %select_n3A_278, %select_n3A_276 : vector<512x128xi1>, vector<512x128xf32>
    %select_n3A_301 = arith.select %eq3A_294, %select_n3A_281, %select_n3A_277 : vector<512x128xi1>, vector<512x128xf32>
    %select_n3A_302 = arith.select %eq3A_294, %select_n3A_238, %select_n3A_278 : vector<512x128xi1>, vector<512x128xf32>
    %jit3A_303 = arith.constant 1.000000e+30 : f32
    %broadcast_in_dim3A_304 = vector.broadcast %jit3A_303 : f32 to vector<512x128xf32>
    %select_n3A_305 = arith.select %eq3A_294, %broadcast_in_dim3A_304, %select_n3A_281 : vector<512x128xi1>, vector<512x128xf32>
    %reduce_min3A_306 = arith.constant dense<0x7F800000> : vector<512xf32>
    %reduce_min3A_307 = vector.multi_reduction <minimumf>, %select_n3A_295, %reduce_min3A_306 [1] : vector<512x128xf32> to vector<512xf32>
    %broadcast_in_dim3A_308 = vector.shape_cast %reduce_min3A_307 : vector<512xf32> to vector<512x1xf32>
    %le3A_309 = vector.broadcast %broadcast_in_dim3A_308 : vector<512x1xf32> to vector<512x128xf32>
    %le3A_310 = arith.cmpf ole, %select_n3A_295, %le3A_309 : vector<512x128xf32>
    %jit3A_311 = arith.constant 1.000000e+30 : f32
    %broadcast_in_dim3A_312 = vector.broadcast %jit3A_311 : f32 to vector<512x128xf32>
    %select_n3A_313 = arith.select %le3A_310, %select_n3A_296, %broadcast_in_dim3A_312 : vector<512x128xi1>, vector<512x128xf32>
    %reduce_min3A_314 = arith.constant dense<0x7F800000> : vector<512xf32>
    %reduce_min3A_315 = vector.multi_reduction <minimumf>, %select_n3A_313, %reduce_min3A_314 [1] : vector<512x128xf32> to vector<512xf32>
    %broadcast_in_dim3A_316 = vector.shape_cast %reduce_min3A_315 : vector<512xf32> to vector<512x1xf32>
    %eq3A_317 = vector.broadcast %broadcast_in_dim3A_316 : vector<512x1xf32> to vector<512x128xf32>
    %eq3A_318 = arith.cmpf oeq, %select_n3A_296, %eq3A_317 : vector<512x128xf32>
    %select_n3A_319 = arith.select %eq3A_318, %select_n3A_297, %select_n3A_295 : vector<512x128xi1>, vector<512x128xf32>
    %select_n3A_320 = arith.select %eq3A_318, %select_n3A_298, %select_n3A_296 : vector<512x128xi1>, vector<512x128xf32>
    %select_n3A_321 = arith.select %eq3A_318, %select_n3A_299, %select_n3A_297 : vector<512x128xi1>, vector<512x128xf32>
    %select_n3A_322 = arith.select %eq3A_318, %select_n3A_300, %select_n3A_298 : vector<512x128xi1>, vector<512x128xf32>
    %select_n3A_323 = arith.select %eq3A_318, %select_n3A_301, %select_n3A_299 : vector<512x128xi1>, vector<512x128xf32>
    %select_n3A_324 = arith.select %eq3A_318, %select_n3A_302, %select_n3A_300 : vector<512x128xi1>, vector<512x128xf32>
    %select_n3A_325 = arith.select %eq3A_318, %select_n3A_305, %select_n3A_301 : vector<512x128xi1>, vector<512x128xf32>
    %select_n3A_326 = arith.select %eq3A_318, %select_n3A_238, %select_n3A_302 : vector<512x128xi1>, vector<512x128xf32>
    %jit3A_327 = arith.constant 1.000000e+30 : f32
    %broadcast_in_dim3A_328 = vector.broadcast %jit3A_327 : f32 to vector<512x128xf32>
    %select_n3A_329 = arith.select %eq3A_318, %broadcast_in_dim3A_328, %select_n3A_305 : vector<512x128xi1>, vector<512x128xf32>
    %reduce_min3A_330 = arith.constant dense<0x7F800000> : vector<512xf32>
    %reduce_min3A_331 = vector.multi_reduction <minimumf>, %select_n3A_319, %reduce_min3A_330 [1] : vector<512x128xf32> to vector<512xf32>
    %broadcast_in_dim3A_332 = vector.shape_cast %reduce_min3A_331 : vector<512xf32> to vector<512x1xf32>
    %le3A_333 = vector.broadcast %broadcast_in_dim3A_332 : vector<512x1xf32> to vector<512x128xf32>
    %le3A_334 = arith.cmpf ole, %select_n3A_319, %le3A_333 : vector<512x128xf32>
    %jit3A_335 = arith.constant 1.000000e+30 : f32
    %broadcast_in_dim3A_336 = vector.broadcast %jit3A_335 : f32 to vector<512x128xf32>
    %select_n3A_337 = arith.select %le3A_334, %select_n3A_320, %broadcast_in_dim3A_336 : vector<512x128xi1>, vector<512x128xf32>
    %reduce_min3A_338 = arith.constant dense<0x7F800000> : vector<512xf32>
    %reduce_min3A_339 = vector.multi_reduction <minimumf>, %select_n3A_337, %reduce_min3A_338 [1] : vector<512x128xf32> to vector<512xf32>
    %broadcast_in_dim3A_340 = vector.shape_cast %reduce_min3A_339 : vector<512xf32> to vector<512x1xf32>
    %eq3A_341 = vector.broadcast %broadcast_in_dim3A_340 : vector<512x1xf32> to vector<512x128xf32>
    %eq3A_342 = arith.cmpf oeq, %select_n3A_320, %eq3A_341 : vector<512x128xf32>
    %select_n3A_343 = arith.select %eq3A_342, %select_n3A_321, %select_n3A_319 : vector<512x128xi1>, vector<512x128xf32>
    %select_n3A_344 = arith.select %eq3A_342, %select_n3A_322, %select_n3A_320 : vector<512x128xi1>, vector<512x128xf32>
    %select_n3A_345 = arith.select %eq3A_342, %select_n3A_323, %select_n3A_321 : vector<512x128xi1>, vector<512x128xf32>
    %select_n3A_346 = arith.select %eq3A_342, %select_n3A_324, %select_n3A_322 : vector<512x128xi1>, vector<512x128xf32>
    %select_n3A_347 = arith.select %eq3A_342, %select_n3A_325, %select_n3A_323 : vector<512x128xi1>, vector<512x128xf32>
    %select_n3A_348 = arith.select %eq3A_342, %select_n3A_326, %select_n3A_324 : vector<512x128xi1>, vector<512x128xf32>
    %select_n3A_349 = arith.select %eq3A_342, %select_n3A_329, %select_n3A_325 : vector<512x128xi1>, vector<512x128xf32>
    %select_n3A_350 = arith.select %eq3A_342, %select_n3A_238, %select_n3A_326 : vector<512x128xi1>, vector<512x128xf32>
    %jit3A_351 = arith.constant 1.000000e+30 : f32
    %broadcast_in_dim3A_352 = vector.broadcast %jit3A_351 : f32 to vector<512x128xf32>
    %select_n3A_353 = arith.select %eq3A_342, %broadcast_in_dim3A_352, %select_n3A_329 : vector<512x128xi1>, vector<512x128xf32>
    %reduce_min3A_354 = arith.constant dense<0x7F800000> : vector<512xf32>
    %reduce_min3A_355 = vector.multi_reduction <minimumf>, %select_n3A_343, %reduce_min3A_354 [1] : vector<512x128xf32> to vector<512xf32>
    %broadcast_in_dim3A_356 = vector.shape_cast %reduce_min3A_355 : vector<512xf32> to vector<512x1xf32>
    %le3A_357 = vector.broadcast %broadcast_in_dim3A_356 : vector<512x1xf32> to vector<512x128xf32>
    %le3A_358 = arith.cmpf ole, %select_n3A_343, %le3A_357 : vector<512x128xf32>
    %jit3A_359 = arith.constant 1.000000e+30 : f32
    %broadcast_in_dim3A_360 = vector.broadcast %jit3A_359 : f32 to vector<512x128xf32>
    %select_n3A_361 = arith.select %le3A_358, %select_n3A_344, %broadcast_in_dim3A_360 : vector<512x128xi1>, vector<512x128xf32>
    %reduce_min3A_362 = arith.constant dense<0x7F800000> : vector<512xf32>
    %reduce_min3A_363 = vector.multi_reduction <minimumf>, %select_n3A_361, %reduce_min3A_362 [1] : vector<512x128xf32> to vector<512xf32>
    %broadcast_in_dim3A_364 = vector.shape_cast %reduce_min3A_363 : vector<512xf32> to vector<512x1xf32>
    %eq3A_365 = vector.broadcast %broadcast_in_dim3A_364 : vector<512x1xf32> to vector<512x128xf32>
    %eq3A_366 = arith.cmpf oeq, %select_n3A_344, %eq3A_365 : vector<512x128xf32>
    %select_n3A_367 = arith.select %eq3A_366, %select_n3A_345, %select_n3A_343 : vector<512x128xi1>, vector<512x128xf32>
    %select_n3A_368 = arith.select %eq3A_366, %select_n3A_346, %select_n3A_344 : vector<512x128xi1>, vector<512x128xf32>
    %select_n3A_369 = arith.select %eq3A_366, %select_n3A_347, %select_n3A_345 : vector<512x128xi1>, vector<512x128xf32>
    %select_n3A_370 = arith.select %eq3A_366, %select_n3A_348, %select_n3A_346 : vector<512x128xi1>, vector<512x128xf32>
    %select_n3A_371 = arith.select %eq3A_366, %select_n3A_349, %select_n3A_347 : vector<512x128xi1>, vector<512x128xf32>
    %select_n3A_372 = arith.select %eq3A_366, %select_n3A_350, %select_n3A_348 : vector<512x128xi1>, vector<512x128xf32>
    %select_n3A_373 = arith.select %eq3A_366, %select_n3A_353, %select_n3A_349 : vector<512x128xi1>, vector<512x128xf32>
    %select_n3A_374 = arith.select %eq3A_366, %select_n3A_238, %select_n3A_350 : vector<512x128xi1>, vector<512x128xf32>
    %jit3A_375 = arith.constant 1.000000e+30 : f32
    %broadcast_in_dim3A_376 = vector.broadcast %jit3A_375 : f32 to vector<512x128xf32>
    %select_n3A_377 = arith.select %eq3A_366, %broadcast_in_dim3A_376, %select_n3A_353 : vector<512x128xi1>, vector<512x128xf32>
    %reduce_min3A_378 = arith.constant dense<0x7F800000> : vector<512xf32>
    %reduce_min3A_379 = vector.multi_reduction <minimumf>, %select_n3A_367, %reduce_min3A_378 [1] : vector<512x128xf32> to vector<512xf32>
    %broadcast_in_dim3A_380 = vector.shape_cast %reduce_min3A_379 : vector<512xf32> to vector<512x1xf32>
    %le3A_381 = vector.broadcast %broadcast_in_dim3A_380 : vector<512x1xf32> to vector<512x128xf32>
    %le3A_382 = arith.cmpf ole, %select_n3A_367, %le3A_381 : vector<512x128xf32>
    %jit3A_383 = arith.constant 1.000000e+30 : f32
    %broadcast_in_dim3A_384 = vector.broadcast %jit3A_383 : f32 to vector<512x128xf32>
    %select_n3A_385 = arith.select %le3A_382, %select_n3A_368, %broadcast_in_dim3A_384 : vector<512x128xi1>, vector<512x128xf32>
    %reduce_min3A_386 = arith.constant dense<0x7F800000> : vector<512xf32>
    %reduce_min3A_387 = vector.multi_reduction <minimumf>, %select_n3A_385, %reduce_min3A_386 [1] : vector<512x128xf32> to vector<512xf32>
    %broadcast_in_dim3A_388 = vector.shape_cast %reduce_min3A_387 : vector<512xf32> to vector<512x1xf32>
    %eq3A_389 = vector.broadcast %broadcast_in_dim3A_388 : vector<512x1xf32> to vector<512x128xf32>
    %eq3A_390 = arith.cmpf oeq, %select_n3A_368, %eq3A_389 : vector<512x128xf32>
    %select_n3A_391 = arith.select %eq3A_390, %select_n3A_369, %select_n3A_367 : vector<512x128xi1>, vector<512x128xf32>
    %select_n3A_392 = arith.select %eq3A_390, %select_n3A_370, %select_n3A_368 : vector<512x128xi1>, vector<512x128xf32>
    %select_n3A_393 = arith.select %eq3A_390, %select_n3A_371, %select_n3A_369 : vector<512x128xi1>, vector<512x128xf32>
    %select_n3A_394 = arith.select %eq3A_390, %select_n3A_372, %select_n3A_370 : vector<512x128xi1>, vector<512x128xf32>
    %select_n3A_395 = arith.select %eq3A_390, %select_n3A_373, %select_n3A_371 : vector<512x128xi1>, vector<512x128xf32>
    %select_n3A_396 = arith.select %eq3A_390, %select_n3A_374, %select_n3A_372 : vector<512x128xi1>, vector<512x128xf32>
    %select_n3A_397 = arith.select %eq3A_390, %select_n3A_377, %select_n3A_373 : vector<512x128xi1>, vector<512x128xf32>
    %select_n3A_398 = arith.select %eq3A_390, %select_n3A_238, %select_n3A_374 : vector<512x128xi1>, vector<512x128xf32>
    %jit3A_399 = arith.constant 1.000000e+30 : f32
    %broadcast_in_dim3A_400 = vector.broadcast %jit3A_399 : f32 to vector<512x128xf32>
    %select_n3A_401 = arith.select %eq3A_390, %broadcast_in_dim3A_400, %select_n3A_377 : vector<512x128xi1>, vector<512x128xf32>
    %reduce_min3A_402 = arith.constant dense<0x7F800000> : vector<512xf32>
    %reduce_min3A_403 = vector.multi_reduction <minimumf>, %select_n3A_391, %reduce_min3A_402 [1] : vector<512x128xf32> to vector<512xf32>
    %broadcast_in_dim3A_404 = vector.shape_cast %reduce_min3A_403 : vector<512xf32> to vector<512x1xf32>
    %le3A_405 = vector.broadcast %broadcast_in_dim3A_404 : vector<512x1xf32> to vector<512x128xf32>
    %le3A_406 = arith.cmpf ole, %select_n3A_391, %le3A_405 : vector<512x128xf32>
    %jit3A_407 = arith.constant 1.000000e+30 : f32
    %broadcast_in_dim3A_408 = vector.broadcast %jit3A_407 : f32 to vector<512x128xf32>
    %select_n3A_409 = arith.select %le3A_406, %select_n3A_392, %broadcast_in_dim3A_408 : vector<512x128xi1>, vector<512x128xf32>
    %reduce_min3A_410 = arith.constant dense<0x7F800000> : vector<512xf32>
    %reduce_min3A_411 = vector.multi_reduction <minimumf>, %select_n3A_409, %reduce_min3A_410 [1] : vector<512x128xf32> to vector<512xf32>
    %broadcast_in_dim3A_412 = vector.shape_cast %reduce_min3A_411 : vector<512xf32> to vector<512x1xf32>
    %eq3A_413 = vector.broadcast %broadcast_in_dim3A_412 : vector<512x1xf32> to vector<512x128xf32>
    %eq3A_414 = arith.cmpf oeq, %select_n3A_392, %eq3A_413 : vector<512x128xf32>
    %select_n3A_415 = arith.select %eq3A_414, %select_n3A_393, %select_n3A_391 : vector<512x128xi1>, vector<512x128xf32>
    %select_n3A_416 = arith.select %eq3A_414, %select_n3A_394, %select_n3A_392 : vector<512x128xi1>, vector<512x128xf32>
    %select_n3A_417 = arith.select %eq3A_414, %select_n3A_395, %select_n3A_393 : vector<512x128xi1>, vector<512x128xf32>
    %select_n3A_418 = arith.select %eq3A_414, %select_n3A_396, %select_n3A_394 : vector<512x128xi1>, vector<512x128xf32>
    %select_n3A_419 = arith.select %eq3A_414, %select_n3A_397, %select_n3A_395 : vector<512x128xi1>, vector<512x128xf32>
    %select_n3A_420 = arith.select %eq3A_414, %select_n3A_398, %select_n3A_396 : vector<512x128xi1>, vector<512x128xf32>
    %select_n3A_421 = arith.select %eq3A_414, %select_n3A_401, %select_n3A_397 : vector<512x128xi1>, vector<512x128xf32>
    %select_n3A_422 = arith.select %eq3A_414, %select_n3A_238, %select_n3A_398 : vector<512x128xi1>, vector<512x128xf32>
    %jit3A_423 = arith.constant 1.000000e+30 : f32
    %broadcast_in_dim3A_424 = vector.broadcast %jit3A_423 : f32 to vector<512x128xf32>
    %select_n3A_425 = arith.select %eq3A_414, %broadcast_in_dim3A_424, %select_n3A_401 : vector<512x128xi1>, vector<512x128xf32>
    %reduce_min3A_426 = arith.constant dense<0x7F800000> : vector<512xf32>
    %reduce_min3A_427 = vector.multi_reduction <minimumf>, %select_n3A_415, %reduce_min3A_426 [1] : vector<512x128xf32> to vector<512xf32>
    %broadcast_in_dim3A_428 = vector.shape_cast %reduce_min3A_427 : vector<512xf32> to vector<512x1xf32>
    %le3A_429 = vector.broadcast %broadcast_in_dim3A_428 : vector<512x1xf32> to vector<512x128xf32>
    %le3A_430 = arith.cmpf ole, %select_n3A_415, %le3A_429 : vector<512x128xf32>
    %jit3A_431 = arith.constant 1.000000e+30 : f32
    %broadcast_in_dim3A_432 = vector.broadcast %jit3A_431 : f32 to vector<512x128xf32>
    %select_n3A_433 = arith.select %le3A_430, %select_n3A_416, %broadcast_in_dim3A_432 : vector<512x128xi1>, vector<512x128xf32>
    %reduce_min3A_434 = arith.constant dense<0x7F800000> : vector<512xf32>
    %reduce_min3A_435 = vector.multi_reduction <minimumf>, %select_n3A_433, %reduce_min3A_434 [1] : vector<512x128xf32> to vector<512xf32>
    %broadcast_in_dim3A_436 = vector.shape_cast %reduce_min3A_435 : vector<512xf32> to vector<512x1xf32>
    %eq3A_437 = vector.broadcast %broadcast_in_dim3A_436 : vector<512x1xf32> to vector<512x128xf32>
    %eq3A_438 = arith.cmpf oeq, %select_n3A_416, %eq3A_437 : vector<512x128xf32>
    %select_n3A_439 = arith.select %eq3A_438, %select_n3A_417, %select_n3A_415 : vector<512x128xi1>, vector<512x128xf32>
    %select_n3A_440 = arith.select %eq3A_438, %select_n3A_418, %select_n3A_416 : vector<512x128xi1>, vector<512x128xf32>
    %select_n3A_441 = arith.select %eq3A_438, %select_n3A_419, %select_n3A_417 : vector<512x128xi1>, vector<512x128xf32>
    %select_n3A_442 = arith.select %eq3A_438, %select_n3A_420, %select_n3A_418 : vector<512x128xi1>, vector<512x128xf32>
    %select_n3A_443 = arith.select %eq3A_438, %select_n3A_421, %select_n3A_419 : vector<512x128xi1>, vector<512x128xf32>
    %select_n3A_444 = arith.select %eq3A_438, %select_n3A_422, %select_n3A_420 : vector<512x128xi1>, vector<512x128xf32>
    %select_n3A_445 = arith.select %eq3A_438, %select_n3A_425, %select_n3A_421 : vector<512x128xi1>, vector<512x128xf32>
    %select_n3A_446 = arith.select %eq3A_438, %select_n3A_238, %select_n3A_422 : vector<512x128xi1>, vector<512x128xf32>
    %jit3A_447 = arith.constant 1.000000e+30 : f32
    %broadcast_in_dim3A_448 = vector.broadcast %jit3A_447 : f32 to vector<512x128xf32>
    %select_n3A_449 = arith.select %eq3A_438, %broadcast_in_dim3A_448, %select_n3A_425 : vector<512x128xi1>, vector<512x128xf32>
    %reduce_min3A_450 = arith.constant dense<0x7F800000> : vector<512xf32>
    %reduce_min3A_451 = vector.multi_reduction <minimumf>, %select_n3A_439, %reduce_min3A_450 [1] : vector<512x128xf32> to vector<512xf32>
    %broadcast_in_dim3A_452 = vector.shape_cast %reduce_min3A_451 : vector<512xf32> to vector<512x1xf32>
    %le3A_453 = vector.broadcast %broadcast_in_dim3A_452 : vector<512x1xf32> to vector<512x128xf32>
    %le3A_454 = arith.cmpf ole, %select_n3A_439, %le3A_453 : vector<512x128xf32>
    %jit3A_455 = arith.constant 1.000000e+30 : f32
    %broadcast_in_dim3A_456 = vector.broadcast %jit3A_455 : f32 to vector<512x128xf32>
    %select_n3A_457 = arith.select %le3A_454, %select_n3A_440, %broadcast_in_dim3A_456 : vector<512x128xi1>, vector<512x128xf32>
    %reduce_min3A_458 = arith.constant dense<0x7F800000> : vector<512xf32>
    %reduce_min3A_459 = vector.multi_reduction <minimumf>, %select_n3A_457, %reduce_min3A_458 [1] : vector<512x128xf32> to vector<512xf32>
    %broadcast_in_dim3A_460 = vector.shape_cast %reduce_min3A_459 : vector<512xf32> to vector<512x1xf32>
    %eq3A_461 = vector.broadcast %broadcast_in_dim3A_460 : vector<512x1xf32> to vector<512x128xf32>
    %eq3A_462 = arith.cmpf oeq, %select_n3A_440, %eq3A_461 : vector<512x128xf32>
    %select_n3A_463 = arith.select %eq3A_462, %select_n3A_441, %select_n3A_439 : vector<512x128xi1>, vector<512x128xf32>
    %select_n3A_464 = arith.select %eq3A_462, %select_n3A_442, %select_n3A_440 : vector<512x128xi1>, vector<512x128xf32>
    %select_n3A_465 = arith.select %eq3A_462, %select_n3A_443, %select_n3A_441 : vector<512x128xi1>, vector<512x128xf32>
    %select_n3A_466 = arith.select %eq3A_462, %select_n3A_444, %select_n3A_442 : vector<512x128xi1>, vector<512x128xf32>
    %select_n3A_467 = arith.select %eq3A_462, %select_n3A_445, %select_n3A_443 : vector<512x128xi1>, vector<512x128xf32>
    %select_n3A_468 = arith.select %eq3A_462, %select_n3A_446, %select_n3A_444 : vector<512x128xi1>, vector<512x128xf32>
    %select_n3A_469 = arith.select %eq3A_462, %select_n3A_449, %select_n3A_445 : vector<512x128xi1>, vector<512x128xf32>
    %select_n3A_470 = arith.select %eq3A_462, %select_n3A_238, %select_n3A_446 : vector<512x128xi1>, vector<512x128xf32>
    %jit3A_471 = arith.constant 1.000000e+30 : f32
    %broadcast_in_dim3A_472 = vector.broadcast %jit3A_471 : f32 to vector<512x128xf32>
    %select_n3A_473 = arith.select %eq3A_462, %broadcast_in_dim3A_472, %select_n3A_449 : vector<512x128xi1>, vector<512x128xf32>
    %reduce_min3A_474 = arith.constant dense<0x7F800000> : vector<512xf32>
    %reduce_min3A_475 = vector.multi_reduction <minimumf>, %select_n3A_463, %reduce_min3A_474 [1] : vector<512x128xf32> to vector<512xf32>
    %broadcast_in_dim3A_476 = vector.shape_cast %reduce_min3A_475 : vector<512xf32> to vector<512x1xf32>
    %le3A_477 = vector.broadcast %broadcast_in_dim3A_476 : vector<512x1xf32> to vector<512x128xf32>
    %le3A_478 = arith.cmpf ole, %select_n3A_463, %le3A_477 : vector<512x128xf32>
    %jit3A_479 = arith.constant 1.000000e+30 : f32
    %broadcast_in_dim3A_480 = vector.broadcast %jit3A_479 : f32 to vector<512x128xf32>
    %select_n3A_481 = arith.select %le3A_478, %select_n3A_464, %broadcast_in_dim3A_480 : vector<512x128xi1>, vector<512x128xf32>
    %reduce_min3A_482 = arith.constant dense<0x7F800000> : vector<512xf32>
    %reduce_min3A_483 = vector.multi_reduction <minimumf>, %select_n3A_481, %reduce_min3A_482 [1] : vector<512x128xf32> to vector<512xf32>
    %broadcast_in_dim3A_484 = vector.shape_cast %reduce_min3A_483 : vector<512xf32> to vector<512x1xf32>
    %eq3A_485 = vector.broadcast %broadcast_in_dim3A_484 : vector<512x1xf32> to vector<512x128xf32>
    %eq3A_486 = arith.cmpf oeq, %select_n3A_464, %eq3A_485 : vector<512x128xf32>
    %select_n3A_487 = arith.select %eq3A_486, %select_n3A_465, %select_n3A_463 : vector<512x128xi1>, vector<512x128xf32>
    %select_n3A_488 = arith.select %eq3A_486, %select_n3A_466, %select_n3A_464 : vector<512x128xi1>, vector<512x128xf32>
    %select_n3A_489 = arith.select %eq3A_486, %select_n3A_467, %select_n3A_465 : vector<512x128xi1>, vector<512x128xf32>
    %select_n3A_490 = arith.select %eq3A_486, %select_n3A_468, %select_n3A_466 : vector<512x128xi1>, vector<512x128xf32>
    %select_n3A_491 = arith.select %eq3A_486, %select_n3A_469, %select_n3A_467 : vector<512x128xi1>, vector<512x128xf32>
    %select_n3A_492 = arith.select %eq3A_486, %select_n3A_470, %select_n3A_468 : vector<512x128xi1>, vector<512x128xf32>
    %select_n3A_493 = arith.select %eq3A_486, %select_n3A_473, %select_n3A_469 : vector<512x128xi1>, vector<512x128xf32>
    %select_n3A_494 = arith.select %eq3A_486, %select_n3A_238, %select_n3A_470 : vector<512x128xi1>, vector<512x128xf32>
    %jit3A_495 = arith.constant 1.000000e+30 : f32
    %broadcast_in_dim3A_496 = vector.broadcast %jit3A_495 : f32 to vector<512x128xf32>
    %select_n3A_497 = arith.select %eq3A_486, %broadcast_in_dim3A_496, %select_n3A_473 : vector<512x128xi1>, vector<512x128xf32>
    %reduce_min3A_498 = arith.constant dense<0x7F800000> : vector<512xf32>
    %reduce_min3A_499 = vector.multi_reduction <minimumf>, %select_n3A_487, %reduce_min3A_498 [1] : vector<512x128xf32> to vector<512xf32>
    %broadcast_in_dim3A_500 = vector.shape_cast %reduce_min3A_499 : vector<512xf32> to vector<512x1xf32>
    %le3A_501 = vector.broadcast %broadcast_in_dim3A_500 : vector<512x1xf32> to vector<512x128xf32>
    %le3A_502 = arith.cmpf ole, %select_n3A_487, %le3A_501 : vector<512x128xf32>
    %jit3A_503 = arith.constant 1.000000e+30 : f32
    %broadcast_in_dim3A_504 = vector.broadcast %jit3A_503 : f32 to vector<512x128xf32>
    %select_n3A_505 = arith.select %le3A_502, %select_n3A_488, %broadcast_in_dim3A_504 : vector<512x128xi1>, vector<512x128xf32>
    %reduce_min3A_506 = arith.constant dense<0x7F800000> : vector<512xf32>
    %reduce_min3A_507 = vector.multi_reduction <minimumf>, %select_n3A_505, %reduce_min3A_506 [1] : vector<512x128xf32> to vector<512xf32>
    %broadcast_in_dim3A_508 = vector.shape_cast %reduce_min3A_507 : vector<512xf32> to vector<512x1xf32>
    %eq3A_509 = vector.broadcast %broadcast_in_dim3A_508 : vector<512x1xf32> to vector<512x128xf32>
    %eq3A_510 = arith.cmpf oeq, %select_n3A_488, %eq3A_509 : vector<512x128xf32>
    %select_n3A_511 = arith.select %eq3A_510, %select_n3A_489, %select_n3A_487 : vector<512x128xi1>, vector<512x128xf32>
    %select_n3A_512 = arith.select %eq3A_510, %select_n3A_490, %select_n3A_488 : vector<512x128xi1>, vector<512x128xf32>
    %select_n3A_513 = arith.select %eq3A_510, %select_n3A_491, %select_n3A_489 : vector<512x128xi1>, vector<512x128xf32>
    %select_n3A_514 = arith.select %eq3A_510, %select_n3A_492, %select_n3A_490 : vector<512x128xi1>, vector<512x128xf32>
    %select_n3A_515 = arith.select %eq3A_510, %select_n3A_493, %select_n3A_491 : vector<512x128xi1>, vector<512x128xf32>
    %select_n3A_516 = arith.select %eq3A_510, %select_n3A_494, %select_n3A_492 : vector<512x128xi1>, vector<512x128xf32>
    %select_n3A_517 = arith.select %eq3A_510, %select_n3A_497, %select_n3A_493 : vector<512x128xi1>, vector<512x128xf32>
    %select_n3A_518 = arith.select %eq3A_510, %select_n3A_238, %select_n3A_494 : vector<512x128xi1>, vector<512x128xf32>
    %reduce_min3A_519 = arith.constant dense<0x7F800000> : vector<512xf32>
    %reduce_min3A_520 = vector.multi_reduction <minimumf>, %select_n3A_511, %reduce_min3A_519 [1] : vector<512x128xf32> to vector<512xf32>
    %broadcast_in_dim3A_521 = vector.shape_cast %reduce_min3A_520 : vector<512xf32> to vector<512x1xf32>
    %le3A_522 = vector.broadcast %broadcast_in_dim3A_521 : vector<512x1xf32> to vector<512x128xf32>
    %le3A_523 = arith.cmpf ole, %select_n3A_511, %le3A_522 : vector<512x128xf32>
    %jit3A_524 = arith.constant 1.000000e+30 : f32
    %broadcast_in_dim3A_525 = vector.broadcast %jit3A_524 : f32 to vector<512x128xf32>
    %select_n3A_526 = arith.select %le3A_523, %select_n3A_512, %broadcast_in_dim3A_525 : vector<512x128xi1>, vector<512x128xf32>
    %reduce_min3A_527 = arith.constant dense<0x7F800000> : vector<512xf32>
    %reduce_min3A_528 = vector.multi_reduction <minimumf>, %select_n3A_526, %reduce_min3A_527 [1] : vector<512x128xf32> to vector<512xf32>
    %broadcast_in_dim3A_529 = vector.shape_cast %reduce_min3A_528 : vector<512xf32> to vector<512x1xf32>
    %eq3A_530 = vector.broadcast %broadcast_in_dim3A_529 : vector<512x1xf32> to vector<512x128xf32>
    %eq3A_531 = arith.cmpf oeq, %select_n3A_512, %eq3A_530 : vector<512x128xf32>
    %select_n3A_532 = arith.select %eq3A_531, %select_n3A_513, %select_n3A_511 : vector<512x128xi1>, vector<512x128xf32>
    %select_n3A_533 = arith.select %eq3A_531, %select_n3A_514, %select_n3A_512 : vector<512x128xi1>, vector<512x128xf32>
    %select_n3A_534 = arith.select %eq3A_531, %select_n3A_515, %select_n3A_513 : vector<512x128xi1>, vector<512x128xf32>
    %select_n3A_535 = arith.select %eq3A_531, %select_n3A_516, %select_n3A_514 : vector<512x128xi1>, vector<512x128xf32>
    %select_n3A_536 = arith.select %eq3A_531, %select_n3A_517, %select_n3A_515 : vector<512x128xi1>, vector<512x128xf32>
    %select_n3A_537 = arith.select %eq3A_531, %select_n3A_518, %select_n3A_516 : vector<512x128xi1>, vector<512x128xf32>
    %reduce_min3A_538 = arith.constant dense<0x7F800000> : vector<512xf32>
    %reduce_min3A_539 = vector.multi_reduction <minimumf>, %select_n3A_532, %reduce_min3A_538 [1] : vector<512x128xf32> to vector<512xf32>
    %broadcast_in_dim3A_540 = vector.shape_cast %reduce_min3A_539 : vector<512xf32> to vector<512x1xf32>
    %le3A_541 = vector.broadcast %broadcast_in_dim3A_540 : vector<512x1xf32> to vector<512x128xf32>
    %le3A_542 = arith.cmpf ole, %select_n3A_532, %le3A_541 : vector<512x128xf32>
    %jit3A_543 = arith.constant 1.000000e+30 : f32
    %broadcast_in_dim3A_544 = vector.broadcast %jit3A_543 : f32 to vector<512x128xf32>
    %select_n3A_545 = arith.select %le3A_542, %select_n3A_533, %broadcast_in_dim3A_544 : vector<512x128xi1>, vector<512x128xf32>
    %reduce_min3A_546 = arith.constant dense<0x7F800000> : vector<512xf32>
    %reduce_min3A_547 = vector.multi_reduction <minimumf>, %select_n3A_545, %reduce_min3A_546 [1] : vector<512x128xf32> to vector<512xf32>
    %broadcast_in_dim3A_548 = vector.shape_cast %reduce_min3A_547 : vector<512xf32> to vector<512x1xf32>
    %eq3A_549 = vector.broadcast %broadcast_in_dim3A_548 : vector<512x1xf32> to vector<512x128xf32>
    %eq3A_550 = arith.cmpf oeq, %select_n3A_533, %eq3A_549 : vector<512x128xf32>
    %select_n3A_551 = arith.select %eq3A_550, %select_n3A_534, %select_n3A_532 : vector<512x128xi1>, vector<512x128xf32>
    %select_n3A_552 = arith.select %eq3A_550, %select_n3A_535, %select_n3A_533 : vector<512x128xi1>, vector<512x128xf32>
    %select_n3A_553 = arith.select %eq3A_550, %select_n3A_536, %select_n3A_534 : vector<512x128xi1>, vector<512x128xf32>
    %select_n3A_554 = arith.select %eq3A_550, %select_n3A_537, %select_n3A_535 : vector<512x128xi1>, vector<512x128xf32>
    %reduce_min3A_555 = arith.constant dense<0x7F800000> : vector<512xf32>
    %reduce_min3A_556 = vector.multi_reduction <minimumf>, %select_n3A_551, %reduce_min3A_555 [1] : vector<512x128xf32> to vector<512xf32>
    %broadcast_in_dim3A_557 = vector.shape_cast %reduce_min3A_556 : vector<512xf32> to vector<512x1xf32>
    %le3A_558 = vector.broadcast %broadcast_in_dim3A_557 : vector<512x1xf32> to vector<512x128xf32>
    %le3A_559 = arith.cmpf ole, %select_n3A_551, %le3A_558 : vector<512x128xf32>
    %jit3A_560 = arith.constant 1.000000e+30 : f32
    %broadcast_in_dim3A_561 = vector.broadcast %jit3A_560 : f32 to vector<512x128xf32>
    %select_n3A_562 = arith.select %le3A_559, %select_n3A_552, %broadcast_in_dim3A_561 : vector<512x128xi1>, vector<512x128xf32>
    %reduce_min3A_563 = arith.constant dense<0x7F800000> : vector<512xf32>
    %reduce_min3A_564 = vector.multi_reduction <minimumf>, %select_n3A_562, %reduce_min3A_563 [1] : vector<512x128xf32> to vector<512xf32>
    %broadcast_in_dim3A_565 = vector.shape_cast %reduce_min3A_564 : vector<512xf32> to vector<512x1xf32>
    %eq3A_566 = vector.broadcast %broadcast_in_dim3A_565 : vector<512x1xf32> to vector<512x128xf32>
    %eq3A_567 = arith.cmpf oeq, %select_n3A_552, %eq3A_566 : vector<512x128xf32>
    %select_n3A_568 = arith.select %eq3A_567, %select_n3A_553, %select_n3A_551 : vector<512x128xi1>, vector<512x128xf32>
    %select_n3A_569 = arith.select %eq3A_567, %select_n3A_554, %select_n3A_552 : vector<512x128xi1>, vector<512x128xf32>
    %reduce_min3A_570 = arith.constant dense<0x7F800000> : vector<512xf32>
    %reduce_min3A_571 = vector.multi_reduction <minimumf>, %select_n3A_568, %reduce_min3A_570 [1] : vector<512x128xf32> to vector<512xf32>
    %broadcast_in_dim3A_572 = vector.shape_cast %reduce_min3A_571 : vector<512xf32> to vector<512x1xf32>
    %le3A_573 = vector.broadcast %broadcast_in_dim3A_572 : vector<512x1xf32> to vector<512x128xf32>
    %le3A_574 = arith.cmpf ole, %select_n3A_568, %le3A_573 : vector<512x128xf32>
    %jit3A_575 = arith.constant 1.000000e+30 : f32
    %broadcast_in_dim3A_576 = vector.broadcast %jit3A_575 : f32 to vector<512x128xf32>
    %select_n3A_577 = arith.select %le3A_574, %select_n3A_569, %broadcast_in_dim3A_576 : vector<512x128xi1>, vector<512x128xf32>
    %reduce_min3A_578 = arith.constant dense<0x7F800000> : vector<512xf32>
    %reduce_min3A_579 = vector.multi_reduction <minimumf>, %select_n3A_577, %reduce_min3A_578 [1] : vector<512x128xf32> to vector<512xf32>
    %broadcast_in_dim3A_580 = vector.shape_cast %reduce_min3A_579 : vector<512xf32> to vector<512x1xf32>
    %concatenate3A = tpu.concatenate %broadcast_in_dim3A_245, %broadcast_in_dim3A_268, %broadcast_in_dim3A_292, %broadcast_in_dim3A_316, %broadcast_in_dim3A_340, %broadcast_in_dim3A_364, %broadcast_in_dim3A_388, %broadcast_in_dim3A_412, %broadcast_in_dim3A_436, %broadcast_in_dim3A_460, %broadcast_in_dim3A_484, %broadcast_in_dim3A_508, %broadcast_in_dim3A_529, %broadcast_in_dim3A_548, %broadcast_in_dim3A_565, %broadcast_in_dim3A_580 in 1 : vector<512x1xf32>, vector<512x1xf32>, vector<512x1xf32>, vector<512x1xf32>, vector<512x1xf32>, vector<512x1xf32>, vector<512x1xf32>, vector<512x1xf32>, vector<512x1xf32>, vector<512x1xf32>, vector<512x1xf32>, vector<512x1xf32>, vector<512x1xf32>, vector<512x1xf32>, vector<512x1xf32>, vector<512x1xf32> -> vector<512x16xf32>
    %convert_element_type3A_581 = arith.fptosi %concatenate3A : vector<512x16xf32> to vector<512x16xi32>
    %mul3A_582 = arith.constant 2048 : i32
    %mul3A_583 = arith.muli %add3A_0, %mul3A_582 : i32
    %add3A_584 = vector.broadcast %mul3A_583 : i32 to vector<512x16xi32>
    %add3A_585 = arith.addi %convert_element_type3A_581, %add3A_584 : vector<512x16xi32>
    %swap3A = arith.constant 0 : index
    %swap3A_586 = arith.constant 0 : index
    %swap3A_587 = arith.constant 0 : index
    %swap3A_588 = vector.load %arg4[%swap3A, %swap3A_586, %swap3A_587] : memref<1x512x16xi32, #tpu.memory_space<vmem>>, vector<1x512x16xi32>
    %swap3A_589 = vector.shape_cast %swap3A_588 : vector<1x512x16xi32> to vector<512x16xi32>
    %swap3A_590 = vector.shape_cast %add3A_585 : vector<512x16xi32> to vector<1x512x16xi32>
    tpu.vector_store %arg4[%swap3A, %swap3A_586, %swap3A_587], %swap3A_590 {strides = array<i32>} : memref<1x512x16xi32, #tpu.memory_space<vmem>>, vector<1x512x16xi32>,
    return
  }
  func.func @transform_0(%arg0: i32, %arg1: i32) -> (i32, i32, i32) {
    %c0_i32 = arith.constant 0 : i32
    %c0_i32_0 = arith.constant 0 : i32
    return %arg0, %arg1, %c0_i32 : i32, i32, i32
  }
  func.func @transform_1(%arg0: i32, %arg1: i32) -> (i32, i32, i32) {
    %c0_i32 = arith.constant 0 : i32
    %c0_i32_0 = arith.constant 0 : i32
    %c0_i32_1 = arith.constant 0 : i32
    return %arg0, %c0_i32, %c0_i32_0 : i32, i32, i32
  }
  func.func @transform_2(%arg0: i32, %arg1: i32) -> (i32, i32, i32) {
    %c0_i32 = arith.constant 0 : i32
    %c0_i32_0 = arith.constant 0 : i32
    return %arg0, %arg1, %c0_i32 : i32, i32, i32
  }
}

module attributes {stable_mosaic.version = 14 : i64} {
  func.func @_knn_body(%arg0: i32, %arg1: i32, %arg2: memref<1x512x16xf32, #tpu.memory_space<vmem>>, %arg3: memref<1x16x2048xf32, #tpu.memory_space<vmem>>, %arg4: memref<1x512x16xi32, #tpu.memory_space<vmem>>) attributes {dimension_semantics = [#tpu.dimension_semantics<arbitrary>, #tpu.dimension_semantics<arbitrary>], iteration_bounds = array<i64: 2, 4>, scalar_prefetch = 0 : i64, scratch_operands = 0 : i64, tpu.core_type = #tpu.core_type<tc>, window_params = [{transform_indices = @transform_0, window_bounds = array<i64: 1, 512, 16>}, {transform_indices = @transform_1, window_bounds = array<i64: 1, 16, 2048>}, {transform_indices = @transform_2, window_bounds = array<i64: 1, 512, 16>}]} {
    %add3A = arith.constant 0 : i32
    %add3A_0 = arith.addi %arg0, %add3A : i32
    %get3A = arith.constant 0 : index
    %get3A_1 = arith.constant 0 : index
    %get3A_2 = arith.constant 0 : index
    %get3A_3 = vector.load %arg2[%get3A, %get3A_1, %get3A_2] : memref<1x512x16xf32, #tpu.memory_space<vmem>>, vector<1x512x16xf32>
    %get3A_4 = vector.shape_cast %get3A_3 : vector<1x512x16xf32> to vector<512x16xf32>
    %get3A_5 = arith.constant 0 : index
    %get3A_6 = arith.constant 0 : index
    %get3A_7 = arith.constant 0 : index
    %get3A_8 = vector.load %arg3[%get3A_5, %get3A_6, %get3A_7] : memref<1x16x2048xf32, #tpu.memory_space<vmem>>, vector<1x16x2048xf32>
    %get3A_9 = vector.shape_cast %get3A_8 : vector<1x16x2048xf32> to vector<16x2048xf32>
    %slice3A = vector.extract_strided_slice %get3A_4 {offsets = [0, 0], sizes = [512, 1], strides = [1, 1]} : vector<512x16xf32> to vector<512x1xf32>
    %slice3A_10 = vector.extract_strided_slice %get3A_9 {offsets = [0, 0], sizes = [1, 2048], strides = [1, 1]} : vector<16x2048xf32> to vector<1x2048xf32>
    %sub3A = vector.broadcast %slice3A : vector<512x1xf32> to vector<512x2048xf32>
    %sub3A_11 = vector.broadcast %slice3A_10 : vector<1x2048xf32> to vector<512x2048xf32>
    %sub3A_12 = arith.subf %sub3A, %sub3A_11 : vector<512x2048xf32>
    %mul3A = arith.mulf %sub3A_12, %sub3A_12 : vector<512x2048xf32>
    %slice3A_13 = vector.extract_strided_slice %get3A_4 {offsets = [0, 1], sizes = [512, 1], strides = [1, 1]} : vector<512x16xf32> to vector<512x1xf32>
    %slice3A_14 = vector.extract_strided_slice %get3A_9 {offsets = [1, 0], sizes = [1, 2048], strides = [1, 1]} : vector<16x2048xf32> to vector<1x2048xf32>
    %sub3A_15 = vector.broadcast %slice3A_13 : vector<512x1xf32> to vector<512x2048xf32>
    %sub3A_16 = vector.broadcast %slice3A_14 : vector<1x2048xf32> to vector<512x2048xf32>
    %sub3A_17 = arith.subf %sub3A_15, %sub3A_16 : vector<512x2048xf32>
    %mul3A_18 = arith.mulf %sub3A_17, %sub3A_17 : vector<512x2048xf32>
    %add3A_19 = arith.addf %mul3A, %mul3A_18 : vector<512x2048xf32>
    %slice3A_20 = vector.extract_strided_slice %get3A_4 {offsets = [0, 2], sizes = [512, 1], strides = [1, 1]} : vector<512x16xf32> to vector<512x1xf32>
    %slice3A_21 = vector.extract_strided_slice %get3A_9 {offsets = [2, 0], sizes = [1, 2048], strides = [1, 1]} : vector<16x2048xf32> to vector<1x2048xf32>
    %sub3A_22 = vector.broadcast %slice3A_20 : vector<512x1xf32> to vector<512x2048xf32>
    %sub3A_23 = vector.broadcast %slice3A_21 : vector<1x2048xf32> to vector<512x2048xf32>
    %sub3A_24 = arith.subf %sub3A_22, %sub3A_23 : vector<512x2048xf32>
    %mul3A_25 = arith.mulf %sub3A_24, %sub3A_24 : vector<512x2048xf32>
    %add3A_26 = arith.addf %add3A_19, %mul3A_25 : vector<512x2048xf32>
    %iota3A = tpu.iota {dimensions = array<i32: 1>} : vector<512x512xi32>
    %convert_element_type3A = arith.sitofp %iota3A : vector<512x512xi32> to vector<512x512xf32>
    %slice3A_27 = vector.extract_strided_slice %add3A_26 {offsets = [0, 0], sizes = [512, 512], strides = [1, 1]} : vector<512x2048xf32> to vector<512x512xf32>
    %slice3A_28 = vector.extract_strided_slice %add3A_26 {offsets = [0, 512], sizes = [512, 512], strides = [1, 1]} : vector<512x2048xf32> to vector<512x512xf32>
    %slice3A_29 = vector.extract_strided_slice %add3A_26 {offsets = [0, 1024], sizes = [512, 512], strides = [1, 1]} : vector<512x2048xf32> to vector<512x512xf32>
    %slice3A_30 = vector.extract_strided_slice %add3A_26 {offsets = [0, 1536], sizes = [512, 512], strides = [1, 1]} : vector<512x2048xf32> to vector<512x512xf32>
    %add3A_31 = arith.constant 5.120000e+02 : f32
    %add3A_32 = vector.broadcast %add3A_31 : f32 to vector<512x512xf32>
    %add3A_33 = arith.addf %convert_element_type3A, %add3A_32 : vector<512x512xf32>
    %add3A_34 = arith.constant 1.024000e+03 : f32
    %add3A_35 = vector.broadcast %add3A_34 : f32 to vector<512x512xf32>
    %add3A_36 = arith.addf %convert_element_type3A, %add3A_35 : vector<512x512xf32>
    %add3A_37 = arith.constant 1.536000e+03 : f32
    %add3A_38 = vector.broadcast %add3A_37 : f32 to vector<512x512xf32>
    %add3A_39 = arith.addf %convert_element_type3A, %add3A_38 : vector<512x512xf32>
    %lt3A = arith.cmpf olt, %slice3A_28, %slice3A_27 : vector<512x512xf32>
    %min3A = arith.minimumf %slice3A_27, %slice3A_28 : vector<512x512xf32>
    %select_n3A = arith.select %lt3A, %add3A_33, %convert_element_type3A : vector<512x512xi1>, vector<512x512xf32>
    %max3A = arith.maximumf %slice3A_27, %slice3A_28 : vector<512x512xf32>
    %select_n3A_40 = arith.select %lt3A, %convert_element_type3A, %add3A_33 : vector<512x512xi1>, vector<512x512xf32>
    %lt3A_41 = arith.cmpf olt, %slice3A_29, %min3A : vector<512x512xf32>
    %max3A_42 = arith.maximumf %slice3A_29, %min3A : vector<512x512xf32>
    %select_n3A_43 = arith.select %lt3A_41, %select_n3A, %add3A_36 : vector<512x512xi1>, vector<512x512xf32>
    %min3A_44 = arith.minimumf %slice3A_29, %min3A : vector<512x512xf32>
    %select_n3A_45 = arith.select %lt3A_41, %add3A_36, %select_n3A : vector<512x512xi1>, vector<512x512xf32>
    %lt3A_46 = arith.cmpf olt, %max3A_42, %max3A : vector<512x512xf32>
    %max3A_47 = arith.maximumf %max3A_42, %max3A : vector<512x512xf32>
    %select_n3A_48 = arith.select %lt3A_46, %select_n3A_40, %select_n3A_43 : vector<512x512xi1>, vector<512x512xf32>
    %min3A_49 = arith.minimumf %max3A_42, %max3A : vector<512x512xf32>
    %select_n3A_50 = arith.select %lt3A_46, %select_n3A_43, %select_n3A_40 : vector<512x512xi1>, vector<512x512xf32>
    %lt3A_51 = arith.cmpf olt, %slice3A_30, %min3A_44 : vector<512x512xf32>
    %max3A_52 = arith.maximumf %slice3A_30, %min3A_44 : vector<512x512xf32>
    %select_n3A_53 = arith.select %lt3A_51, %select_n3A_45, %add3A_39 : vector<512x512xi1>, vector<512x512xf32>
    %min3A_54 = arith.minimumf %slice3A_30, %min3A_44 : vector<512x512xf32>
    %select_n3A_55 = arith.select %lt3A_51, %add3A_39, %select_n3A_45 : vector<512x512xi1>, vector<512x512xf32>
    %lt3A_56 = arith.cmpf olt, %max3A_52, %min3A_49 : vector<512x512xf32>
    %max3A_57 = arith.maximumf %max3A_52, %min3A_49 : vector<512x512xf32>
    %select_n3A_58 = arith.select %lt3A_56, %select_n3A_50, %select_n3A_53 : vector<512x512xi1>, vector<512x512xf32>
    %min3A_59 = arith.minimumf %max3A_52, %min3A_49 : vector<512x512xf32>
    %select_n3A_60 = arith.select %lt3A_56, %select_n3A_53, %select_n3A_50 : vector<512x512xi1>, vector<512x512xf32>
    %lt3A_61 = arith.cmpf olt, %max3A_57, %max3A_47 : vector<512x512xf32>
    %select_n3A_62 = arith.select %lt3A_61, %select_n3A_58, %select_n3A_48 : vector<512x512xi1>, vector<512x512xf32>
    %min3A_63 = arith.minimumf %max3A_57, %max3A_47 : vector<512x512xf32>
    %slice3A_64 = vector.extract_strided_slice %min3A_54 {offsets = [0, 0], sizes = [512, 128], strides = [1, 1]} : vector<512x512xf32> to vector<512x128xf32>
    %slice3A_65 = vector.extract_strided_slice %select_n3A_55 {offsets = [0, 0], sizes = [512, 128], strides = [1, 1]} : vector<512x512xf32> to vector<512x128xf32>
    %slice3A_66 = vector.extract_strided_slice %min3A_59 {offsets = [0, 0], sizes = [512, 128], strides = [1, 1]} : vector<512x512xf32> to vector<512x128xf32>
    %slice3A_67 = vector.extract_strided_slice %select_n3A_60 {offsets = [0, 0], sizes = [512, 128], strides = [1, 1]} : vector<512x512xf32> to vector<512x128xf32>
    %slice3A_68 = vector.extract_strided_slice %min3A_63 {offsets = [0, 0], sizes = [512, 128], strides = [1, 1]} : vector<512x512xf32> to vector<512x128xf32>
    %slice3A_69 = vector.extract_strided_slice %select_n3A_62 {offsets = [0, 0], sizes = [512, 128], strides = [1, 1]} : vector<512x512xf32> to vector<512x128xf32>
    %slice3A_70 = vector.extract_strided_slice %min3A_54 {offsets = [0, 128], sizes = [512, 128], strides = [1, 1]} : vector<512x512xf32> to vector<512x128xf32>
    %slice3A_71 = vector.extract_strided_slice %select_n3A_55 {offsets = [0, 128], sizes = [512, 128], strides = [1, 1]} : vector<512x512xf32> to vector<512x128xf32>
    %slice3A_72 = vector.extract_strided_slice %min3A_59 {offsets = [0, 128], sizes = [512, 128], strides = [1, 1]} : vector<512x512xf32> to vector<512x128xf32>
    %slice3A_73 = vector.extract_strided_slice %select_n3A_60 {offsets = [0, 128], sizes = [512, 128], strides = [1, 1]} : vector<512x512xf32> to vector<512x128xf32>
    %slice3A_74 = vector.extract_strided_slice %min3A_63 {offsets = [0, 128], sizes = [512, 128], strides = [1, 1]} : vector<512x512xf32> to vector<512x128xf32>
    %slice3A_75 = vector.extract_strided_slice %select_n3A_62 {offsets = [0, 128], sizes = [512, 128], strides = [1, 1]} : vector<512x512xf32> to vector<512x128xf32>
    %slice3A_76 = vector.extract_strided_slice %min3A_54 {offsets = [0, 256], sizes = [512, 128], strides = [1, 1]} : vector<512x512xf32> to vector<512x128xf32>
    %slice3A_77 = vector.extract_strided_slice %select_n3A_55 {offsets = [0, 256], sizes = [512, 128], strides = [1, 1]} : vector<512x512xf32> to vector<512x128xf32>
    %slice3A_78 = vector.extract_strided_slice %min3A_59 {offsets = [0, 256], sizes = [512, 128], strides = [1, 1]} : vector<512x512xf32> to vector<512x128xf32>
    %slice3A_79 = vector.extract_strided_slice %select_n3A_60 {offsets = [0, 256], sizes = [512, 128], strides = [1, 1]} : vector<512x512xf32> to vector<512x128xf32>
    %slice3A_80 = vector.extract_strided_slice %min3A_63 {offsets = [0, 256], sizes = [512, 128], strides = [1, 1]} : vector<512x512xf32> to vector<512x128xf32>
    %slice3A_81 = vector.extract_strided_slice %select_n3A_62 {offsets = [0, 256], sizes = [512, 128], strides = [1, 1]} : vector<512x512xf32> to vector<512x128xf32>
    %slice3A_82 = vector.extract_strided_slice %min3A_54 {offsets = [0, 384], sizes = [512, 128], strides = [1, 1]} : vector<512x512xf32> to vector<512x128xf32>
    %slice3A_83 = vector.extract_strided_slice %select_n3A_55 {offsets = [0, 384], sizes = [512, 128], strides = [1, 1]} : vector<512x512xf32> to vector<512x128xf32>
    %slice3A_84 = vector.extract_strided_slice %min3A_59 {offsets = [0, 384], sizes = [512, 128], strides = [1, 1]} : vector<512x512xf32> to vector<512x128xf32>
    %slice3A_85 = vector.extract_strided_slice %select_n3A_60 {offsets = [0, 384], sizes = [512, 128], strides = [1, 1]} : vector<512x512xf32> to vector<512x128xf32>
    %slice3A_86 = vector.extract_strided_slice %min3A_63 {offsets = [0, 384], sizes = [512, 128], strides = [1, 1]} : vector<512x512xf32> to vector<512x128xf32>
    %slice3A_87 = vector.extract_strided_slice %select_n3A_62 {offsets = [0, 384], sizes = [512, 128], strides = [1, 1]} : vector<512x512xf32> to vector<512x128xf32>
    %lt3A_88 = arith.cmpf olt, %slice3A_74, %slice3A_64 : vector<512x128xf32>
    %min3A_89 = arith.minimumf %slice3A_64, %slice3A_74 : vector<512x128xf32>
    %select_n3A_90 = arith.select %lt3A_88, %slice3A_75, %slice3A_65 : vector<512x128xi1>, vector<512x128xf32>
    %max3A_91 = arith.maximumf %slice3A_64, %slice3A_74 : vector<512x128xf32>
    %select_n3A_92 = arith.select %lt3A_88, %slice3A_65, %slice3A_75 : vector<512x128xi1>, vector<512x128xf32>
    %lt3A_93 = arith.cmpf olt, %slice3A_72, %slice3A_66 : vector<512x128xf32>
    %min3A_94 = arith.minimumf %slice3A_66, %slice3A_72 : vector<512x128xf32>
    %select_n3A_95 = arith.select %lt3A_93, %slice3A_73, %slice3A_67 : vector<512x128xi1>, vector<512x128xf32>
    %max3A_96 = arith.maximumf %slice3A_66, %slice3A_72 : vector<512x128xf32>
    %select_n3A_97 = arith.select %lt3A_93, %slice3A_67, %slice3A_73 : vector<512x128xi1>, vector<512x128xf32>
    %lt3A_98 = arith.cmpf olt, %slice3A_70, %slice3A_68 : vector<512x128xf32>
    %min3A_99 = arith.minimumf %slice3A_68, %slice3A_70 : vector<512x128xf32>
    %select_n3A_100 = arith.select %lt3A_98, %slice3A_71, %slice3A_69 : vector<512x128xi1>, vector<512x128xf32>
    %max3A_101 = arith.maximumf %slice3A_68, %slice3A_70 : vector<512x128xf32>
    %select_n3A_102 = arith.select %lt3A_98, %slice3A_69, %slice3A_71 : vector<512x128xi1>, vector<512x128xf32>
    %lt3A_103 = arith.cmpf olt, %min3A_94, %min3A_89 : vector<512x128xf32>
    %min3A_104 = arith.minimumf %min3A_89, %min3A_94 : vector<512x128xf32>
    %select_n3A_105 = arith.select %lt3A_103, %select_n3A_95, %select_n3A_90 : vector<512x128xi1>, vector<512x128xf32>
    %max3A_106 = arith.maximumf %min3A_89, %min3A_94 : vector<512x128xf32>
    %select_n3A_107 = arith.select %lt3A_103, %select_n3A_90, %select_n3A_95 : vector<512x128xi1>, vector<512x128xf32>
    %lt3A_108 = arith.cmpf olt, %min3A_99, %max3A_106 : vector<512x128xf32>
    %min3A_109 = arith.minimumf %max3A_106, %min3A_99 : vector<512x128xf32>
    %select_n3A_110 = arith.select %lt3A_108, %select_n3A_100, %select_n3A_107 : vector<512x128xi1>, vector<512x128xf32>
    %max3A_111 = arith.maximumf %max3A_106, %min3A_99 : vector<512x128xf32>
    %select_n3A_112 = arith.select %lt3A_108, %select_n3A_107, %select_n3A_100 : vector<512x128xi1>, vector<512x128xf32>
    %lt3A_113 = arith.cmpf olt, %min3A_109, %min3A_104 : vector<512x128xf32>
    %min3A_114 = arith.minimumf %min3A_104, %min3A_109 : vector<512x128xf32>
    %select_n3A_115 = arith.select %lt3A_113, %select_n3A_110, %select_n3A_105 : vector<512x128xi1>, vector<512x128xf32>
    %max3A_116 = arith.maximumf %min3A_104, %min3A_109 : vector<512x128xf32>
    %select_n3A_117 = arith.select %lt3A_113, %select_n3A_105, %select_n3A_110 : vector<512x128xi1>, vector<512x128xf32>
    %lt3A_118 = arith.cmpf olt, %max3A_96, %max3A_91 : vector<512x128xf32>
    %min3A_119 = arith.minimumf %max3A_91, %max3A_96 : vector<512x128xf32>
    %select_n3A_120 = arith.select %lt3A_118, %select_n3A_97, %select_n3A_92 : vector<512x128xi1>, vector<512x128xf32>
    %max3A_121 = arith.maximumf %max3A_91, %max3A_96 : vector<512x128xf32>
    %select_n3A_122 = arith.select %lt3A_118, %select_n3A_92, %select_n3A_97 : vector<512x128xi1>, vector<512x128xf32>
    %lt3A_123 = arith.cmpf olt, %max3A_101, %max3A_121 : vector<512x128xf32>
    %min3A_124 = arith.minimumf %max3A_121, %max3A_101 : vector<512x128xf32>
    %select_n3A_125 = arith.select %lt3A_123, %select_n3A_102, %select_n3A_122 : vector<512x128xi1>, vector<512x128xf32>
    %max3A_126 = arith.maximumf %max3A_121, %max3A_101 : vector<512x128xf32>
    %select_n3A_127 = arith.select %lt3A_123, %select_n3A_122, %select_n3A_102 : vector<512x128xi1>, vector<512x128xf32>
    %lt3A_128 = arith.cmpf olt, %min3A_124, %min3A_119 : vector<512x128xf32>
    %min3A_129 = arith.minimumf %min3A_119, %min3A_124 : vector<512x128xf32>
    %select_n3A_130 = arith.select %lt3A_128, %select_n3A_125, %select_n3A_120 : vector<512x128xi1>, vector<512x128xf32>
    %max3A_131 = arith.maximumf %min3A_119, %min3A_124 : vector<512x128xf32>
    %select_n3A_132 = arith.select %lt3A_128, %select_n3A_120, %select_n3A_125 : vector<512x128xi1>, vector<512x128xf32>
    %lt3A_133 = arith.cmpf olt, %slice3A_86, %slice3A_76 : vector<512x128xf32>
    %min3A_134 = arith.minimumf %slice3A_76, %slice3A_86 : vector<512x128xf32>
    %select_n3A_135 = arith.select %lt3A_133, %slice3A_87, %slice3A_77 : vector<512x128xi1>, vector<512x128xf32>
    %max3A_136 = arith.maximumf %slice3A_76, %slice3A_86 : vector<512x128xf32>
    %select_n3A_137 = arith.select %lt3A_133, %slice3A_77, %slice3A_87 : vector<512x128xi1>, vector<512x128xf32>
    %lt3A_138 = arith.cmpf olt, %slice3A_84, %slice3A_78 : vector<512x128xf32>
    %min3A_139 = arith.minimumf %slice3A_78, %slice3A_84 : vector<512x128xf32>
    %select_n3A_140 = arith.select %lt3A_138, %slice3A_85, %slice3A_79 : vector<512x128xi1>, vector<512x128xf32>
    %max3A_141 = arith.maximumf %slice3A_78, %slice3A_84 : vector<512x128xf32>
    %select_n3A_142 = arith.select %lt3A_138, %slice3A_79, %slice3A_85 : vector<512x128xi1>, vector<512x128xf32>
    %lt3A_143 = arith.cmpf olt, %slice3A_82, %slice3A_80 : vector<512x128xf32>
    %min3A_144 = arith.minimumf %slice3A_80, %slice3A_82 : vector<512x128xf32>
    %select_n3A_145 = arith.select %lt3A_143, %slice3A_83, %slice3A_81 : vector<512x128xi1>, vector<512x128xf32>
    %max3A_146 = arith.maximumf %slice3A_80, %slice3A_82 : vector<512x128xf32>
    %select_n3A_147 = arith.select %lt3A_143, %slice3A_81, %slice3A_83 : vector<512x128xi1>, vector<512x128xf32>
    %lt3A_148 = arith.cmpf olt, %min3A_139, %min3A_134 : vector<512x128xf32>
    %min3A_149 = arith.minimumf %min3A_134, %min3A_139 : vector<512x128xf32>
    %select_n3A_150 = arith.select %lt3A_148, %select_n3A_140, %select_n3A_135 : vector<512x128xi1>, vector<512x128xf32>
    %max3A_151 = arith.maximumf %min3A_134, %min3A_139 : vector<512x128xf32>
    %select_n3A_152 = arith.select %lt3A_148, %select_n3A_135, %select_n3A_140 : vector<512x128xi1>, vector<512x128xf32>
    %lt3A_153 = arith.cmpf olt, %min3A_144, %max3A_151 : vector<512x128xf32>
    %min3A_154 = arith.minimumf %max3A_151, %min3A_144 : vector<512x128xf32>
    %select_n3A_155 = arith.select %lt3A_153, %select_n3A_145, %select_n3A_152 : vector<512x128xi1>, vector<512x128xf32>
    %max3A_156 = arith.maximumf %max3A_151, %min3A_144 : vector<512x128xf32>
    %select_n3A_157 = arith.select %lt3A_153, %select_n3A_152, %select_n3A_145 : vector<512x128xi1>, vector<512x128xf32>
    %lt3A_158 = arith.cmpf olt, %min3A_154, %min3A_149 : vector<512x128xf32>
    %min3A_159 = arith.minimumf %min3A_149, %min3A_154 : vector<512x128xf32>
    %select_n3A_160 = arith.select %lt3A_158, %select_n3A_155, %select_n3A_150 : vector<512x128xi1>, vector<512x128xf32>
    %max3A_161 = arith.maximumf %min3A_149, %min3A_154 : vector<512x128xf32>
    %select_n3A_162 = arith.select %lt3A_158, %select_n3A_150, %select_n3A_155 : vector<512x128xi1>, vector<512x128xf32>
    %lt3A_163 = arith.cmpf olt, %max3A_141, %max3A_136 : vector<512x128xf32>
    %min3A_164 = arith.minimumf %max3A_136, %max3A_141 : vector<512x128xf32>
    %select_n3A_165 = arith.select %lt3A_163, %select_n3A_142, %select_n3A_137 : vector<512x128xi1>, vector<512x128xf32>
    %max3A_166 = arith.maximumf %max3A_136, %max3A_141 : vector<512x128xf32>
    %select_n3A_167 = arith.select %lt3A_163, %select_n3A_137, %select_n3A_142 : vector<512x128xi1>, vector<512x128xf32>
    %lt3A_168 = arith.cmpf olt, %max3A_146, %max3A_166 : vector<512x128xf32>
    %min3A_169 = arith.minimumf %max3A_166, %max3A_146 : vector<512x128xf32>
    %select_n3A_170 = arith.select %lt3A_168, %select_n3A_147, %select_n3A_167 : vector<512x128xi1>, vector<512x128xf32>
    %max3A_171 = arith.maximumf %max3A_166, %max3A_146 : vector<512x128xf32>
    %select_n3A_172 = arith.select %lt3A_168, %select_n3A_167, %select_n3A_147 : vector<512x128xi1>, vector<512x128xf32>
    %lt3A_173 = arith.cmpf olt, %min3A_169, %min3A_164 : vector<512x128xf32>
    %min3A_174 = arith.minimumf %min3A_164, %min3A_169 : vector<512x128xf32>
    %select_n3A_175 = arith.select %lt3A_173, %select_n3A_170, %select_n3A_165 : vector<512x128xi1>, vector<512x128xf32>
    %max3A_176 = arith.maximumf %min3A_164, %min3A_169 : vector<512x128xf32>
    %select_n3A_177 = arith.select %lt3A_173, %select_n3A_165, %select_n3A_170 : vector<512x128xi1>, vector<512x128xf32>
    %lt3A_178 = arith.cmpf olt, %max3A_171, %min3A_114 : vector<512x128xf32>
    %min3A_179 = arith.minimumf %min3A_114, %max3A_171 : vector<512x128xf32>
    %select_n3A_180 = arith.select %lt3A_178, %select_n3A_172, %select_n3A_115 : vector<512x128xi1>, vector<512x128xf32>
    %lt3A_181 = arith.cmpf olt, %max3A_176, %max3A_116 : vector<512x128xf32>
    %min3A_182 = arith.minimumf %max3A_116, %max3A_176 : vector<512x128xf32>
    %select_n3A_183 = arith.select %lt3A_181, %select_n3A_177, %select_n3A_117 : vector<512x128xi1>, vector<512x128xf32>
    %lt3A_184 = arith.cmpf olt, %min3A_174, %max3A_111 : vector<512x128xf32>
    %min3A_185 = arith.minimumf %max3A_111, %min3A_174 : vector<512x128xf32>
    %select_n3A_186 = arith.select %lt3A_184, %select_n3A_175, %select_n3A_112 : vector<512x128xi1>, vector<512x128xf32>
    %lt3A_187 = arith.cmpf olt, %max3A_156, %min3A_129 : vector<512x128xf32>
    %min3A_188 = arith.minimumf %min3A_129, %max3A_156 : vector<512x128xf32>
    %select_n3A_189 = arith.select %lt3A_187, %select_n3A_157, %select_n3A_130 : vector<512x128xi1>, vector<512x128xf32>
    %lt3A_190 = arith.cmpf olt, %max3A_161, %max3A_131 : vector<512x128xf32>
    %min3A_191 = arith.minimumf %max3A_131, %max3A_161 : vector<512x128xf32>
    %select_n3A_192 = arith.select %lt3A_190, %select_n3A_162, %select_n3A_132 : vector<512x128xi1>, vector<512x128xf32>
    %lt3A_193 = arith.cmpf olt, %min3A_159, %max3A_126 : vector<512x128xf32>
    %min3A_194 = arith.minimumf %max3A_126, %min3A_159 : vector<512x128xf32>
    %select_n3A_195 = arith.select %lt3A_193, %select_n3A_160, %select_n3A_127 : vector<512x128xi1>, vector<512x128xf32>
    %lt3A_196 = arith.cmpf olt, %min3A_188, %min3A_179 : vector<512x128xf32>
    %min3A_197 = arith.minimumf %min3A_179, %min3A_188 : vector<512x128xf32>
    %select_n3A_198 = arith.select %lt3A_196, %select_n3A_189, %select_n3A_180 : vector<512x128xi1>, vector<512x128xf32>
    %max3A_199 = arith.maximumf %min3A_179, %min3A_188 : vector<512x128xf32>
    %select_n3A_200 = arith.select %lt3A_196, %select_n3A_180, %select_n3A_189 : vector<512x128xi1>, vector<512x128xf32>
    %lt3A_201 = arith.cmpf olt, %min3A_191, %min3A_182 : vector<512x128xf32>
    %min3A_202 = arith.minimumf %min3A_182, %min3A_191 : vector<512x128xf32>
    %select_n3A_203 = arith.select %lt3A_201, %select_n3A_192, %select_n3A_183 : vector<512x128xi1>, vector<512x128xf32>
    %max3A_204 = arith.maximumf %min3A_182, %min3A_191 : vector<512x128xf32>
    %select_n3A_205 = arith.select %lt3A_201, %select_n3A_183, %select_n3A_192 : vector<512x128xi1>, vector<512x128xf32>
    %lt3A_206 = arith.cmpf olt, %min3A_194, %min3A_185 : vector<512x128xf32>
    %min3A_207 = arith.minimumf %min3A_185, %min3A_194 : vector<512x128xf32>
    %select_n3A_208 = arith.select %lt3A_206, %select_n3A_195, %select_n3A_186 : vector<512x128xi1>, vector<512x128xf32>
    %max3A_209 = arith.maximumf %min3A_185, %min3A_194 : vector<512x128xf32>
    %select_n3A_210 = arith.select %lt3A_206, %select_n3A_186, %select_n3A_195 : vector<512x128xi1>, vector<512x128xf32>
    %lt3A_211 = arith.cmpf olt, %min3A_202, %min3A_197 : vector<512x128xf32>
    %min3A_212 = arith.minimumf %min3A_197, %min3A_202 : vector<512x128xf32>
    %select_n3A_213 = arith.select %lt3A_211, %select_n3A_203, %select_n3A_198 : vector<512x128xi1>, vector<512x128xf32>
    %max3A_214 = arith.maximumf %min3A_197, %min3A_202 : vector<512x128xf32>
    %select_n3A_215 = arith.select %lt3A_211, %select_n3A_198, %select_n3A_203 : vector<512x128xi1>, vector<512x128xf32>
    %lt3A_216 = arith.cmpf olt, %min3A_207, %max3A_214 : vector<512x128xf32>
    %min3A_217 = arith.minimumf %max3A_214, %min3A_207 : vector<512x128xf32>
    %select_n3A_218 = arith.select %lt3A_216, %select_n3A_208, %select_n3A_215 : vector<512x128xi1>, vector<512x128xf32>
    %max3A_219 = arith.maximumf %max3A_214, %min3A_207 : vector<512x128xf32>
    %select_n3A_220 = arith.select %lt3A_216, %select_n3A_215, %select_n3A_208 : vector<512x128xi1>, vector<512x128xf32>
    %lt3A_221 = arith.cmpf olt, %min3A_217, %min3A_212 : vector<512x128xf32>
    %min3A_222 = arith.minimumf %min3A_212, %min3A_217 : vector<512x128xf32>
    %select_n3A_223 = arith.select %lt3A_221, %select_n3A_218, %select_n3A_213 : vector<512x128xi1>, vector<512x128xf32>
    %max3A_224 = arith.maximumf %min3A_212, %min3A_217 : vector<512x128xf32>
    %select_n3A_225 = arith.select %lt3A_221, %select_n3A_213, %select_n3A_218 : vector<512x128xi1>, vector<512x128xf32>
    %lt3A_226 = arith.cmpf olt, %max3A_204, %max3A_199 : vector<512x128xf32>
    %min3A_227 = arith.minimumf %max3A_199, %max3A_204 : vector<512x128xf32>
    %select_n3A_228 = arith.select %lt3A_226, %select_n3A_205, %select_n3A_200 : vector<512x128xi1>, vector<512x128xf32>
    %max3A_229 = arith.maximumf %max3A_199, %max3A_204 : vector<512x128xf32>
    %select_n3A_230 = arith.select %lt3A_226, %select_n3A_200, %select_n3A_205 : vector<512x128xi1>, vector<512x128xf32>
    %lt3A_231 = arith.cmpf olt, %max3A_209, %max3A_229 : vector<512x128xf32>
    %min3A_232 = arith.minimumf %max3A_229, %max3A_209 : vector<512x128xf32>
    %select_n3A_233 = arith.select %lt3A_231, %select_n3A_210, %select_n3A_230 : vector<512x128xi1>, vector<512x128xf32>
    %lt3A_234 = arith.cmpf olt, %min3A_232, %min3A_227 : vector<512x128xf32>
    %min3A_235 = arith.minimumf %min3A_227, %min3A_232 : vector<512x128xf32>
    %select_n3A_236 = arith.select %lt3A_234, %select_n3A_233, %select_n3A_228 : vector<512x128xi1>, vector<512x128xf32>
    %max3A_237 = arith.maximumf %min3A_227, %min3A_232 : vector<512x128xf32>
    %select_n3A_238 = arith.select %lt3A_234, %select_n3A_228, %select_n3A_233 : vector<512x128xi1>, vector<512x128xf32>
    %reduce_min3A = arith.constant dense<0x7F800000> : vector<512xf32>
    %reduce_min3A_239 = vector.multi_reduction <minimumf>, %min3A_222, %reduce_min3A [1] : vector<512x128xf32> to vector<512xf32>
    %broadcast_in_dim3A = vector.shape_cast %reduce_min3A_239 : vector<512xf32> to vector<512x1xf32>
    %le3A = vector.broadcast %broadcast_in_dim3A : vector<512x1xf32> to vector<512x128xf32>
    %le3A_240 = arith.cmpf ole, %min3A_222, %le3A : vector<512x128xf32>
    %jit3A = arith.constant 1.000000e+30 : f32
    %broadcast_in_dim3A_241 = vector.broadcast %jit3A : f32 to vector<512x128xf32>
    %select_n3A_242 = arith.select %le3A_240, %select_n3A_223, %broadcast_in_dim3A_241 : vector<512x128xi1>, vector<512x128xf32>
    %reduce_min3A_243 = arith.constant dense<0x7F800000> : vector<512xf32>
    %reduce_min3A_244 = vector.multi_reduction <minimumf>, %select_n3A_242, %reduce_min3A_243 [1] : vector<512x128xf32> to vector<512xf32>
    %broadcast_in_dim3A_245 = vector.shape_cast %reduce_min3A_244 : vector<512xf32> to vector<512x1xf32>
    %eq3A = vector.broadcast %broadcast_in_dim3A_245 : vector<512x1xf32> to vector<512x128xf32>
    %eq3A_246 = arith.cmpf oeq, %select_n3A_223, %eq3A : vector<512x128xf32>
    %select_n3A_247 = arith.select %eq3A_246, %max3A_224, %min3A_222 : vector<512x128xi1>, vector<512x128xf32>
    %select_n3A_248 = arith.select %eq3A_246, %select_n3A_225, %select_n3A_223 : vector<512x128xi1>, vector<512x128xf32>
    %select_n3A_249 = arith.select %eq3A_246, %max3A_219, %max3A_224 : vector<512x128xi1>, vector<512x128xf32>
    %select_n3A_250 = arith.select %eq3A_246, %select_n3A_220, %select_n3A_225 : vector<512x128xi1>, vector<512x128xf32>
    %select_n3A_251 = arith.select %eq3A_246, %min3A_235, %max3A_219 : vector<512x128xi1>, vector<512x128xf32>
    %select_n3A_252 = arith.select %eq3A_246, %select_n3A_236, %select_n3A_220 : vector<512x128xi1>, vector<512x128xf32>
    %select_n3A_253 = arith.select %eq3A_246, %max3A_237, %min3A_235 : vector<512x128xi1>, vector<512x128xf32>
    %select_n3A_254 = arith.select %eq3A_246, %select_n3A_238, %select_n3A_236 : vector<512x128xi1>, vector<512x128xf32>
    %jit3A_255 = arith.constant 1.000000e+30 : f32
    %broadcast_in_dim3A_256 = vector.broadcast %jit3A_255 : f32 to vector<512x128xf32>
    %select_n3A_257 = arith.select %eq3A_246, %broadcast_in_dim3A_256, %max3A_237 : vector<512x128xi1>, vector<512x128xf32>
    %reduce_min3A_258 = arith.constant dense<0x7F800000> : vector<512xf32>
    %reduce_min3A_259 = vector.multi_reduction <minimumf>, %select_n3A_247, %reduce_min3A_258 [1] : vector<512x128xf32> to vector<512xf32>
    %broadcast_in_dim3A_260 = vector.shape_cast %reduce_min3A_259 : vector<512xf32> to vector<512x1xf32>
    %le3A_261 = vector.broadcast %broadcast_in_dim3A_260 : vector<512x1xf32> to vector<512x128xf32>
    %le3A_262 = arith.cmpf ole, %select_n3A_247, %le3A_261 : vector<512x128xf32>
    %jit3A_263 = arith.constant 1.000000e+30 : f32
    %broadcast_in_dim3A_264 = vector.broadcast %jit3A_263 : f32 to vector<512x128xf32>
    %select_n3A_265 = arith.select %le3A_262, %select_n3A_248, %broadcast_in_dim3A_264 : vector<512x128xi1>, vector<512x128xf32>
    %reduce_min3A_266 = arith.constant dense<0x7F800000> : vector<512xf32>
    %reduce_min3A_267 = vector.multi_reduction <minimumf>, %select_n3A_265, %reduce_min3A_266 [1] : vector<512x128xf32> to vector<512xf32>
    %broadcast_in_dim3A_268 = vector.shape_cast %reduce_min3A_267 : vector<512xf32> to vector<512x1xf32>
    %eq3A_269 = vector.broadcast %broadcast_in_dim3A_268 : vector<512x1xf32> to vector<512x128xf32>
    %eq3A_270 = arith.cmpf oeq, %select_n3A_248, %eq3A_269 : vector<512x128xf32>
    %select_n3A_271 = arith.select %eq3A_270, %select_n3A_249, %select_n3A_247 : vector<512x128xi1>, vector<512x128xf32>
    %select_n3A_272 = arith.select %eq3A_270, %select_n3A_250, %select_n3A_248 : vector<512x128xi1>, vector<512x128xf32>
    %select_n3A_273 = arith.select %eq3A_270, %select_n3A_251, %select_n3A_249 : vector<512x128xi1>, vector<512x128xf32>
    %select_n3A_274 = arith.select %eq3A_270, %select_n3A_252, %select_n3A_250 : vector<512x128xi1>, vector<512x128xf32>
    %select_n3A_275 = arith.select %eq3A_270, %select_n3A_253, %select_n3A_251 : vector<512x128xi1>, vector<512x128xf32>
    %select_n3A_276 = arith.select %eq3A_270, %select_n3A_254, %select_n3A_252 : vector<512x128xi1>, vector<512x128xf32>
    %select_n3A_277 = arith.select %eq3A_270, %select_n3A_257, %select_n3A_253 : vector<512x128xi1>, vector<512x128xf32>
    %select_n3A_278 = arith.select %eq3A_270, %select_n3A_238, %select_n3A_254 : vector<512x128xi1>, vector<512x128xf32>
    %jit3A_279 = arith.constant 1.000000e+30 : f32
    %broadcast_in_dim3A_280 = vector.broadcast %jit3A_279 : f32 to vector<512x128xf32>
    %select_n3A_281 = arith.select %eq3A_270, %broadcast_in_dim3A_280, %select_n3A_257 : vector<512x128xi1>, vector<512x128xf32>
    %reduce_min3A_282 = arith.constant dense<0x7F800000> : vector<512xf32>
    %reduce_min3A_283 = vector.multi_reduction <minimumf>, %select_n3A_271, %reduce_min3A_282 [1] : vector<512x128xf32> to vector<512xf32>
    %broadcast_in_dim3A_284 = vector.shape_cast %reduce_min3A_283 : vector<512xf32> to vector<512x1xf32>
    %le3A_285 = vector.broadcast %broadcast_in_dim3A_284 : vector<512x1xf32> to vector<512x128xf32>
    %le3A_286 = arith.cmpf ole, %select_n3A_271, %le3A_285 : vector<512x128xf32>
    %jit3A_287 = arith.constant 1.000000e+30 : f32
    %broadcast_in_dim3A_288 = vector.broadcast %jit3A_287 : f32 to vector<512x128xf32>
    %select_n3A_289 = arith.select %le3A_286, %select_n3A_272, %broadcast_in_dim3A_288 : vector<512x128xi1>, vector<512x128xf32>
    %reduce_min3A_290 = arith.constant dense<0x7F800000> : vector<512xf32>
    %reduce_min3A_291 = vector.multi_reduction <minimumf>, %select_n3A_289, %reduce_min3A_290 [1] : vector<512x128xf32> to vector<512xf32>
    %broadcast_in_dim3A_292 = vector.shape_cast %reduce_min3A_291 : vector<512xf32> to vector<512x1xf32>
    %eq3A_293 = vector.broadcast %broadcast_in_dim3A_292 : vector<512x1xf32> to vector<512x128xf32>
    %eq3A_294 = arith.cmpf oeq, %select_n3A_272, %eq3A_293 : vector<512x128xf32>
    %select_n3A_295 = arith.select %eq3A_294, %select_n3A_273, %select_n3A_271 : vector<512x128xi1>, vector<512x128xf32>
    %select_n3A_296 = arith.select %eq3A_294, %select_n3A_274, %select_n3A_272 : vector<512x128xi1>, vector<512x128xf32>
    %select_n3A_297 = arith.select %eq3A_294, %select_n3A_275, %select_n3A_273 : vector<512x128xi1>, vector<512x128xf32>
    %select_n3A_298 = arith.select %eq3A_294, %select_n3A_276, %select_n3A_274 : vector<512x128xi1>, vector<512x128xf32>
    %select_n3A_299 = arith.select %eq3A_294, %select_n3A_277, %select_n3A_275 : vector<512x128xi1>, vector<512x128xf32>
    %select_n3A_300 = arith.select %eq3A_294, %select_n3A_278, %select_n3A_276 : vector<512x128xi1>, vector<512x128xf32>
    %select_n3A_301 = arith.select %eq3A_294, %select_n3A_281, %select_n3A_277 : vector<512x128xi1>, vector<512x128xf32>
    %select_n3A_302 = arith.select %eq3A_294, %select_n3A_238, %select_n3A_278 : vector<512x128xi1>, vector<512x128xf32>
    %jit3A_303 = arith.constant 1.000000e+30 : f32
    %broadcast_in_dim3A_304 = vector.broadcast %jit3A_303 : f32 to vector<512x128xf32>
    %select_n3A_305 = arith.select %eq3A_294, %broadcast_in_dim3A_304, %select_n3A_281 : vector<512x128xi1>, vector<512x128xf32>
    %reduce_min3A_306 = arith.constant dense<0x7F800000> : vector<512xf32>
    %reduce_min3A_307 = vector.multi_reduction <minimumf>, %select_n3A_295, %reduce_min3A_306 [1] : vector<512x128xf32> to vector<512xf32>
    %broadcast_in_dim3A_308 = vector.shape_cast %reduce_min3A_307 : vector<512xf32> to vector<512x1xf32>
    %le3A_309 = vector.broadcast %broadcast_in_dim3A_308 : vector<512x1xf32> to vector<512x128xf32>
    %le3A_310 = arith.cmpf ole, %select_n3A_295, %le3A_309 : vector<512x128xf32>
    %jit3A_311 = arith.constant 1.000000e+30 : f32
    %broadcast_in_dim3A_312 = vector.broadcast %jit3A_311 : f32 to vector<512x128xf32>
    %select_n3A_313 = arith.select %le3A_310, %select_n3A_296, %broadcast_in_dim3A_312 : vector<512x128xi1>, vector<512x128xf32>
    %reduce_min3A_314 = arith.constant dense<0x7F800000> : vector<512xf32>
    %reduce_min3A_315 = vector.multi_reduction <minimumf>, %select_n3A_313, %reduce_min3A_314 [1] : vector<512x128xf32> to vector<512xf32>
    %broadcast_in_dim3A_316 = vector.shape_cast %reduce_min3A_315 : vector<512xf32> to vector<512x1xf32>
    %eq3A_317 = vector.broadcast %broadcast_in_dim3A_316 : vector<512x1xf32> to vector<512x128xf32>
    %eq3A_318 = arith.cmpf oeq, %select_n3A_296, %eq3A_317 : vector<512x128xf32>
    %select_n3A_319 = arith.select %eq3A_318, %select_n3A_297, %select_n3A_295 : vector<512x128xi1>, vector<512x128xf32>
    %select_n3A_320 = arith.select %eq3A_318, %select_n3A_298, %select_n3A_296 : vector<512x128xi1>, vector<512x128xf32>
    %select_n3A_321 = arith.select %eq3A_318, %select_n3A_299, %select_n3A_297 : vector<512x128xi1>, vector<512x128xf32>
    %select_n3A_322 = arith.select %eq3A_318, %select_n3A_300, %select_n3A_298 : vector<512x128xi1>, vector<512x128xf32>
    %select_n3A_323 = arith.select %eq3A_318, %select_n3A_301, %select_n3A_299 : vector<512x128xi1>, vector<512x128xf32>
    %select_n3A_324 = arith.select %eq3A_318, %select_n3A_302, %select_n3A_300 : vector<512x128xi1>, vector<512x128xf32>
    %select_n3A_325 = arith.select %eq3A_318, %select_n3A_305, %select_n3A_301 : vector<512x128xi1>, vector<512x128xf32>
    %select_n3A_326 = arith.select %eq3A_318, %select_n3A_238, %select_n3A_302 : vector<512x128xi1>, vector<512x128xf32>
    %jit3A_327 = arith.constant 1.000000e+30 : f32
    %broadcast_in_dim3A_328 = vector.broadcast %jit3A_327 : f32 to vector<512x128xf32>
    %select_n3A_329 = arith.select %eq3A_318, %broadcast_in_dim3A_328, %select_n3A_305 : vector<512x128xi1>, vector<512x128xf32>
    %reduce_min3A_330 = arith.constant dense<0x7F800000> : vector<512xf32>
    %reduce_min3A_331 = vector.multi_reduction <minimumf>, %select_n3A_319, %reduce_min3A_330 [1] : vector<512x128xf32> to vector<512xf32>
    %broadcast_in_dim3A_332 = vector.shape_cast %reduce_min3A_331 : vector<512xf32> to vector<512x1xf32>
    %le3A_333 = vector.broadcast %broadcast_in_dim3A_332 : vector<512x1xf32> to vector<512x128xf32>
    %le3A_334 = arith.cmpf ole, %select_n3A_319, %le3A_333 : vector<512x128xf32>
    %jit3A_335 = arith.constant 1.000000e+30 : f32
    %broadcast_in_dim3A_336 = vector.broadcast %jit3A_335 : f32 to vector<512x128xf32>
    %select_n3A_337 = arith.select %le3A_334, %select_n3A_320, %broadcast_in_dim3A_336 : vector<512x128xi1>, vector<512x128xf32>
    %reduce_min3A_338 = arith.constant dense<0x7F800000> : vector<512xf32>
    %reduce_min3A_339 = vector.multi_reduction <minimumf>, %select_n3A_337, %reduce_min3A_338 [1] : vector<512x128xf32> to vector<512xf32>
    %broadcast_in_dim3A_340 = vector.shape_cast %reduce_min3A_339 : vector<512xf32> to vector<512x1xf32>
    %eq3A_341 = vector.broadcast %broadcast_in_dim3A_340 : vector<512x1xf32> to vector<512x128xf32>
    %eq3A_342 = arith.cmpf oeq, %select_n3A_320, %eq3A_341 : vector<512x128xf32>
    %select_n3A_343 = arith.select %eq3A_342, %select_n3A_321, %select_n3A_319 : vector<512x128xi1>, vector<512x128xf32>
    %select_n3A_344 = arith.select %eq3A_342, %select_n3A_322, %select_n3A_320 : vector<512x128xi1>, vector<512x128xf32>
    %select_n3A_345 = arith.select %eq3A_342, %select_n3A_323, %select_n3A_321 : vector<512x128xi1>, vector<512x128xf32>
    %select_n3A_346 = arith.select %eq3A_342, %select_n3A_324, %select_n3A_322 : vector<512x128xi1>, vector<512x128xf32>
    %select_n3A_347 = arith.select %eq3A_342, %select_n3A_325, %select_n3A_323 : vector<512x128xi1>, vector<512x128xf32>
    %select_n3A_348 = arith.select %eq3A_342, %select_n3A_326, %select_n3A_324 : vector<512x128xi1>, vector<512x128xf32>
    %select_n3A_349 = arith.select %eq3A_342, %select_n3A_329, %select_n3A_325 : vector<512x128xi1>, vector<512x128xf32>
    %select_n3A_350 = arith.select %eq3A_342, %select_n3A_238, %select_n3A_326 : vector<512x128xi1>, vector<512x128xf32>
    %jit3A_351 = arith.constant 1.000000e+30 : f32
    %broadcast_in_dim3A_352 = vector.broadcast %jit3A_351 : f32 to vector<512x128xf32>
    %select_n3A_353 = arith.select %eq3A_342, %broadcast_in_dim3A_352, %select_n3A_329 : vector<512x128xi1>, vector<512x128xf32>
    %reduce_min3A_354 = arith.constant dense<0x7F800000> : vector<512xf32>
    %reduce_min3A_355 = vector.multi_reduction <minimumf>, %select_n3A_343, %reduce_min3A_354 [1] : vector<512x128xf32> to vector<512xf32>
    %broadcast_in_dim3A_356 = vector.shape_cast %reduce_min3A_355 : vector<512xf32> to vector<512x1xf32>
    %le3A_357 = vector.broadcast %broadcast_in_dim3A_356 : vector<512x1xf32> to vector<512x128xf32>
    %le3A_358 = arith.cmpf ole, %select_n3A_343, %le3A_357 : vector<512x128xf32>
    %jit3A_359 = arith.constant 1.000000e+30 : f32
    %broadcast_in_dim3A_360 = vector.broadcast %jit3A_359 : f32 to vector<512x128xf32>
    %select_n3A_361 = arith.select %le3A_358, %select_n3A_344, %broadcast_in_dim3A_360 : vector<512x128xi1>, vector<512x128xf32>
    %reduce_min3A_362 = arith.constant dense<0x7F800000> : vector<512xf32>
    %reduce_min3A_363 = vector.multi_reduction <minimumf>, %select_n3A_361, %reduce_min3A_362 [1] : vector<512x128xf32> to vector<512xf32>
    %broadcast_in_dim3A_364 = vector.shape_cast %reduce_min3A_363 : vector<512xf32> to vector<512x1xf32>
    %eq3A_365 = vector.broadcast %broadcast_in_dim3A_364 : vector<512x1xf32> to vector<512x128xf32>
    %eq3A_366 = arith.cmpf oeq, %select_n3A_344, %eq3A_365 : vector<512x128xf32>
    %select_n3A_367 = arith.select %eq3A_366, %select_n3A_345, %select_n3A_343 : vector<512x128xi1>, vector<512x128xf32>
    %select_n3A_368 = arith.select %eq3A_366, %select_n3A_346, %select_n3A_344 : vector<512x128xi1>, vector<512x128xf32>
    %select_n3A_369 = arith.select %eq3A_366, %select_n3A_347, %select_n3A_345 : vector<512x128xi1>, vector<512x128xf32>
    %select_n3A_370 = arith.select %eq3A_366, %select_n3A_348, %select_n3A_346 : vector<512x128xi1>, vector<512x128xf32>
    %select_n3A_371 = arith.select %eq3A_366, %select_n3A_349, %select_n3A_347 : vector<512x128xi1>, vector<512x128xf32>
    %select_n3A_372 = arith.select %eq3A_366, %select_n3A_350, %select_n3A_348 : vector<512x128xi1>, vector<512x128xf32>
    %select_n3A_373 = arith.select %eq3A_366, %select_n3A_353, %select_n3A_349 : vector<512x128xi1>, vector<512x128xf32>
    %select_n3A_374 = arith.select %eq3A_366, %select_n3A_238, %select_n3A_350 : vector<512x128xi1>, vector<512x128xf32>
    %jit3A_375 = arith.constant 1.000000e+30 : f32
    %broadcast_in_dim3A_376 = vector.broadcast %jit3A_375 : f32 to vector<512x128xf32>
    %select_n3A_377 = arith.select %eq3A_366, %broadcast_in_dim3A_376, %select_n3A_353 : vector<512x128xi1>, vector<512x128xf32>
    %reduce_min3A_378 = arith.constant dense<0x7F800000> : vector<512xf32>
    %reduce_min3A_379 = vector.multi_reduction <minimumf>, %select_n3A_367, %reduce_min3A_378 [1] : vector<512x128xf32> to vector<512xf32>
    %broadcast_in_dim3A_380 = vector.shape_cast %reduce_min3A_379 : vector<512xf32> to vector<512x1xf32>
    %le3A_381 = vector.broadcast %broadcast_in_dim3A_380 : vector<512x1xf32> to vector<512x128xf32>
    %le3A_382 = arith.cmpf ole, %select_n3A_367, %le3A_381 : vector<512x128xf32>
    %jit3A_383 = arith.constant 1.000000e+30 : f32
    %broadcast_in_dim3A_384 = vector.broadcast %jit3A_383 : f32 to vector<512x128xf32>
    %select_n3A_385 = arith.select %le3A_382, %select_n3A_368, %broadcast_in_dim3A_384 : vector<512x128xi1>, vector<512x128xf32>
    %reduce_min3A_386 = arith.constant dense<0x7F800000> : vector<512xf32>
    %reduce_min3A_387 = vector.multi_reduction <minimumf>, %select_n3A_385, %reduce_min3A_386 [1] : vector<512x128xf32> to vector<512xf32>
    %broadcast_in_dim3A_388 = vector.shape_cast %reduce_min3A_387 : vector<512xf32> to vector<512x1xf32>
    %eq3A_389 = vector.broadcast %broadcast_in_dim3A_388 : vector<512x1xf32> to vector<512x128xf32>
    %eq3A_390 = arith.cmpf oeq, %select_n3A_368, %eq3A_389 : vector<512x128xf32>
    %select_n3A_391 = arith.select %eq3A_390, %select_n3A_369, %select_n3A_367 : vector<512x128xi1>, vector<512x128xf32>
    %select_n3A_392 = arith.select %eq3A_390, %select_n3A_370, %select_n3A_368 : vector<512x128xi1>, vector<512x128xf32>
    %select_n3A_393 = arith.select %eq3A_390, %select_n3A_371, %select_n3A_369 : vector<512x128xi1>, vector<512x128xf32>
    %select_n3A_394 = arith.select %eq3A_390, %select_n3A_372, %select_n3A_370 : vector<512x128xi1>, vector<512x128xf32>
    %select_n3A_395 = arith.select %eq3A_390, %select_n3A_373, %select_n3A_371 : vector<512x128xi1>, vector<512x128xf32>
    %select_n3A_396 = arith.select %eq3A_390, %select_n3A_374, %select_n3A_372 : vector<512x128xi1>, vector<512x128xf32>
    %select_n3A_397 = arith.select %eq3A_390, %select_n3A_377, %select_n3A_373 : vector<512x128xi1>, vector<512x128xf32>
    %select_n3A_398 = arith.select %eq3A_390, %select_n3A_238, %select_n3A_374 : vector<512x128xi1>, vector<512x128xf32>
    %jit3A_399 = arith.constant 1.000000e+30 : f32
    %broadcast_in_dim3A_400 = vector.broadcast %jit3A_399 : f32 to vector<512x128xf32>
    %select_n3A_401 = arith.select %eq3A_390, %broadcast_in_dim3A_400, %select_n3A_377 : vector<512x128xi1>, vector<512x128xf32>
    %reduce_min3A_402 = arith.constant dense<0x7F800000> : vector<512xf32>
    %reduce_min3A_403 = vector.multi_reduction <minimumf>, %select_n3A_391, %reduce_min3A_402 [1] : vector<512x128xf32> to vector<512xf32>
    %broadcast_in_dim3A_404 = vector.shape_cast %reduce_min3A_403 : vector<512xf32> to vector<512x1xf32>
    %le3A_405 = vector.broadcast %broadcast_in_dim3A_404 : vector<512x1xf32> to vector<512x128xf32>
    %le3A_406 = arith.cmpf ole, %select_n3A_391, %le3A_405 : vector<512x128xf32>
    %jit3A_407 = arith.constant 1.000000e+30 : f32
    %broadcast_in_dim3A_408 = vector.broadcast %jit3A_407 : f32 to vector<512x128xf32>
    %select_n3A_409 = arith.select %le3A_406, %select_n3A_392, %broadcast_in_dim3A_408 : vector<512x128xi1>, vector<512x128xf32>
    %reduce_min3A_410 = arith.constant dense<0x7F800000> : vector<512xf32>
    %reduce_min3A_411 = vector.multi_reduction <minimumf>, %select_n3A_409, %reduce_min3A_410 [1] : vector<512x128xf32> to vector<512xf32>
    %broadcast_in_dim3A_412 = vector.shape_cast %reduce_min3A_411 : vector<512xf32> to vector<512x1xf32>
    %eq3A_413 = vector.broadcast %broadcast_in_dim3A_412 : vector<512x1xf32> to vector<512x128xf32>
    %eq3A_414 = arith.cmpf oeq, %select_n3A_392, %eq3A_413 : vector<512x128xf32>
    %select_n3A_415 = arith.select %eq3A_414, %select_n3A_393, %select_n3A_391 : vector<512x128xi1>, vector<512x128xf32>
    %select_n3A_416 = arith.select %eq3A_414, %select_n3A_394, %select_n3A_392 : vector<512x128xi1>, vector<512x128xf32>
    %select_n3A_417 = arith.select %eq3A_414, %select_n3A_395, %select_n3A_393 : vector<512x128xi1>, vector<512x128xf32>
    %select_n3A_418 = arith.select %eq3A_414, %select_n3A_396, %select_n3A_394 : vector<512x128xi1>, vector<512x128xf32>
    %select_n3A_419 = arith.select %eq3A_414, %select_n3A_397, %select_n3A_395 : vector<512x128xi1>, vector<512x128xf32>
    %select_n3A_420 = arith.select %eq3A_414, %select_n3A_398, %select_n3A_396 : vector<512x128xi1>, vector<512x128xf32>
    %select_n3A_421 = arith.select %eq3A_414, %select_n3A_401, %select_n3A_397 : vector<512x128xi1>, vector<512x128xf32>
    %select_n3A_422 = arith.select %eq3A_414, %select_n3A_238, %select_n3A_398 : vector<512x128xi1>, vector<512x128xf32>
    %jit3A_423 = arith.constant 1.000000e+30 : f32
    %broadcast_in_dim3A_424 = vector.broadcast %jit3A_423 : f32 to vector<512x128xf32>
    %select_n3A_425 = arith.select %eq3A_414, %broadcast_in_dim3A_424, %select_n3A_401 : vector<512x128xi1>, vector<512x128xf32>
    %reduce_min3A_426 = arith.constant dense<0x7F800000> : vector<512xf32>
    %reduce_min3A_427 = vector.multi_reduction <minimumf>, %select_n3A_415, %reduce_min3A_426 [1] : vector<512x128xf32> to vector<512xf32>
    %broadcast_in_dim3A_428 = vector.shape_cast %reduce_min3A_427 : vector<512xf32> to vector<512x1xf32>
    %le3A_429 = vector.broadcast %broadcast_in_dim3A_428 : vector<512x1xf32> to vector<512x128xf32>
    %le3A_430 = arith.cmpf ole, %select_n3A_415, %le3A_429 : vector<512x128xf32>
    %jit3A_431 = arith.constant 1.000000e+30 : f32
    %broadcast_in_dim3A_432 = vector.broadcast %jit3A_431 : f32 to vector<512x128xf32>
    %select_n3A_433 = arith.select %le3A_430, %select_n3A_416, %broadcast_in_dim3A_432 : vector<512x128xi1>, vector<512x128xf32>
    %reduce_min3A_434 = arith.constant dense<0x7F800000> : vector<512xf32>
    %reduce_min3A_435 = vector.multi_reduction <minimumf>, %select_n3A_433, %reduce_min3A_434 [1] : vector<512x128xf32> to vector<512xf32>
    %broadcast_in_dim3A_436 = vector.shape_cast %reduce_min3A_435 : vector<512xf32> to vector<512x1xf32>
    %eq3A_437 = vector.broadcast %broadcast_in_dim3A_436 : vector<512x1xf32> to vector<512x128xf32>
    %eq3A_438 = arith.cmpf oeq, %select_n3A_416, %eq3A_437 : vector<512x128xf32>
    %select_n3A_439 = arith.select %eq3A_438, %select_n3A_417, %select_n3A_415 : vector<512x128xi1>, vector<512x128xf32>
    %select_n3A_440 = arith.select %eq3A_438, %select_n3A_418, %select_n3A_416 : vector<512x128xi1>, vector<512x128xf32>
    %select_n3A_441 = arith.select %eq3A_438, %select_n3A_419, %select_n3A_417 : vector<512x128xi1>, vector<512x128xf32>
    %select_n3A_442 = arith.select %eq3A_438, %select_n3A_420, %select_n3A_418 : vector<512x128xi1>, vector<512x128xf32>
    %select_n3A_443 = arith.select %eq3A_438, %select_n3A_421, %select_n3A_419 : vector<512x128xi1>, vector<512x128xf32>
    %select_n3A_444 = arith.select %eq3A_438, %select_n3A_422, %select_n3A_420 : vector<512x128xi1>, vector<512x128xf32>
    %select_n3A_445 = arith.select %eq3A_438, %select_n3A_425, %select_n3A_421 : vector<512x128xi1>, vector<512x128xf32>
    %select_n3A_446 = arith.select %eq3A_438, %select_n3A_238, %select_n3A_422 : vector<512x128xi1>, vector<512x128xf32>
    %jit3A_447 = arith.constant 1.000000e+30 : f32
    %broadcast_in_dim3A_448 = vector.broadcast %jit3A_447 : f32 to vector<512x128xf32>
    %select_n3A_449 = arith.select %eq3A_438, %broadcast_in_dim3A_448, %select_n3A_425 : vector<512x128xi1>, vector<512x128xf32>
    %reduce_min3A_450 = arith.constant dense<0x7F800000> : vector<512xf32>
    %reduce_min3A_451 = vector.multi_reduction <minimumf>, %select_n3A_439, %reduce_min3A_450 [1] : vector<512x128xf32> to vector<512xf32>
    %broadcast_in_dim3A_452 = vector.shape_cast %reduce_min3A_451 : vector<512xf32> to vector<512x1xf32>
    %le3A_453 = vector.broadcast %broadcast_in_dim3A_452 : vector<512x1xf32> to vector<512x128xf32>
    %le3A_454 = arith.cmpf ole, %select_n3A_439, %le3A_453 : vector<512x128xf32>
    %jit3A_455 = arith.constant 1.000000e+30 : f32
    %broadcast_in_dim3A_456 = vector.broadcast %jit3A_455 : f32 to vector<512x128xf32>
    %select_n3A_457 = arith.select %le3A_454, %select_n3A_440, %broadcast_in_dim3A_456 : vector<512x128xi1>, vector<512x128xf32>
    %reduce_min3A_458 = arith.constant dense<0x7F800000> : vector<512xf32>
    %reduce_min3A_459 = vector.multi_reduction <minimumf>, %select_n3A_457, %reduce_min3A_458 [1] : vector<512x128xf32> to vector<512xf32>
    %broadcast_in_dim3A_460 = vector.shape_cast %reduce_min3A_459 : vector<512xf32> to vector<512x1xf32>
    %eq3A_461 = vector.broadcast %broadcast_in_dim3A_460 : vector<512x1xf32> to vector<512x128xf32>
    %eq3A_462 = arith.cmpf oeq, %select_n3A_440, %eq3A_461 : vector<512x128xf32>
    %select_n3A_463 = arith.select %eq3A_462, %select_n3A_441, %select_n3A_439 : vector<512x128xi1>, vector<512x128xf32>
    %select_n3A_464 = arith.select %eq3A_462, %select_n3A_442, %select_n3A_440 : vector<512x128xi1>, vector<512x128xf32>
    %select_n3A_465 = arith.select %eq3A_462, %select_n3A_443, %select_n3A_441 : vector<512x128xi1>, vector<512x128xf32>
    %select_n3A_466 = arith.select %eq3A_462, %select_n3A_444, %select_n3A_442 : vector<512x128xi1>, vector<512x128xf32>
    %select_n3A_467 = arith.select %eq3A_462, %select_n3A_445, %select_n3A_443 : vector<512x128xi1>, vector<512x128xf32>
    %select_n3A_468 = arith.select %eq3A_462, %select_n3A_446, %select_n3A_444 : vector<512x128xi1>, vector<512x128xf32>
    %select_n3A_469 = arith.select %eq3A_462, %select_n3A_449, %select_n3A_445 : vector<512x128xi1>, vector<512x128xf32>
    %select_n3A_470 = arith.select %eq3A_462, %select_n3A_238, %select_n3A_446 : vector<512x128xi1>, vector<512x128xf32>
    %jit3A_471 = arith.constant 1.000000e+30 : f32
    %broadcast_in_dim3A_472 = vector.broadcast %jit3A_471 : f32 to vector<512x128xf32>
    %select_n3A_473 = arith.select %eq3A_462, %broadcast_in_dim3A_472, %select_n3A_449 : vector<512x128xi1>, vector<512x128xf32>
    %reduce_min3A_474 = arith.constant dense<0x7F800000> : vector<512xf32>
    %reduce_min3A_475 = vector.multi_reduction <minimumf>, %select_n3A_463, %reduce_min3A_474 [1] : vector<512x128xf32> to vector<512xf32>
    %broadcast_in_dim3A_476 = vector.shape_cast %reduce_min3A_475 : vector<512xf32> to vector<512x1xf32>
    %le3A_477 = vector.broadcast %broadcast_in_dim3A_476 : vector<512x1xf32> to vector<512x128xf32>
    %le3A_478 = arith.cmpf ole, %select_n3A_463, %le3A_477 : vector<512x128xf32>
    %jit3A_479 = arith.constant 1.000000e+30 : f32
    %broadcast_in_dim3A_480 = vector.broadcast %jit3A_479 : f32 to vector<512x128xf32>
    %select_n3A_481 = arith.select %le3A_478, %select_n3A_464, %broadcast_in_dim3A_480 : vector<512x128xi1>, vector<512x128xf32>
    %reduce_min3A_482 = arith.constant dense<0x7F800000> : vector<512xf32>
    %reduce_min3A_483 = vector.multi_reduction <minimumf>, %select_n3A_481, %reduce_min3A_482 [1] : vector<512x128xf32> to vector<512xf32>
    %broadcast_in_dim3A_484 = vector.shape_cast %reduce_min3A_483 : vector<512xf32> to vector<512x1xf32>
    %eq3A_485 = vector.broadcast %broadcast_in_dim3A_484 : vector<512x1xf32> to vector<512x128xf32>
    %eq3A_486 = arith.cmpf oeq, %select_n3A_464, %eq3A_485 : vector<512x128xf32>
    %select_n3A_487 = arith.select %eq3A_486, %select_n3A_465, %select_n3A_463 : vector<512x128xi1>, vector<512x128xf32>
    %select_n3A_488 = arith.select %eq3A_486, %select_n3A_466, %select_n3A_464 : vector<512x128xi1>, vector<512x128xf32>
    %select_n3A_489 = arith.select %eq3A_486, %select_n3A_467, %select_n3A_465 : vector<512x128xi1>, vector<512x128xf32>
    %select_n3A_490 = arith.select %eq3A_486, %select_n3A_468, %select_n3A_466 : vector<512x128xi1>, vector<512x128xf32>
    %select_n3A_491 = arith.select %eq3A_486, %select_n3A_469, %select_n3A_467 : vector<512x128xi1>, vector<512x128xf32>
    %select_n3A_492 = arith.select %eq3A_486, %select_n3A_470, %select_n3A_468 : vector<512x128xi1>, vector<512x128xf32>
    %select_n3A_493 = arith.select %eq3A_486, %select_n3A_473, %select_n3A_469 : vector<512x128xi1>, vector<512x128xf32>
    %select_n3A_494 = arith.select %eq3A_486, %select_n3A_238, %select_n3A_470 : vector<512x128xi1>, vector<512x128xf32>
    %jit3A_495 = arith.constant 1.000000e+30 : f32
    %broadcast_in_dim3A_496 = vector.broadcast %jit3A_495 : f32 to vector<512x128xf32>
    %select_n3A_497 = arith.select %eq3A_486, %broadcast_in_dim3A_496, %select_n3A_473 : vector<512x128xi1>, vector<512x128xf32>
    %reduce_min3A_498 = arith.constant dense<0x7F800000> : vector<512xf32>
    %reduce_min3A_499 = vector.multi_reduction <minimumf>, %select_n3A_487, %reduce_min3A_498 [1] : vector<512x128xf32> to vector<512xf32>
    %broadcast_in_dim3A_500 = vector.shape_cast %reduce_min3A_499 : vector<512xf32> to vector<512x1xf32>
    %le3A_501 = vector.broadcast %broadcast_in_dim3A_500 : vector<512x1xf32> to vector<512x128xf32>
    %le3A_502 = arith.cmpf ole, %select_n3A_487, %le3A_501 : vector<512x128xf32>
    %jit3A_503 = arith.constant 1.000000e+30 : f32
    %broadcast_in_dim3A_504 = vector.broadcast %jit3A_503 : f32 to vector<512x128xf32>
    %select_n3A_505 = arith.select %le3A_502, %select_n3A_488, %broadcast_in_dim3A_504 : vector<512x128xi1>, vector<512x128xf32>
    %reduce_min3A_506 = arith.constant dense<0x7F800000> : vector<512xf32>
    %reduce_min3A_507 = vector.multi_reduction <minimumf>, %select_n3A_505, %reduce_min3A_506 [1] : vector<512x128xf32> to vector<512xf32>
    %broadcast_in_dim3A_508 = vector.shape_cast %reduce_min3A_507 : vector<512xf32> to vector<512x1xf32>
    %eq3A_509 = vector.broadcast %broadcast_in_dim3A_508 : vector<512x1xf32> to vector<512x128xf32>
    %eq3A_510 = arith.cmpf oeq, %select_n3A_488, %eq3A_509 : vector<512x128xf32>
    %select_n3A_511 = arith.select %eq3A_510, %select_n3A_489, %select_n3A_487 : vector<512x128xi1>, vector<512x128xf32>
    %select_n3A_512 = arith.select %eq3A_510, %select_n3A_490, %select_n3A_488 : vector<512x128xi1>, vector<512x128xf32>
    %select_n3A_513 = arith.select %eq3A_510, %select_n3A_491, %select_n3A_489 : vector<512x128xi1>, vector<512x128xf32>
    %select_n3A_514 = arith.select %eq3A_510, %select_n3A_492, %select_n3A_490 : vector<512x128xi1>, vector<512x128xf32>
    %select_n3A_515 = arith.select %eq3A_510, %select_n3A_493, %select_n3A_491 : vector<512x128xi1>, vector<512x128xf32>
    %select_n3A_516 = arith.select %eq3A_510, %select_n3A_494, %select_n3A_492 : vector<512x128xi1>, vector<512x128xf32>
    %select_n3A_517 = arith.select %eq3A_510, %select_n3A_497, %select_n3A_493 : vector<512x128xi1>, vector<512x128xf32>
    %select_n3A_518 = arith.select %eq3A_510, %select_n3A_238, %select_n3A_494 : vector<512x128xi1>, vector<512x128xf32>
    %reduce_min3A_519 = arith.constant dense<0x7F800000> : vector<512xf32>
    %reduce_min3A_520 = vector.multi_reduction <minimumf>, %select_n3A_511, %reduce_min3A_519 [1] : vector<512x128xf32> to vector<512xf32>
    %broadcast_in_dim3A_521 = vector.shape_cast %reduce_min3A_520 : vector<512xf32> to vector<512x1xf32>
    %le3A_522 = vector.broadcast %broadcast_in_dim3A_521 : vector<512x1xf32> to vector<512x128xf32>
    %le3A_523 = arith.cmpf ole, %select_n3A_511, %le3A_522 : vector<512x128xf32>
    %jit3A_524 = arith.constant 1.000000e+30 : f32
    %broadcast_in_dim3A_525 = vector.broadcast %jit3A_524 : f32 to vector<512x128xf32>
    %select_n3A_526 = arith.select %le3A_523, %select_n3A_512, %broadcast_in_dim3A_525 : vector<512x128xi1>, vector<512x128xf32>
    %reduce_min3A_527 = arith.constant dense<0x7F800000> : vector<512xf32>
    %reduce_min3A_528 = vector.multi_reduction <minimumf>, %select_n3A_526, %reduce_min3A_527 [1] : vector<512x128xf32> to vector<512xf32>
    %broadcast_in_dim3A_529 = vector.shape_cast %reduce_min3A_528 : vector<512xf32> to vector<512x1xf32>
    %eq3A_530 = vector.broadcast %broadcast_in_dim3A_529 : vector<512x1xf32> to vector<512x128xf32>
    %eq3A_531 = arith.cmpf oeq, %select_n3A_512, %eq3A_530 : vector<512x128xf32>
    %select_n3A_532 = arith.select %eq3A_531, %select_n3A_513, %select_n3A_511 : vector<512x128xi1>, vector<512x128xf32>
    %select_n3A_533 = arith.select %eq3A_531, %select_n3A_514, %select_n3A_512 : vector<512x128xi1>, vector<512x128xf32>
    %select_n3A_534 = arith.select %eq3A_531, %select_n3A_515, %select_n3A_513 : vector<512x128xi1>, vector<512x128xf32>
    %select_n3A_535 = arith.select %eq3A_531, %select_n3A_516, %select_n3A_514 : vector<512x128xi1>, vector<512x128xf32>
    %select_n3A_536 = arith.select %eq3A_531, %select_n3A_517, %select_n3A_515 : vector<512x128xi1>, vector<512x128xf32>
    %select_n3A_537 = arith.select %eq3A_531, %select_n3A_518, %select_n3A_516 : vector<512x128xi1>, vector<512x128xf32>
    %reduce_min3A_538 = arith.constant dense<0x7F800000> : vector<512xf32>
    %reduce_min3A_539 = vector.multi_reduction <minimumf>, %select_n3A_532, %reduce_min3A_538 [1] : vector<512x128xf32> to vector<512xf32>
    %broadcast_in_dim3A_540 = vector.shape_cast %reduce_min3A_539 : vector<512xf32> to vector<512x1xf32>
    %le3A_541 = vector.broadcast %broadcast_in_dim3A_540 : vector<512x1xf32> to vector<512x128xf32>
    %le3A_542 = arith.cmpf ole, %select_n3A_532, %le3A_541 : vector<512x128xf32>
    %jit3A_543 = arith.constant 1.000000e+30 : f32
    %broadcast_in_dim3A_544 = vector.broadcast %jit3A_543 : f32 to vector<512x128xf32>
    %select_n3A_545 = arith.select %le3A_542, %select_n3A_533, %broadcast_in_dim3A_544 : vector<512x128xi1>, vector<512x128xf32>
    %reduce_min3A_546 = arith.constant dense<0x7F800000> : vector<512xf32>
    %reduce_min3A_547 = vector.multi_reduction <minimumf>, %select_n3A_545, %reduce_min3A_546 [1] : vector<512x128xf32> to vector<512xf32>
    %broadcast_in_dim3A_548 = vector.shape_cast %reduce_min3A_547 : vector<512xf32> to vector<512x1xf32>
    %eq3A_549 = vector.broadcast %broadcast_in_dim3A_548 : vector<512x1xf32> to vector<512x128xf32>
    %eq3A_550 = arith.cmpf oeq, %select_n3A_533, %eq3A_549 : vector<512x128xf32>
    %select_n3A_551 = arith.select %eq3A_550, %select_n3A_534, %select_n3A_532 : vector<512x128xi1>, vector<512x128xf32>
    %select_n3A_552 = arith.select %eq3A_550, %select_n3A_535, %select_n3A_533 : vector<512x128xi1>, vector<512x128xf32>
    %select_n3A_553 = arith.select %eq3A_550, %select_n3A_536, %select_n3A_534 : vector<512x128xi1>, vector<512x128xf32>
    %select_n3A_554 = arith.select %eq3A_550, %select_n3A_537, %select_n3A_535 : vector<512x128xi1>, vector<512x128xf32>
    %reduce_min3A_555 = arith.constant dense<0x7F800000> : vector<512xf32>
    %reduce_min3A_556 = vector.multi_reduction <minimumf>, %select_n3A_551, %reduce_min3A_555 [1] : vector<512x128xf32> to vector<512xf32>
    %broadcast_in_dim3A_557 = vector.shape_cast %reduce_min3A_556 : vector<512xf32> to vector<512x1xf32>
    %le3A_558 = vector.broadcast %broadcast_in_dim3A_557 : vector<512x1xf32> to vector<512x128xf32>
    %le3A_559 = arith.cmpf ole, %select_n3A_551, %le3A_558 : vector<512x128xf32>
    %jit3A_560 = arith.constant 1.000000e+30 : f32
    %broadcast_in_dim3A_561 = vector.broadcast %jit3A_560 : f32 to vector<512x128xf32>
    %select_n3A_562 = arith.select %le3A_559, %select_n3A_552, %broadcast_in_dim3A_561 : vector<512x128xi1>, vector<512x128xf32>
    %reduce_min3A_563 = arith.constant dense<0x7F800000> : vector<512xf32>
    %reduce_min3A_564 = vector.multi_reduction <minimumf>, %select_n3A_562, %reduce_min3A_563 [1] : vector<512x128xf32> to vector<512xf32>
    %broadcast_in_dim3A_565 = vector.shape_cast %reduce_min3A_564 : vector<512xf32> to vector<512x1xf32>
    %eq3A_566 = vector.broadcast %broadcast_in_dim3A_565 : vector<512x1xf32> to vector<512x128xf32>
    %eq3A_567 = arith.cmpf oeq, %select_n3A_552, %eq3A_566 : vector<512x128xf32>
    %select_n3A_568 = arith.select %eq3A_567, %select_n3A_553, %select_n3A_551 : vector<512x128xi1>, vector<512x128xf32>
    %select_n3A_569 = arith.select %eq3A_567, %select_n3A_554, %select_n3A_552 : vector<512x128xi1>, vector<512x128xf32>
    %reduce_min3A_570 = arith.constant dense<0x7F800000> : vector<512xf32>
    %reduce_min3A_571 = vector.multi_reduction <minimumf>, %select_n3A_568, %reduce_min3A_570 [1] : vector<512x128xf32> to vector<512xf32>
    %broadcast_in_dim3A_572 = vector.shape_cast %reduce_min3A_571 : vector<512xf32> to vector<512x1xf32>
    %le3A_573 = vector.broadcast %broadcast_in_dim3A_572 : vector<512x1xf32> to vector<512x128xf32>
    %le3A_574 = arith.cmpf ole, %select_n3A_568, %le3A_573 : vector<512x128xf32>
    %jit3A_575 = arith.constant 1.000000e+30 : f32
    %broadcast_in_dim3A_576 = vector.broadcast %jit3A_575 : f32 to vector<512x128xf32>
    %select_n3A_577 = arith.select %le3A_574, %select_n3A_569, %broadcast_in_dim3A_576 : vector<512x128xi1>, vector<512x128xf32>
    %reduce_min3A_578 = arith.constant dense<0x7F800000> : vector<512xf32>
    %reduce_min3A_579 = vector.multi_reduction <minimumf>, %select_n3A_577, %reduce_min3A_578 [1] : vector<512x128xf32> to vector<512xf32>
    %broadcast_in_dim3A_580 = vector.shape_cast %reduce_min3A_579 : vector<512xf32> to vector<512x1xf32>
    %concatenate3A = tpu.concatenate %broadcast_in_dim3A_245, %broadcast_in_dim3A_268, %broadcast_in_dim3A_292, %broadcast_in_dim3A_316, %broadcast_in_dim3A_340, %broadcast_in_dim3A_364, %broadcast_in_dim3A_388, %broadcast_in_dim3A_412, %broadcast_in_dim3A_436, %broadcast_in_dim3A_460, %broadcast_in_dim3A_484, %broadcast_in_dim3A_508, %broadcast_in_dim3A_529, %broadcast_in_dim3A_548, %broadcast_in_dim3A_565, %broadcast_in_dim3A_580 in 1 : vector<512x1xf32>, vector<512x1xf32>, vector<512x1xf32>, vector<512x1xf32>, vector<512x1xf32>, vector<512x1xf32>, vector<512x1xf32>, vector<512x1xf32>, vector<512x1xf32>, vector<512x1xf32>, vector<512x1xf32>, vector<512x1xf32>, vector<512x1xf32>, vector<512x1xf32>, vector<512x1xf32>, vector<512x1xf32> -> vector<512x16xf32>
    %convert_element_type3A_581 = arith.fptosi %concatenate3A : vector<512x16xf32> to vector<512x16xi32>
    %mul3A_582 = arith.constant 2048 : i32
    %mul3A_583 = arith.muli %add3A_0, %mul3A_582 : i32
    %add3A_584 = vector.broadcast %mul3A_583 : i32 to vector<512x16xi32>
    %add3A_585 = arith.addi %convert_element_type3A_581, %add3A_584 : vector<512x16xi32>
    %swap3A = arith.constant 0 : index
    %swap3A_586 = arith.constant 0 : index
    %swap3A_587 = arith.constant 0 : index
    %swap3A_588 = vector.load %arg4[%swap3A, %swap3A_586, %swap3A_587] : memref<1x512x16xi32, #tpu.memory_space<vmem>>, vector<1x512x16xi32>
    %swap3A_589 = vector.shape_cast %swap3A_588 : vector<1x512x16xi32> to vector<512x16xi32>
    %swap3A_590 = vector.shape_cast %add3A_585 : vector<512x16xi32> to vector<1x512x16xi32>
    tpu.vector_store %arg4[%swap3A, %swap3A_586, %swap3A_587], %swap3A_590 {strides = array<i32>} : memref<1x512x16xi32, #tpu.memory_space<vmem>>, vector<1x512x16xi32>,
    return
  }
  func.func @transform_0(%arg0: i32, %arg1: i32) -> (i32, i32, i32) {
    %c0_i32 = arith.constant 0 : i32
    %c0_i32_0 = arith.constant 0 : i32
    return %arg0, %arg1, %c0_i32 : i32, i32, i32
  }
  func.func @transform_1(%arg0: i32, %arg1: i32) -> (i32, i32, i32) {
    %c0_i32 = arith.constant 0 : i32
    %c0_i32_0 = arith.constant 0 : i32
    %c0_i32_1 = arith.constant 0 : i32
    return %arg0, %c0_i32, %c0_i32_0 : i32, i32, i32
  }
  func.func @transform_2(%arg0: i32, %arg1: i32) -> (i32, i32, i32) {
    %c0_i32 = arith.constant 0 : i32
    %c0_i32_0 = arith.constant 0 : i32
    return %arg0, %arg1, %c0_i32 : i32, i32, i32
  }
}

module attributes {stable_mosaic.version = 14 : i64} {
  func.func @_attn_body(%arg0: i32, %arg1: memref<512x128xf32, #tpu.memory_space<vmem>>, %arg2: memref<512x16xf32, #tpu.memory_space<vmem>>, %arg3: memref<8192x128xf32, #tpu.memory_space<vmem>>, %arg4: memref<8192x16xf32, #tpu.memory_space<vmem>>, %arg5: memref<128x128xf32, #tpu.memory_space<vmem>>, %arg6: memref<128x128xf32, #tpu.memory_space<vmem>>, %arg7: memref<128x128xf32, #tpu.memory_space<vmem>>, %arg8: memref<16x32xf32, #tpu.memory_space<vmem>>, %arg9: memref<1x32xf32, #tpu.memory_space<vmem>>, %arg10: memref<32x128xf32, #tpu.memory_space<vmem>>, %arg11: memref<1x128xf32, #tpu.memory_space<vmem>>, %arg12: memref<128x256xbf16, #tpu.memory_space<vmem>>, %arg13: memref<1x256xf32, #tpu.memory_space<vmem>>, %arg14: memref<256x128xbf16, #tpu.memory_space<vmem>>, %arg15: memref<1x128xf32, #tpu.memory_space<vmem>>, %arg16: memref<512x128xf32, #tpu.memory_space<vmem>>) attributes {dimension_semantics = [#tpu.dimension_semantics<arbitrary>], iteration_bounds = array<i64: 8>, scalar_prefetch = 0 : i64, scratch_operands = 0 : i64, tpu.core_type = #tpu.core_type<tc>, window_params = [{transform_indices = @transform_0, window_bounds = array<i64: 512, 128>}, {transform_indices = @transform_1, window_bounds = array<i64: 512, 16>}, {transform_indices = @transform_2, window_bounds = array<i64: 8192, 128>}, {transform_indices = @transform_3, window_bounds = array<i64: 8192, 16>}, {pipeline_mode = #tpu.pipeline_mode<synchronous>, transform_indices = @transform_4, window_bounds = array<i64: 128, 128>}, {pipeline_mode = #tpu.pipeline_mode<synchronous>, transform_indices = @transform_5, window_bounds = array<i64: 128, 128>}, {pipeline_mode = #tpu.pipeline_mode<synchronous>, transform_indices = @transform_6, window_bounds = array<i64: 128, 128>}, {pipeline_mode = #tpu.pipeline_mode<synchronous>, transform_indices = @transform_7, window_bounds = array<i64: 16, 32>}, {pipeline_mode = #tpu.pipeline_mode<synchronous>, transform_indices = @transform_8, window_bounds = array<i64: 1, 32>}, {pipeline_mode = #tpu.pipeline_mode<synchronous>, transform_indices = @transform_9, window_bounds = array<i64: 32, 128>}, {pipeline_mode = #tpu.pipeline_mode<synchronous>, transform_indices = @transform_10, window_bounds = array<i64: 1, 128>}, {pipeline_mode = #tpu.pipeline_mode<synchronous>, transform_indices = @transform_11, window_bounds = array<i64: 128, 256>}, {pipeline_mode = #tpu.pipeline_mode<synchronous>, transform_indices = @transform_12, window_bounds = array<i64: 1, 256>}, {pipeline_mode = #tpu.pipeline_mode<synchronous>, transform_indices = @transform_13, window_bounds = array<i64: 256, 128>}, {pipeline_mode = #tpu.pipeline_mode<synchronous>, transform_indices = @transform_14, window_bounds = array<i64: 1, 128>}, {transform_indices = @transform_15, window_bounds = array<i64: 512, 128>}]} {
    %get3A = arith.constant 0 : index
    %get3A_0 = arith.constant 0 : index
    %get3A_1 = vector.load %arg1[%get3A, %get3A_0] : memref<512x128xf32, #tpu.memory_space<vmem>>, vector<512x128xf32>
    %get3A_2 = arith.constant 0 : index
    %get3A_3 = arith.constant 0 : index
    %get3A_4 = vector.load %arg5[%get3A_2, %get3A_3] : memref<128x128xf32, #tpu.memory_space<vmem>>, vector<128x128xf32>
    %dot_general3A = arith.constant dense<0.000000e+00> : vector<512x128xf32>
    %dot_general3A_5 = tpu.matmul %get3A_1, %get3A_4, %dot_general3A {dimension_numbers = #tpu.dot_dimension_numbers<[1], [0], [0], [1], [0, 0, 1, 1], [], []>, transpose_lhs_hint = false} : vector<512x128xf32>, vector<128x128xf32>, vector<512x128xf32> -> vector<512x128xf32>
    %get3A_6 = arith.constant 0 : index
    %get3A_7 = arith.constant 0 : index
    %get3A_8 = vector.load %arg2[%get3A_6, %get3A_7] : memref<512x16xf32, #tpu.memory_space<vmem>>, vector<512x16xf32>
    %get3A_9 = arith.constant 0 : index
    %get3A_10 = arith.constant 0 : index
    %get3A_11 = vector.load %arg8[%get3A_9, %get3A_10] : memref<16x32xf32, #tpu.memory_space<vmem>>, vector<16x32xf32>
    %dot_general3A_12 = arith.constant dense<0.000000e+00> : vector<512x32xf32>
    %dot_general3A_13 = tpu.matmul %get3A_8, %get3A_11, %dot_general3A_12 {dimension_numbers = #tpu.dot_dimension_numbers<[1], [0], [0], [1], [0, 0, 1, 1], [], []>, transpose_lhs_hint = false} : vector<512x16xf32>, vector<16x32xf32>, vector<512x32xf32> -> vector<512x32xf32>
    %get3A_14 = arith.constant 0 : index
    %get3A_15 = arith.constant 0 : index
    %get3A_16 = vector.load %arg4[%get3A_14, %get3A_15] : memref<8192x16xf32, #tpu.memory_space<vmem>>, vector<8192x16xf32>
    %get3A_17 = arith.constant 0 : index
    %get3A_18 = arith.constant 0 : index
    %get3A_19 = vector.load %arg8[%get3A_17, %get3A_18] : memref<16x32xf32, #tpu.memory_space<vmem>>, vector<16x32xf32>
    %dot_general3A_20 = arith.constant dense<0.000000e+00> : vector<8192x32xf32>
    %dot_general3A_21 = tpu.matmul %get3A_16, %get3A_19, %dot_general3A_20 {dimension_numbers = #tpu.dot_dimension_numbers<[1], [0], [0], [1], [0, 0, 1, 1], [], []>, transpose_lhs_hint = false} : vector<8192x16xf32>, vector<16x32xf32>, vector<8192x32xf32> -> vector<8192x32xf32>
    %reshape3A = vector.shape_cast %dot_general3A_13 : vector<512x32xf32> to vector<512x1x32xf32>
    %broadcast_in_dim3A = vector.shape_cast %reshape3A : vector<512x1x32xf32> to vector<512x1x32xf32>
    %broadcast_in_dim3A_22 = vector.broadcast %broadcast_in_dim3A : vector<512x1x32xf32> to vector<512x16x32xf32>
    %reshape3A_23 = vector.shape_cast %broadcast_in_dim3A_22 : vector<512x16x32xf32> to vector<8192x32xf32>
    %sub3A = arith.subf %reshape3A_23, %dot_general3A_21 : vector<8192x32xf32>
    %get3A_24 = arith.constant 0 : index
    %get3A_25 = arith.constant 0 : index
    %get3A_26 = vector.load %arg9[%get3A_24, %get3A_25] : memref<1x32xf32, #tpu.memory_space<vmem>>, vector<1x32xf32>
    %add3A = vector.broadcast %get3A_26 : vector<1x32xf32> to vector<8192x32xf32>
    %add3A_27 = arith.addf %sub3A, %add3A : vector<8192x32xf32>
    %max3A = arith.constant 0.000000e+00 : f32
    %max3A_28 = vector.broadcast %max3A : f32 to vector<8192x32xf32>
    %max3A_29 = arith.maximumf %add3A_27, %max3A_28 : vector<8192x32xf32>
    %get3A_30 = arith.constant 0 : index
    %get3A_31 = arith.constant 0 : index
    %get3A_32 = vector.load %arg10[%get3A_30, %get3A_31] : memref<32x128xf32, #tpu.memory_space<vmem>>, vector<32x128xf32>
    %dot_general3A_33 = arith.constant dense<0.000000e+00> : vector<8192x128xf32>
    %dot_general3A_34 = tpu.matmul %max3A_29, %get3A_32, %dot_general3A_33 {dimension_numbers = #tpu.dot_dimension_numbers<[1], [0], [0], [1], [0, 0, 1, 1], [], []>, transpose_lhs_hint = false} : vector<8192x32xf32>, vector<32x128xf32>, vector<8192x128xf32> -> vector<8192x128xf32>
    %get3A_35 = arith.constant 0 : index
    %get3A_36 = arith.constant 0 : index
    %get3A_37 = vector.load %arg11[%get3A_35, %get3A_36] : memref<1x128xf32, #tpu.memory_space<vmem>>, vector<1x128xf32>
    %add3A_38 = vector.broadcast %get3A_37 : vector<1x128xf32> to vector<8192x128xf32>
    %add3A_39 = arith.addf %dot_general3A_34, %add3A_38 : vector<8192x128xf32>
    %get3A_40 = arith.constant 0 : index
    %get3A_41 = arith.constant 0 : index
    %get3A_42 = vector.load %arg3[%get3A_40, %get3A_41] : memref<8192x128xf32, #tpu.memory_space<vmem>>, vector<8192x128xf32>
    %get3A_43 = arith.constant 0 : index
    %get3A_44 = arith.constant 0 : index
    %get3A_45 = vector.load %arg6[%get3A_43, %get3A_44] : memref<128x128xf32, #tpu.memory_space<vmem>>, vector<128x128xf32>
    %dot_general3A_46 = arith.constant dense<0.000000e+00> : vector<8192x128xf32>
    %dot_general3A_47 = tpu.matmul %get3A_42, %get3A_45, %dot_general3A_46 {dimension_numbers = #tpu.dot_dimension_numbers<[1], [0], [0], [1], [0, 0, 1, 1], [], []>, transpose_lhs_hint = false} : vector<8192x128xf32>, vector<128x128xf32>, vector<8192x128xf32> -> vector<8192x128xf32>
    %get3A_48 = arith.constant 0 : index
    %get3A_49 = arith.constant 0 : index
    %get3A_50 = vector.load %arg7[%get3A_48, %get3A_49] : memref<128x128xf32, #tpu.memory_space<vmem>>, vector<128x128xf32>
    %dot_general3A_51 = arith.constant dense<0.000000e+00> : vector<8192x128xf32>
    %dot_general3A_52 = tpu.matmul %get3A_42, %get3A_50, %dot_general3A_51 {dimension_numbers = #tpu.dot_dimension_numbers<[1], [0], [0], [1], [0, 0, 1, 1], [], []>, transpose_lhs_hint = false} : vector<8192x128xf32>, vector<128x128xf32>, vector<8192x128xf32> -> vector<8192x128xf32>
    %reshape3A_53 = vector.shape_cast %dot_general3A_5 : vector<512x128xf32> to vector<512x1x128xf32>
    %broadcast_in_dim3A_54 = vector.shape_cast %reshape3A_53 : vector<512x1x128xf32> to vector<512x1x128xf32>
    %broadcast_in_dim3A_55 = vector.broadcast %broadcast_in_dim3A_54 : vector<512x1x128xf32> to vector<512x16x128xf32>
    %reshape3A_56 = vector.shape_cast %broadcast_in_dim3A_55 : vector<512x16x128xf32> to vector<8192x128xf32>
    %sub3A_57 = arith.subf %reshape3A_56, %dot_general3A_47 : vector<8192x128xf32>
    %add3A_58 = arith.addf %sub3A_57, %add3A_39 : vector<8192x128xf32>
    %convert_element_type3A = arith.truncf %add3A_58 : vector<8192x128xf32> to vector<8192x128xbf16>
    %get3A_59 = arith.constant 0 : index
    %get3A_60 = arith.constant 0 : index
    %get3A_61 = vector.load %arg12[%get3A_59, %get3A_60] : memref<128x256xbf16, #tpu.memory_space<vmem>>, vector<128x256xbf16>
    %dot_general3A_62 = arith.constant dense<0.000000e+00> : vector<8192x256xf32>
    %dot_general3A_63 = tpu.matmul %convert_element_type3A, %get3A_61, %dot_general3A_62 {dimension_numbers = #tpu.dot_dimension_numbers<[1], [0], [0], [1], [0, 0, 1, 1], [], []>, transpose_lhs_hint = false} : vector<8192x128xbf16>, vector<128x256xbf16>, vector<8192x256xf32> -> vector<8192x256xf32>
    %get3A_64 = arith.constant 0 : index
    %get3A_65 = arith.constant 0 : index
    %get3A_66 = vector.load %arg13[%get3A_64, %get3A_65] : memref<1x256xf32, #tpu.memory_space<vmem>>, vector<1x256xf32>
    %add3A_67 = vector.broadcast %get3A_66 : vector<1x256xf32> to vector<8192x256xf32>
    %add3A_68 = arith.addf %dot_general3A_63, %add3A_67 : vector<8192x256xf32>
    %max3A_69 = arith.constant 0.000000e+00 : f32
    %max3A_70 = vector.broadcast %max3A_69 : f32 to vector<8192x256xf32>
    %max3A_71 = arith.maximumf %add3A_68, %max3A_70 : vector<8192x256xf32>
    %convert_element_type3A_72 = arith.truncf %max3A_71 : vector<8192x256xf32> to vector<8192x256xbf16>
    %get3A_73 = arith.constant 0 : index
    %get3A_74 = arith.constant 0 : index
    %get3A_75 = vector.load %arg14[%get3A_73, %get3A_74] : memref<256x128xbf16, #tpu.memory_space<vmem>>, vector<256x128xbf16>
    %dot_general3A_76 = arith.constant dense<0.000000e+00> : vector<8192x128xf32>
    %dot_general3A_77 = tpu.matmul %convert_element_type3A_72, %get3A_75, %dot_general3A_76 {dimension_numbers = #tpu.dot_dimension_numbers<[1], [0], [0], [1], [0, 0, 1, 1], [], []>, transpose_lhs_hint = false} : vector<8192x256xbf16>, vector<256x128xbf16>, vector<8192x128xf32> -> vector<8192x128xf32>
    %get3A_78 = arith.constant 0 : index
    %get3A_79 = arith.constant 0 : index
    %get3A_80 = vector.load %arg15[%get3A_78, %get3A_79] : memref<1x128xf32, #tpu.memory_space<vmem>>, vector<1x128xf32>
    %add3A_81 = vector.broadcast %get3A_80 : vector<1x128xf32> to vector<8192x128xf32>
    %add3A_82 = arith.addf %dot_general3A_77, %add3A_81 : vector<8192x128xf32>
    %mul3A = arith.constant 0.0883883461 : f32
    %mul3A_83 = vector.broadcast %mul3A : f32 to vector<8192x128xf32>
    %mul3A_84 = arith.mulf %add3A_82, %mul3A_83 : vector<8192x128xf32>
    %reshape3A_85 = vector.shape_cast %mul3A_84 : vector<8192x128xf32> to vector<512x16x128xf32>
    %reduce_max3A = arith.constant dense<0xFF800000> : vector<512x128xf32>
    %reduce_max3A_86 = vector.multi_reduction <maximumf>, %reshape3A_85, %reduce_max3A [1] : vector<512x16x128xf32> to vector<512x128xf32>
    %broadcast_in_dim3A_87 = vector.shape_cast %reduce_max3A_86 : vector<512x128xf32> to vector<512x1x128xf32>
    %sub3A_88 = vector.broadcast %broadcast_in_dim3A_87 : vector<512x1x128xf32> to vector<512x16x128xf32>
    %sub3A_89 = arith.subf %reshape3A_85, %sub3A_88 : vector<512x16x128xf32>
    %exp3A = math.exp %sub3A_89 : vector<512x16x128xf32>
    %reduce_sum3A = arith.constant dense<0.000000e+00> : vector<512x128xf32>
    %reduce_sum3A_90 = vector.multi_reduction <add>, %exp3A, %reduce_sum3A [1] : vector<512x16x128xf32> to vector<512x128xf32>
    %broadcast_in_dim3A_91 = vector.shape_cast %reduce_sum3A_90 : vector<512x128xf32> to vector<512x1x128xf32>
    %div3A = vector.broadcast %broadcast_in_dim3A_91 : vector<512x1x128xf32> to vector<512x16x128xf32>
    %div3A_92 = arith.divf %exp3A, %div3A : vector<512x16x128xf32>
    %add3A_93 = arith.addf %dot_general3A_52, %add3A_39 : vector<8192x128xf32>
    %reshape3A_94 = vector.shape_cast %add3A_93 : vector<8192x128xf32> to vector<512x16x128xf32>
    %mul3A_95 = arith.mulf %div3A_92, %reshape3A_94 : vector<512x16x128xf32>
    %reduce_sum3A_96 = arith.constant dense<0.000000e+00> : vector<512x128xf32>
    %reduce_sum3A_97 = vector.multi_reduction <add>, %mul3A_95, %reduce_sum3A_96 [1] : vector<512x16x128xf32> to vector<512x128xf32>
    %swap3A = arith.constant 0 : index
    %swap3A_98 = arith.constant 0 : index
    %swap3A_99 = vector.load %arg16[%swap3A, %swap3A_98] : memref<512x128xf32, #tpu.memory_space<vmem>>, vector<512x128xf32>
    tpu.vector_store %arg16[%swap3A, %swap3A_98], %reduce_sum3A_97 {strides = array<i32>} : memref<512x128xf32, #tpu.memory_space<vmem>>, vector<512x128xf32>,
    return
  }
  func.func @transform_0(%arg0: i32) -> (i32, i32) {
    %add3A = arith.constant 8 : i32
    %add3A_0 = arith.addi %arg0, %add3A : i32
    %c0_i32 = arith.constant 0 : i32
    %c0_i32_1 = arith.constant 0 : i32
    return %add3A_0, %c0_i32 : i32, i32
  }
  func.func @transform_1(%arg0: i32) -> (i32, i32) {
    %add3A = arith.constant 8 : i32
    %add3A_0 = arith.addi %arg0, %add3A : i32
    %c0_i32 = arith.constant 0 : i32
    %c0_i32_1 = arith.constant 0 : i32
    return %add3A_0, %c0_i32 : i32, i32
  }
  func.func @transform_2(%arg0: i32) -> (i32, i32) {
    %c0_i32 = arith.constant 0 : i32
    %c0_i32_0 = arith.constant 0 : i32
    return %arg0, %c0_i32 : i32, i32
  }
  func.func @transform_3(%arg0: i32) -> (i32, i32) {
    %c0_i32 = arith.constant 0 : i32
    %c0_i32_0 = arith.constant 0 : i32
    return %arg0, %c0_i32 : i32, i32
  }
  func.func @transform_4(%arg0: i32) -> (i32, i32) {
    %c0_i32 = arith.constant 0 : i32
    %c0_i32_0 = arith.constant 0 : i32
    %c0_i32_1 = arith.constant 0 : i32
    return %c0_i32, %c0_i32_0 : i32, i32
  }
  func.func @transform_5(%arg0: i32) -> (i32, i32) {
    %c0_i32 = arith.constant 0 : i32
    %c0_i32_0 = arith.constant 0 : i32
    %c0_i32_1 = arith.constant 0 : i32
    return %c0_i32, %c0_i32_0 : i32, i32
  }
  func.func @transform_6(%arg0: i32) -> (i32, i32) {
    %c0_i32 = arith.constant 0 : i32
    %c0_i32_0 = arith.constant 0 : i32
    %c0_i32_1 = arith.constant 0 : i32
    return %c0_i32, %c0_i32_0 : i32, i32
  }
  func.func @transform_7(%arg0: i32) -> (i32, i32) {
    %c0_i32 = arith.constant 0 : i32
    %c0_i32_0 = arith.constant 0 : i32
    %c0_i32_1 = arith.constant 0 : i32
    return %c0_i32, %c0_i32_0 : i32, i32
  }
  func.func @transform_8(%arg0: i32) -> (i32, i32) {
    %c0_i32 = arith.constant 0 : i32
    %c0_i32_0 = arith.constant 0 : i32
    %c0_i32_1 = arith.constant 0 : i32
    return %c0_i32, %c0_i32_0 : i32, i32
  }
  func.func @transform_9(%arg0: i32) -> (i32, i32) {
    %c0_i32 = arith.constant 0 : i32
    %c0_i32_0 = arith.constant 0 : i32
    %c0_i32_1 = arith.constant 0 : i32
    return %c0_i32, %c0_i32_0 : i32, i32
  }
  func.func @transform_10(%arg0: i32) -> (i32, i32) {
    %c0_i32 = arith.constant 0 : i32
    %c0_i32_0 = arith.constant 0 : i32
    %c0_i32_1 = arith.constant 0 : i32
    return %c0_i32, %c0_i32_0 : i32, i32
  }
  func.func @transform_11(%arg0: i32) -> (i32, i32) {
    %c0_i32 = arith.constant 0 : i32
    %c0_i32_0 = arith.constant 0 : i32
    %c0_i32_1 = arith.constant 0 : i32
    return %c0_i32, %c0_i32_0 : i32, i32
  }
  func.func @transform_12(%arg0: i32) -> (i32, i32) {
    %c0_i32 = arith.constant 0 : i32
    %c0_i32_0 = arith.constant 0 : i32
    %c0_i32_1 = arith.constant 0 : i32
    return %c0_i32, %c0_i32_0 : i32, i32
  }
  func.func @transform_13(%arg0: i32) -> (i32, i32) {
    %c0_i32 = arith.constant 0 : i32
    %c0_i32_0 = arith.constant 0 : i32
    %c0_i32_1 = arith.constant 0 : i32
    return %c0_i32, %c0_i32_0 : i32, i32
  }
  func.func @transform_14(%arg0: i32) -> (i32, i32) {
    %c0_i32 = arith.constant 0 : i32
    %c0_i32_0 = arith.constant 0 : i32
    %c0_i32_1 = arith.constant 0 : i32
    return %c0_i32, %c0_i32_0 : i32, i32
  }
  func.func @transform_15(%arg0: i32) -> (i32, i32) {
    %c0_i32 = arith.constant 0 : i32
    %c0_i32_0 = arith.constant 0 : i32
    return %arg0, %c0_i32 : i32, i32
  }
}

module attributes {stable_mosaic.version = 14 : i64} {
  func.func @_attn_body(%arg0: i32, %arg1: memref<512x128xf32, #tpu.memory_space<vmem>>, %arg2: memref<512x16xf32, #tpu.memory_space<vmem>>, %arg3: memref<8192x128xf32, #tpu.memory_space<vmem>>, %arg4: memref<8192x16xf32, #tpu.memory_space<vmem>>, %arg5: memref<128x128xf32, #tpu.memory_space<vmem>>, %arg6: memref<128x128xf32, #tpu.memory_space<vmem>>, %arg7: memref<128x128xf32, #tpu.memory_space<vmem>>, %arg8: memref<16x32xf32, #tpu.memory_space<vmem>>, %arg9: memref<1x32xf32, #tpu.memory_space<vmem>>, %arg10: memref<32x128xf32, #tpu.memory_space<vmem>>, %arg11: memref<1x128xf32, #tpu.memory_space<vmem>>, %arg12: memref<128x256xbf16, #tpu.memory_space<vmem>>, %arg13: memref<1x256xf32, #tpu.memory_space<vmem>>, %arg14: memref<256x128xbf16, #tpu.memory_space<vmem>>, %arg15: memref<1x128xf32, #tpu.memory_space<vmem>>, %arg16: memref<512x128xf32, #tpu.memory_space<vmem>>) attributes {dimension_semantics = [#tpu.dimension_semantics<arbitrary>], iteration_bounds = array<i64: 8>, scalar_prefetch = 0 : i64, scratch_operands = 0 : i64, tpu.core_type = #tpu.core_type<tc>, window_params = [{transform_indices = @transform_0, window_bounds = array<i64: 512, 128>}, {transform_indices = @transform_1, window_bounds = array<i64: 512, 16>}, {transform_indices = @transform_2, window_bounds = array<i64: 8192, 128>}, {transform_indices = @transform_3, window_bounds = array<i64: 8192, 16>}, {pipeline_mode = #tpu.pipeline_mode<synchronous>, transform_indices = @transform_4, window_bounds = array<i64: 128, 128>}, {pipeline_mode = #tpu.pipeline_mode<synchronous>, transform_indices = @transform_5, window_bounds = array<i64: 128, 128>}, {pipeline_mode = #tpu.pipeline_mode<synchronous>, transform_indices = @transform_6, window_bounds = array<i64: 128, 128>}, {pipeline_mode = #tpu.pipeline_mode<synchronous>, transform_indices = @transform_7, window_bounds = array<i64: 16, 32>}, {pipeline_mode = #tpu.pipeline_mode<synchronous>, transform_indices = @transform_8, window_bounds = array<i64: 1, 32>}, {pipeline_mode = #tpu.pipeline_mode<synchronous>, transform_indices = @transform_9, window_bounds = array<i64: 32, 128>}, {pipeline_mode = #tpu.pipeline_mode<synchronous>, transform_indices = @transform_10, window_bounds = array<i64: 1, 128>}, {pipeline_mode = #tpu.pipeline_mode<synchronous>, transform_indices = @transform_11, window_bounds = array<i64: 128, 256>}, {pipeline_mode = #tpu.pipeline_mode<synchronous>, transform_indices = @transform_12, window_bounds = array<i64: 1, 256>}, {pipeline_mode = #tpu.pipeline_mode<synchronous>, transform_indices = @transform_13, window_bounds = array<i64: 256, 128>}, {pipeline_mode = #tpu.pipeline_mode<synchronous>, transform_indices = @transform_14, window_bounds = array<i64: 1, 128>}, {transform_indices = @transform_15, window_bounds = array<i64: 512, 128>}]} {
    %get3A = arith.constant 0 : index
    %get3A_0 = arith.constant 0 : index
    %get3A_1 = vector.load %arg1[%get3A, %get3A_0] : memref<512x128xf32, #tpu.memory_space<vmem>>, vector<512x128xf32>
    %get3A_2 = arith.constant 0 : index
    %get3A_3 = arith.constant 0 : index
    %get3A_4 = vector.load %arg5[%get3A_2, %get3A_3] : memref<128x128xf32, #tpu.memory_space<vmem>>, vector<128x128xf32>
    %dot_general3A = arith.constant dense<0.000000e+00> : vector<512x128xf32>
    %dot_general3A_5 = tpu.matmul %get3A_1, %get3A_4, %dot_general3A {dimension_numbers = #tpu.dot_dimension_numbers<[1], [0], [0], [1], [0, 0, 1, 1], [], []>, transpose_lhs_hint = false} : vector<512x128xf32>, vector<128x128xf32>, vector<512x128xf32> -> vector<512x128xf32>
    %get3A_6 = arith.constant 0 : index
    %get3A_7 = arith.constant 0 : index
    %get3A_8 = vector.load %arg2[%get3A_6, %get3A_7] : memref<512x16xf32, #tpu.memory_space<vmem>>, vector<512x16xf32>
    %get3A_9 = arith.constant 0 : index
    %get3A_10 = arith.constant 0 : index
    %get3A_11 = vector.load %arg8[%get3A_9, %get3A_10] : memref<16x32xf32, #tpu.memory_space<vmem>>, vector<16x32xf32>
    %dot_general3A_12 = arith.constant dense<0.000000e+00> : vector<512x32xf32>
    %dot_general3A_13 = tpu.matmul %get3A_8, %get3A_11, %dot_general3A_12 {dimension_numbers = #tpu.dot_dimension_numbers<[1], [0], [0], [1], [0, 0, 1, 1], [], []>, transpose_lhs_hint = false} : vector<512x16xf32>, vector<16x32xf32>, vector<512x32xf32> -> vector<512x32xf32>
    %get3A_14 = arith.constant 0 : index
    %get3A_15 = arith.constant 0 : index
    %get3A_16 = vector.load %arg4[%get3A_14, %get3A_15] : memref<8192x16xf32, #tpu.memory_space<vmem>>, vector<8192x16xf32>
    %get3A_17 = arith.constant 0 : index
    %get3A_18 = arith.constant 0 : index
    %get3A_19 = vector.load %arg8[%get3A_17, %get3A_18] : memref<16x32xf32, #tpu.memory_space<vmem>>, vector<16x32xf32>
    %dot_general3A_20 = arith.constant dense<0.000000e+00> : vector<8192x32xf32>
    %dot_general3A_21 = tpu.matmul %get3A_16, %get3A_19, %dot_general3A_20 {dimension_numbers = #tpu.dot_dimension_numbers<[1], [0], [0], [1], [0, 0, 1, 1], [], []>, transpose_lhs_hint = false} : vector<8192x16xf32>, vector<16x32xf32>, vector<8192x32xf32> -> vector<8192x32xf32>
    %reshape3A = vector.shape_cast %dot_general3A_13 : vector<512x32xf32> to vector<512x1x32xf32>
    %broadcast_in_dim3A = vector.shape_cast %reshape3A : vector<512x1x32xf32> to vector<512x1x32xf32>
    %broadcast_in_dim3A_22 = vector.broadcast %broadcast_in_dim3A : vector<512x1x32xf32> to vector<512x16x32xf32>
    %reshape3A_23 = vector.shape_cast %broadcast_in_dim3A_22 : vector<512x16x32xf32> to vector<8192x32xf32>
    %sub3A = arith.subf %reshape3A_23, %dot_general3A_21 : vector<8192x32xf32>
    %get3A_24 = arith.constant 0 : index
    %get3A_25 = arith.constant 0 : index
    %get3A_26 = vector.load %arg9[%get3A_24, %get3A_25] : memref<1x32xf32, #tpu.memory_space<vmem>>, vector<1x32xf32>
    %add3A = vector.broadcast %get3A_26 : vector<1x32xf32> to vector<8192x32xf32>
    %add3A_27 = arith.addf %sub3A, %add3A : vector<8192x32xf32>
    %max3A = arith.constant 0.000000e+00 : f32
    %max3A_28 = vector.broadcast %max3A : f32 to vector<8192x32xf32>
    %max3A_29 = arith.maximumf %add3A_27, %max3A_28 : vector<8192x32xf32>
    %get3A_30 = arith.constant 0 : index
    %get3A_31 = arith.constant 0 : index
    %get3A_32 = vector.load %arg10[%get3A_30, %get3A_31] : memref<32x128xf32, #tpu.memory_space<vmem>>, vector<32x128xf32>
    %dot_general3A_33 = arith.constant dense<0.000000e+00> : vector<8192x128xf32>
    %dot_general3A_34 = tpu.matmul %max3A_29, %get3A_32, %dot_general3A_33 {dimension_numbers = #tpu.dot_dimension_numbers<[1], [0], [0], [1], [0, 0, 1, 1], [], []>, transpose_lhs_hint = false} : vector<8192x32xf32>, vector<32x128xf32>, vector<8192x128xf32> -> vector<8192x128xf32>
    %get3A_35 = arith.constant 0 : index
    %get3A_36 = arith.constant 0 : index
    %get3A_37 = vector.load %arg11[%get3A_35, %get3A_36] : memref<1x128xf32, #tpu.memory_space<vmem>>, vector<1x128xf32>
    %add3A_38 = vector.broadcast %get3A_37 : vector<1x128xf32> to vector<8192x128xf32>
    %add3A_39 = arith.addf %dot_general3A_34, %add3A_38 : vector<8192x128xf32>
    %get3A_40 = arith.constant 0 : index
    %get3A_41 = arith.constant 0 : index
    %get3A_42 = vector.load %arg3[%get3A_40, %get3A_41] : memref<8192x128xf32, #tpu.memory_space<vmem>>, vector<8192x128xf32>
    %get3A_43 = arith.constant 0 : index
    %get3A_44 = arith.constant 0 : index
    %get3A_45 = vector.load %arg6[%get3A_43, %get3A_44] : memref<128x128xf32, #tpu.memory_space<vmem>>, vector<128x128xf32>
    %dot_general3A_46 = arith.constant dense<0.000000e+00> : vector<8192x128xf32>
    %dot_general3A_47 = tpu.matmul %get3A_42, %get3A_45, %dot_general3A_46 {dimension_numbers = #tpu.dot_dimension_numbers<[1], [0], [0], [1], [0, 0, 1, 1], [], []>, transpose_lhs_hint = false} : vector<8192x128xf32>, vector<128x128xf32>, vector<8192x128xf32> -> vector<8192x128xf32>
    %get3A_48 = arith.constant 0 : index
    %get3A_49 = arith.constant 0 : index
    %get3A_50 = vector.load %arg7[%get3A_48, %get3A_49] : memref<128x128xf32, #tpu.memory_space<vmem>>, vector<128x128xf32>
    %dot_general3A_51 = arith.constant dense<0.000000e+00> : vector<8192x128xf32>
    %dot_general3A_52 = tpu.matmul %get3A_42, %get3A_50, %dot_general3A_51 {dimension_numbers = #tpu.dot_dimension_numbers<[1], [0], [0], [1], [0, 0, 1, 1], [], []>, transpose_lhs_hint = false} : vector<8192x128xf32>, vector<128x128xf32>, vector<8192x128xf32> -> vector<8192x128xf32>
    %reshape3A_53 = vector.shape_cast %dot_general3A_5 : vector<512x128xf32> to vector<512x1x128xf32>
    %broadcast_in_dim3A_54 = vector.shape_cast %reshape3A_53 : vector<512x1x128xf32> to vector<512x1x128xf32>
    %broadcast_in_dim3A_55 = vector.broadcast %broadcast_in_dim3A_54 : vector<512x1x128xf32> to vector<512x16x128xf32>
    %reshape3A_56 = vector.shape_cast %broadcast_in_dim3A_55 : vector<512x16x128xf32> to vector<8192x128xf32>
    %sub3A_57 = arith.subf %reshape3A_56, %dot_general3A_47 : vector<8192x128xf32>
    %add3A_58 = arith.addf %sub3A_57, %add3A_39 : vector<8192x128xf32>
    %convert_element_type3A = arith.truncf %add3A_58 : vector<8192x128xf32> to vector<8192x128xbf16>
    %get3A_59 = arith.constant 0 : index
    %get3A_60 = arith.constant 0 : index
    %get3A_61 = vector.load %arg12[%get3A_59, %get3A_60] : memref<128x256xbf16, #tpu.memory_space<vmem>>, vector<128x256xbf16>
    %dot_general3A_62 = arith.constant dense<0.000000e+00> : vector<8192x256xf32>
    %dot_general3A_63 = tpu.matmul %convert_element_type3A, %get3A_61, %dot_general3A_62 {dimension_numbers = #tpu.dot_dimension_numbers<[1], [0], [0], [1], [0, 0, 1, 1], [], []>, transpose_lhs_hint = false} : vector<8192x128xbf16>, vector<128x256xbf16>, vector<8192x256xf32> -> vector<8192x256xf32>
    %get3A_64 = arith.constant 0 : index
    %get3A_65 = arith.constant 0 : index
    %get3A_66 = vector.load %arg13[%get3A_64, %get3A_65] : memref<1x256xf32, #tpu.memory_space<vmem>>, vector<1x256xf32>
    %add3A_67 = vector.broadcast %get3A_66 : vector<1x256xf32> to vector<8192x256xf32>
    %add3A_68 = arith.addf %dot_general3A_63, %add3A_67 : vector<8192x256xf32>
    %max3A_69 = arith.constant 0.000000e+00 : f32
    %max3A_70 = vector.broadcast %max3A_69 : f32 to vector<8192x256xf32>
    %max3A_71 = arith.maximumf %add3A_68, %max3A_70 : vector<8192x256xf32>
    %convert_element_type3A_72 = arith.truncf %max3A_71 : vector<8192x256xf32> to vector<8192x256xbf16>
    %get3A_73 = arith.constant 0 : index
    %get3A_74 = arith.constant 0 : index
    %get3A_75 = vector.load %arg14[%get3A_73, %get3A_74] : memref<256x128xbf16, #tpu.memory_space<vmem>>, vector<256x128xbf16>
    %dot_general3A_76 = arith.constant dense<0.000000e+00> : vector<8192x128xf32>
    %dot_general3A_77 = tpu.matmul %convert_element_type3A_72, %get3A_75, %dot_general3A_76 {dimension_numbers = #tpu.dot_dimension_numbers<[1], [0], [0], [1], [0, 0, 1, 1], [], []>, transpose_lhs_hint = false} : vector<8192x256xbf16>, vector<256x128xbf16>, vector<8192x128xf32> -> vector<8192x128xf32>
    %get3A_78 = arith.constant 0 : index
    %get3A_79 = arith.constant 0 : index
    %get3A_80 = vector.load %arg15[%get3A_78, %get3A_79] : memref<1x128xf32, #tpu.memory_space<vmem>>, vector<1x128xf32>
    %add3A_81 = vector.broadcast %get3A_80 : vector<1x128xf32> to vector<8192x128xf32>
    %add3A_82 = arith.addf %dot_general3A_77, %add3A_81 : vector<8192x128xf32>
    %mul3A = arith.constant 0.0883883461 : f32
    %mul3A_83 = vector.broadcast %mul3A : f32 to vector<8192x128xf32>
    %mul3A_84 = arith.mulf %add3A_82, %mul3A_83 : vector<8192x128xf32>
    %reshape3A_85 = vector.shape_cast %mul3A_84 : vector<8192x128xf32> to vector<512x16x128xf32>
    %reduce_max3A = arith.constant dense<0xFF800000> : vector<512x128xf32>
    %reduce_max3A_86 = vector.multi_reduction <maximumf>, %reshape3A_85, %reduce_max3A [1] : vector<512x16x128xf32> to vector<512x128xf32>
    %broadcast_in_dim3A_87 = vector.shape_cast %reduce_max3A_86 : vector<512x128xf32> to vector<512x1x128xf32>
    %sub3A_88 = vector.broadcast %broadcast_in_dim3A_87 : vector<512x1x128xf32> to vector<512x16x128xf32>
    %sub3A_89 = arith.subf %reshape3A_85, %sub3A_88 : vector<512x16x128xf32>
    %exp3A = math.exp %sub3A_89 : vector<512x16x128xf32>
    %reduce_sum3A = arith.constant dense<0.000000e+00> : vector<512x128xf32>
    %reduce_sum3A_90 = vector.multi_reduction <add>, %exp3A, %reduce_sum3A [1] : vector<512x16x128xf32> to vector<512x128xf32>
    %broadcast_in_dim3A_91 = vector.shape_cast %reduce_sum3A_90 : vector<512x128xf32> to vector<512x1x128xf32>
    %div3A = vector.broadcast %broadcast_in_dim3A_91 : vector<512x1x128xf32> to vector<512x16x128xf32>
    %div3A_92 = arith.divf %exp3A, %div3A : vector<512x16x128xf32>
    %add3A_93 = arith.addf %dot_general3A_52, %add3A_39 : vector<8192x128xf32>
    %reshape3A_94 = vector.shape_cast %add3A_93 : vector<8192x128xf32> to vector<512x16x128xf32>
    %mul3A_95 = arith.mulf %div3A_92, %reshape3A_94 : vector<512x16x128xf32>
    %reduce_sum3A_96 = arith.constant dense<0.000000e+00> : vector<512x128xf32>
    %reduce_sum3A_97 = vector.multi_reduction <add>, %mul3A_95, %reduce_sum3A_96 [1] : vector<512x16x128xf32> to vector<512x128xf32>
    %swap3A = arith.constant 0 : index
    %swap3A_98 = arith.constant 0 : index
    %swap3A_99 = vector.load %arg16[%swap3A, %swap3A_98] : memref<512x128xf32, #tpu.memory_space<vmem>>, vector<512x128xf32>
    tpu.vector_store %arg16[%swap3A, %swap3A_98], %reduce_sum3A_97 {strides = array<i32>} : memref<512x128xf32, #tpu.memory_space<vmem>>, vector<512x128xf32>,
    return
  }
  func.func @transform_0(%arg0: i32) -> (i32, i32) {
    %add3A = arith.constant 0 : i32
    %add3A_0 = arith.addi %arg0, %add3A : i32
    %c0_i32 = arith.constant 0 : i32
    %c0_i32_1 = arith.constant 0 : i32
    return %add3A_0, %c0_i32 : i32, i32
  }
  func.func @transform_1(%arg0: i32) -> (i32, i32) {
    %add3A = arith.constant 0 : i32
    %add3A_0 = arith.addi %arg0, %add3A : i32
    %c0_i32 = arith.constant 0 : i32
    %c0_i32_1 = arith.constant 0 : i32
    return %add3A_0, %c0_i32 : i32, i32
  }
  func.func @transform_2(%arg0: i32) -> (i32, i32) {
    %c0_i32 = arith.constant 0 : i32
    %c0_i32_0 = arith.constant 0 : i32
    return %arg0, %c0_i32 : i32, i32
  }
  func.func @transform_3(%arg0: i32) -> (i32, i32) {
    %c0_i32 = arith.constant 0 : i32
    %c0_i32_0 = arith.constant 0 : i32
    return %arg0, %c0_i32 : i32, i32
  }
  func.func @transform_4(%arg0: i32) -> (i32, i32) {
    %c0_i32 = arith.constant 0 : i32
    %c0_i32_0 = arith.constant 0 : i32
    %c0_i32_1 = arith.constant 0 : i32
    return %c0_i32, %c0_i32_0 : i32, i32
  }
  func.func @transform_5(%arg0: i32) -> (i32, i32) {
    %c0_i32 = arith.constant 0 : i32
    %c0_i32_0 = arith.constant 0 : i32
    %c0_i32_1 = arith.constant 0 : i32
    return %c0_i32, %c0_i32_0 : i32, i32
  }
  func.func @transform_6(%arg0: i32) -> (i32, i32) {
    %c0_i32 = arith.constant 0 : i32
    %c0_i32_0 = arith.constant 0 : i32
    %c0_i32_1 = arith.constant 0 : i32
    return %c0_i32, %c0_i32_0 : i32, i32
  }
  func.func @transform_7(%arg0: i32) -> (i32, i32) {
    %c0_i32 = arith.constant 0 : i32
    %c0_i32_0 = arith.constant 0 : i32
    %c0_i32_1 = arith.constant 0 : i32
    return %c0_i32, %c0_i32_0 : i32, i32
  }
  func.func @transform_8(%arg0: i32) -> (i32, i32) {
    %c0_i32 = arith.constant 0 : i32
    %c0_i32_0 = arith.constant 0 : i32
    %c0_i32_1 = arith.constant 0 : i32
    return %c0_i32, %c0_i32_0 : i32, i32
  }
  func.func @transform_9(%arg0: i32) -> (i32, i32) {
    %c0_i32 = arith.constant 0 : i32
    %c0_i32_0 = arith.constant 0 : i32
    %c0_i32_1 = arith.constant 0 : i32
    return %c0_i32, %c0_i32_0 : i32, i32
  }
  func.func @transform_10(%arg0: i32) -> (i32, i32) {
    %c0_i32 = arith.constant 0 : i32
    %c0_i32_0 = arith.constant 0 : i32
    %c0_i32_1 = arith.constant 0 : i32
    return %c0_i32, %c0_i32_0 : i32, i32
  }
  func.func @transform_11(%arg0: i32) -> (i32, i32) {
    %c0_i32 = arith.constant 0 : i32
    %c0_i32_0 = arith.constant 0 : i32
    %c0_i32_1 = arith.constant 0 : i32
    return %c0_i32, %c0_i32_0 : i32, i32
  }
  func.func @transform_12(%arg0: i32) -> (i32, i32) {
    %c0_i32 = arith.constant 0 : i32
    %c0_i32_0 = arith.constant 0 : i32
    %c0_i32_1 = arith.constant 0 : i32
    return %c0_i32, %c0_i32_0 : i32, i32
  }
  func.func @transform_13(%arg0: i32) -> (i32, i32) {
    %c0_i32 = arith.constant 0 : i32
    %c0_i32_0 = arith.constant 0 : i32
    %c0_i32_1 = arith.constant 0 : i32
    return %c0_i32, %c0_i32_0 : i32, i32
  }
  func.func @transform_14(%arg0: i32) -> (i32, i32) {
    %c0_i32 = arith.constant 0 : i32
    %c0_i32_0 = arith.constant 0 : i32
    %c0_i32_1 = arith.constant 0 : i32
    return %c0_i32, %c0_i32_0 : i32, i32
  }
  func.func @transform_15(%arg0: i32) -> (i32, i32) {
    %c0_i32 = arith.constant 0 : i32
    %c0_i32_0 = arith.constant 0 : i32
    return %arg0, %c0_i32 : i32, i32
  }
}

</mosaic_0001>

<sc_bundles>
// kernel: kernel.11.cloned.1.call-start
scs
__scs_entry_jumppad:
0x0: {  	(pc) =	sbr.rel $0x88, $3  }
0x1: {  	(tag) =	ssettag $0x0;
	lr =	simm.s32 $0x1  }
0x2: {  	[smem:$0x3F94] =	sst lr;
	_ =	strace $0xD0000000  }
0x3: {  	_ = 	snop  }
0x4: {  	_ = 	snop  }
0x5: {  	_ = 	snop  }
0x6: {  	_ = 	snop  }
0x7: {  	_ = 	snop  }
__scs_overlays_trampoline_lowered:
0x8: {  	[smem:$0x3FA3] =	sst s0  }
0x9: {  	[smem:$0x3FA4] =	sst s1  }
0xa: {  	[smem:$0x3FA5] =	sst s2  }
0xb: {  	[smem:$0x3FA6] =	sst s3  }
0xc: {  	[smem:$0x3FA7] =	sst s4  }
0xd: {  	[smem:$0x3FA8] =	sst s5  }
0xe: {  	[smem:$0x3FA9] =	sst s6  }
0xf: {  	[smem:$0x3FAA] =	sst s7  }
0x10: {  	[smem:$0x3FAB] =	sst s8  }
0x11: {  	[smem:$0x3FAC] =	sst s9;
	s0 =	simm.s32 @!p0 $0x0  }
0x12: {  	s1 =	sld [smem:$0x3F92];
	s0 =	simm.s32 @p0 $0x1  }
0x13: {  	[smem:$0x3FAD] =	sst s0;
	s0 =	simm.s32 @!p1 $0x0  }
0x14: {  	s2 =	sld [smem:$0x3F91];
	s0 =	simm.s32 @p1 $0x1  }
0x15: {  	[smem:$0x3FAE] =	sst s0;
	s0 =	simm.s32 @!p2 $0x0  }
0x16: {  	s3 =	sld [smem:$0x3FDB];
	s0 =	simm.s32 @p2 $0x1  }
0x17: {  	s4 =	simm.s32 $0x1BF5;
	[smem:$0x3FB0] =	sst s0  }
0x18: {  	s0 =	sld [smem:$0x3F93];
	_ =	swait.ge [sflag:s4], $0x0  }
0x19: {  	s7 =	sld [smem:$0x3F94]  }
0x1a: {  	s8 =	sadd.s32 $0xFFFFE003, lr  }
0x1b: {  	s9 =	sadd.s32 $0xFFFFFEF7, lr;
	s5 =	simm.s32 $0xFFFFFFFF;
	p2 =	slt.u32 s8, $0xFFFFF086  }
0x1c: {  	p1 =	slt.u32 s9, $0xF7A;
	s5 =	simm.s32 @!p2 $0x0  }
0x1d: {  	s5 =	simm.s32 @p1 $0x1;
	p0 =	seq.s32 s7, s2  }
0x1e: {  	s7 =	smul.u32 @!p0 $0xF7A, s2;
	p2 =	seq.s32 @!p0 s5, $0x0  }
0x1f: {  	s9 =	smul.u32 $0xF7A, s1;
	s8 =	simm.s32 @!p0 $0x1BF5;
	p2 =	por !p2, p0  }
0x20: {  	[sflag:s8] =	ssyncset.s32 @!p0 $0xFFFFF086;
	s6 =	sadd.s32 @!p0 s3, s7;
	s7 =	simm.s32 @!p0 $0x108  }
0x21: {  	s3 =	sadd.s32 s3, s9;
	s6 =	sadd.s32 @!p0 $0x88, s6;
	s7 =	simm.s32 @p2 $0x1082  }
0x22: {  	[simem:s7], [sflag:s8] =	dma.local @!p0 [hbm:s6], $0xF7A  }
0x23: {  	s9 =	sor.u32 $0xD0000000, s2;
	s6 =	simm.s32 $0x108;
	_ =	swait.ge @!p0 [sflag:s8], $0x0  }
0x24: {  	s3 =	sadd.s32 $0x88, s3;
	s6 =	simm.s32 @!p1 $0x1082;
	[sflag:s4] =	ssyncset.s32 $0xFFFFF086  }
0x25: {  	[simem:s6], [sflag:s4] =	dma.local [hbm:s3], $0xF7A  }
0x26: {  	[smem:$0x3F94] =	sst s1;
	(tag) =	ssettag s2;
	_ =	strace s9  }
0x27: {  	s1 =	sld [smem:$0x3FA4]  }
0x28: {  	s2 =	sld [smem:$0x3FA5]  }
0x29: {  	s4 =	sld [smem:$0x3FA7]  }
0x2a: {  	p0 =	seq.s32 s5, $0x0;
	s5 =	sld [smem:$0x3FA8]  }
0x2b: {  	s6 =	sld [smem:$0x3FA9]  }
0x2c: {  	s7 =	sld [smem:$0x3FAA]  }
0x2d: {  	s3 =	simm.s32 $0x108;
	s8 =	sld [smem:$0x3FAB]  }
0x2e: {  	s3 =	simm.s32 @!p0 $0x1082;
	s9 =	sld [smem:$0x3FAC]  }
0x2f: {  	lr =	sadd.s32 s0, s3;
	s0 =	sld [smem:$0x3FA3]  }
0x30: {  	s3 =	sld [smem:$0x3FA6]  }
0x31: {  	[smem:$0x3FAF] =	sst s10  }
0x32: {  	s10 =	sld [smem:$0x3FAD];
	_ =	sdelay $0x3  }
0x33: {  	p0 =	seq.s32 s10, $0x1;
	s10 =	sld [smem:$0x3FAF];
	_ =	sdelay $0x3  }
0x34: {  	[smem:$0x3FAF] =	sst s10  }
0x35: {  	s10 =	sld [smem:$0x3FAE];
	_ =	sdelay $0x3  }
0x36: {  	p1 =	seq.s32 s10, $0x1;
	s10 =	sld [smem:$0x3FAF];
	_ =	sdelay $0x3  }
0x37: {  	[smem:$0x3FAF] =	sst s10  }
0x38: {  	s10 =	sld [smem:$0x3FB0]  }
0x39: {  	_ = 	snop;
	(pc) =	sbr.ind lr, $3  }
0x3a: {  	_ = 	snop  }
0x3b: {  	_ = 	snop  }
0x3c: {  	p2 =	seq.s32 s10, $0x1;
	s10 =	sld [smem:$0x3FAF]  }
0x3d: {  	_ =	shalt  }
0x3e: {  	_ =	shalt  }
0x3f: {  	_ =	shalt  }
0x40: {  	_ =	shalt  }
0x41: {  	_ =	shalt  }
0x42: {  	_ =	shalt  }
0x43: {  	_ =	shalt  }
0x44: {  	_ =	shalt  }
0x45: {  	_ =	shalt  }
0x46: {  	_ =	shalt  }
0x47: {  	_ =	shalt  }
0x48: {  	_ =	shalt  }
0x49: {  	_ =	shalt  }
0x4a: {  	_ =	shalt  }
0x4b: {  	_ =	shalt  }
0x4c: {  	_ =	shalt  }
0x4d: {  	_ =	shalt  }
0x4e: {  	_ =	shalt  }
0x4f: {  	_ =	shalt  }
0x50: {  	_ =	shalt  }
0x51: {  	_ =	shalt  }
0x52: {  	_ =	shalt  }
0x53: {  	_ =	shalt  }
0x54: {  	_ =	shalt  }
0x55: {  	_ =	shalt  }
0x56: {  	_ =	shalt  }
0x57: {  	_ =	shalt  }
0x58: {  	_ =	shalt  }
0x59: {  	_ =	shalt  }
0x5a: {  	_ =	shalt  }
0x5b: {  	_ =	shalt  }
0x5c: {  	_ =	shalt  }
0x5d: {  	_ =	shalt  }
0x5e: {  	_ =	shalt  }
0x5f: {  	_ =	shalt  }
0x60: {  	_ =	shalt  }
0x61: {  	_ =	shalt  }
0x62: {  	_ =	shalt  }
0x63: {  	_ =	shalt  }
0x64: {  	_ =	shalt  }
0x65: {  	_ =	shalt  }
0x66: {  	_ =	shalt  }
0x67: {  	_ =	shalt  }
0x68: {  	_ =	shalt  }
0x69: {  	_ =	shalt  }
0x6a: {  	_ =	shalt  }
0x6b: {  	_ =	shalt  }
0x6c: {  	_ =	shalt  }
0x6d: {  	_ =	shalt  }
0x6e: {  	_ =	shalt  }
0x6f: {  	_ =	shalt  }
0x70: {  	_ =	shalt  }
0x71: {  	_ =	shalt  }
0x72: {  	_ =	shalt  }
0x73: {  	_ =	shalt  }
0x74: {  	_ =	shalt  }
0x75: {  	_ =	shalt  }
0x76: {  	_ =	shalt  }
0x77: {  	_ =	shalt  }
0x78: {  	_ =	shalt  }
0x79: {  	_ =	shalt  }
0x7a: {  	_ =	shalt  }
0x7b: {  	_ =	shalt  }
0x7c: {  	_ =	shalt  }
0x7d: {  	_ =	shalt  }
0x7e: {  	_ =	shalt  }
0x7f: {  	_ =	shalt  }
0x80: {  	_ =	shalt  }
0x81: {  	_ =	shalt  }
0x82: {  	_ =	shalt  }
0x83: {  	_ =	shalt  }
0x84: {  	_ =	shalt  }
0x85: {  	_ =	shalt  }
0x86: {  	_ =	shalt  }
0x87: {  	_ =	shalt  }
.Lfunc_end0:
.L_simem_size_0:
called_computation.1_lowered:
.L_overlay_start_0:
0x88: {  	s2 =	sld [smem:$0x3FD9]  }
0x89: {  	s3 =	sld [smem:$0x3FFE];
	_ =	sdelay $0x1  }
0x8a: {  	s1 =	srdreg.scid  }
0x8b: {  	s0 =	sand.u32 $0x1, s1  }
0x8c: {  	s17 =	sshll.u32 s0, $0xA;
	s2 =	sadd.s32 s3, s2  }
0x8d: {  	s2 =	sadd.s32 s2, s17  }
0x8e: {  	[smem:$0x3FBB] =	sst s2  }
0x8f: {  	_ = 	snop  }
0x90: {  	s2 =	sld [smem:$0x3FC9];
	(tm) =	ssettm $0x1  }
0x91: {  	s18 =	sld [smem:$0x3FFB];
	_ =	sdelay $0x3  }
0x92: {  	_ =	strace s18  }
0x93: {  	s3 =	sld [smem:$0x3FFC];
	_ =	sdelay $0x3  }
0x94: {  	_ =	strace s3  }
0x95: {  	s3 =	sld [smem:$0x3FFD];
	_ =	sdelay $0x3  }
0x96: {  	_ =	strace s3  }
0x97: {  	_ =	strace $0x8FFFFFFF  }
0x98: {  	s19 =	sld [smem:$0x3FDB];
	_ =	sdelay $0x1  }
0x99: {  	s4 =	simm.s32 $_scs_section_size  }
0x9a: {  	s5 =	simm.s32 $_size__tile_overlayer_lowered;
	s6 =	simm.s32 $_tile_overlayer_lowered  }
0x9b: {  	s22 =	simm.s32 $0x1BFF;
	s21 =	sshll.u32 s6, $0x1;
	s3 =	sadd.s32 s4, s19  }
0x9c: {  	s7 =	simm.s32 $0x0;
	s20 =	sshll.u32 s5, $0x1;
	s5 =	sadd.s32 s21, s3  }
0x9d: {  	[timem:s7], [sflag:s22] =	dma.local [hbm:s5], s20  }
0x9e: {  	_ =	swait.ge [sflag:s22], s20  }
0x9f: {  	s4 =	ssub.s32 $0x0, s20;
	[sflag:s22] =	ssyncset.done $0x0  }
0xa0: {  	[sflag:s22] =	ssyncadd.s32 s4;
	_ =	sdelay $0x1  }
0xa1: {  	s23 =	simm.s32 $0x1B8B  }
0xa2: {  	_ =	swait.ge [sflag:s23], $0x1  }
0xa3: {  	[sflag:s23] =	ssyncset.done $0x0  }
0xa4: {  	s25 =	simm.s32 $0x1B8E;
	s24 =	sld [smem:$0x3FFE];
	[sflag:s23] =	ssyncadd.s32 $0xFFFFFFFF  }
0xa5: {  	s26 =	simm.s32 $execute0_lowered;
	[smem:$0x3FD2] =	sst s25  }
0xa6: {  	s5 =	sshll.u32 s26, $0x1;
	_ =	strace $0x80000046;
	[dreg:$0x1] =	wrdreg $0xFFFFFFFF  }
0xa7: {  	s28 =	simm.s32 $_size_execute0_lowered;
	s3 =	sadd.s32 s3, s5;
	[dreg:$0x0] =	wrdreg $0x0  }
0xa8: {  	s5 =	sshll.u32 s28, $0x1;
	[dreg:$0x2] =	wrdreg s3  }
0xa9: {  	[dreg:$0x3] =	wrdreg s5  }
0xaa: {  	[dreg:$0x4] =	wrdreg $0xC0  }
0xab: {  	_ =	task [dreg:s7], $0x5FFFF  }
0xac: {  	[dreg:$0x1] =	wrdreg $0xFFFFFFFF  }
0xad: {  	[dreg:$0x0] =	wrdreg $0x60  }
0xae: {  	[dreg:$0x2] =	wrdreg s2  }
0xaf: {  	[dreg:$0x3] =	wrdreg s24  }
0xb0: {  	[dreg:$0x4] =	wrdreg $0xA  }
0xb1: {  	_ =	task.clear_ibuf [dreg:s7], $0x5FFFF;
	_ =	strace $0x90000046  }
0xb2: {  	s29 =	simm.s32 $0xA;
	_ =	strace $0x80000048  }
0xb3: {  	_ =	swait.ge [sflag:s29], $0x1  }
0xb4: {  	[sflag:s29] =	ssyncadd.s32 $0xFFFFFFFF  }
0xb5: {  	_ =	strace $0x90000048  }
0xb6: {  	_ =	sfence  }
0xb7: {  	s30 =	sld [smem:$0x0];
	_ =	sdelay $0x2  }
0xb8: {  	s31 =	sshll.u32 s1, $0xD;
	s1 =	sshrl.u32 s1, $0x2  }
0xb9: {  	s3 =	sand.u32 $0x4000, s31;
	s1 =	sadd.s32 s1, s30  }
0xba: {  	s0 =	sor.u32 s3, s0;
	s1 =	sshll.u32 s1, $0x11  }
0xbb: {  	s0 =	sor.u32 s1, s0  }
0xbc: {  	s0 =	sadd.s32 $0x8F2B, s0  }
0xbd: {  	[sflag:s0] =	ssyncadd.remote.s32 $0x1  }
0xbe: {  	_ =	sfence.sel $0xFFFF  }
0xbf: {  	[dreg:$0x0] =	wrdreg $0xFFFFFFFF;
	(pc) =	sbr.abs _section_cstart, $3  }
0xc0: {  	[dreg:$0x1] =	wrdreg $0xFFFFFFFF  }
0xc1: {  	_ =	task.clear_ibuf [dreg:s7], $0x2FFFF;
	_ =	strace $0x9FFFFFFF  }
0xc2: {  	(tm) =	ssettm $0x7FFFFFFF  }
0xc3: {  	_ =	shalt  }
tec
execute0_lowered:
.L_overlay_start_1:
0x0: {  	(tag) =	ssettag $0x1  }
0x1: {  	s2 =	rddreg [dreg:$0x0]  }
0x2: {  	s0 =	rddreg [dreg:$0x1];
	s1 =	srdreg.scid  }
0x3: {  	s16 =	stileid.u32;
	s3 =	simm.s32 $0x0;
	s18 =	simm.s32 $0x80  }
0x4: {  	s19 =	simm.s32 $0x800;
	s20 =	simm.s32 $0x8800;
	s21 =	simm.s32 $0x4800  }
0x5: {  	s22 =	simm.s32 $0x9000;
	s28 =	simm.s32 $0x700;
	s29 =	simm.s32 $0x780  }
0x6: {  	s30 =	simm.s32 $0x0;
	s1 =	sand.u32 $0x1, s1;
	s4 =	sshll.u32 s16, $0xC  }
0x7: {  	[smem:$0x7FF] =	sst s3;
	s14 =	sadd.s32 $0x28C00, s0;
	s15 =	sshll.u32 s16, $0xD  }
0x8: {  	s16 =	sshll.u32 s16, $0x10;
	s5 =	sshll.u32 s1, $0xB;
	_ =	strace $0x80000047  }
0x9: {  	s7 =	ssub.s32 $0x2, s1;
	s17 =	sshll.u32 s1, $0xC;
	s16 =	sadd.s32 s16, s14  }
0xa: {  	s1 =	sshll.u32 s1, $0xF;
	s5 =	sor.u32 s5, s4;
	s4 =	sadd.s32 $0x4C00, s0  }
0xb: {  	s8 =	sshrl.u32 s7, $0x1;
	s1 =	sadd.s32 s1, s16;
	s6 =	sshrl.u32 s5, $0x3  }
0xc: {  	s7 =	ssub.s32 s7, s8;
	s24 =	sor.u32 $0x700, s5;
	s10 =	sor.u32 $0x780, s5  }
0xd: {  	s12 =	sor.u32 $0x600, s5;
	s5 =	sor.u32 $0x680, s5;
	s16 =	sadd.s32 $0x800, s1  }
0xe: {  	s6 =	sadd.s32 s6, s0;
	s0 =	sadd.s32 $0x8C00, s0;
	s23 =	smax.u32 s7, $0x1  }
0xf: {  	s25 =	sshll.u32 s24, $0x4;
	s9 =	sshll.u32 s24, $0x1;
	s26 =	sshll.u32 s10, $0x4  }
0x10: {  	s10 =	sshll.u32 s10, $0x1;
	s11 =	sshll.u32 s12, $0x4;
	s12 =	sshll.u32 s12, $0x1  }
0x11: {  	s13 =	sshll.u32 s5, $0x4;
	s5 =	sshll.u32 s5, $0x1;
	s24 =	simm.s32 $0x2  }
0x12: {  	s6 =	sadd.s32 $0x2C00, s6;
	[dreg:$0x4] =	wrdreg s23;
	s7 =	sadd.s32 s14, s25  }
0x13: {  	s8 =	sadd.s32 s0, s9;
	s9 =	sadd.s32 s14, s26;
	s10 =	sadd.s32 s0, s10  }
0x14: {  	s11 =	sadd.s32 s14, s11;
	s12 =	sadd.s32 s0, s12;
	s13 =	sadd.s32 s14, s13  }
0x15: {  	s15 =	sadd.s32 s15, s0;
	s14 =	sadd.s32 s0, s5;
	s23 =	simm.s32 $0x1  }
0x16: {  	s25 =	simm.s32 $0x3;
	s26 =	simm.s32 $0x4;
	s31 =	sadd.s32 s17, s15  }
0x17: {  	[dreg:$0x3] =	wrdreg s6;
	s17 =	simm.s32 $0x5;
	s15 =	sadd.s32 $0x100, s31  }
.LBB2_1:
0x18: {  	s0 =	rddreg [dreg:$0x3]  }
0x19: {  	[tilespmem:s3], [sflag:$0x5] =	stream.linear.gather [hbm4b:s0+s3], $0x800, $0x38;
	[tilespmem:$0x9800] =	vst v63  }
0x1a: {  	_ =	swait.ge [sflag:s17], $0x800  }
0x1b: {  	[sflag:s17] =	ssyncset.done $0x0  }
0x1c: {  	[sflag:s17] =	ssyncadd.s32 $0xFFFFF800  }
0x1d: {  	[tilespmem:s19], [sflag:$0x1] =	stream.indirect.gather [hbm4b:s2+s18], $0x80, s3, s18, $0xb8;
	[tilespmem:$0x9800] =	vst v63  }
0x1e: {  	_ = 	snop  }
0x1f: {  	[tilespmem:s20], [sflag:$0x1] =	stream.indirect.gather [hbm4b:s4+s18], $0x10, s3, s18, $0xb8;
	[tilespmem:$0x9800] =	vst v63  }
0x20: {  	_ = 	snop  }
0x21: {  	[tilespmem:s21], [sflag:$0x2] =	stream.indirect.gather [hbm4b:s2+s18], $0x80, s18, s18, $0xb8;
	[tilespmem:$0x9800] =	vst v63  }
0x22: {  	_ = 	snop  }
0x23: {  	[tilespmem:s22], [sflag:$0x2] =	stream.indirect.gather [hbm4b:s4+s18], $0x10, s18, s18, $0xb8;
	[tilespmem:$0x9800] =	vst v63  }
0x24: {  	_ =	swait.ge [sflag:s23], $0x4000  }
0x25: {  	[sflag:s23] =	ssyncset.done $0x0  }
0x26: {  	[sflag:s23] =	ssyncadd.s32 $0xFFFFC000  }
0x27: {  	_ =	swait.ge [sflag:s23], $0x800  }
0x28: {  	[sflag:s23] =	ssyncset.done $0x0  }
0x29: {  	s1 =	sadd.s32 $0xFFFFF800, s16;
	[sflag:s23] =	ssyncadd.s32 $0xFFFFF800  }
0x2a: {  	[hbm4b:s1+s3] =	stream.linear.scatter [tilespmem:s19], [sflag:$0x3], $0x4000, $0x38;
	[tilespmem:$0x9800] =	vst v63  }
0x2b: {  	s5 =	sadd.s32 $0xFFFFFF00, s15  }
0x2c: {  	[hbm4b:s5+s3] =	stream.linear.scatter [tilespmem:s20], [sflag:$0x3], $0x800, $0x38;
	[tilespmem:$0x9800] =	vst v63  }
0x2d: {  	_ =	swait.ge [sflag:s24], $0x4000  }
0x2e: {  	[sflag:s24] =	ssyncset.done $0x0  }
0x2f: {  	[sflag:s24] =	ssyncadd.s32 $0xFFFFC000  }
0x30: {  	_ =	swait.ge [sflag:s24], $0x800  }
0x31: {  	[sflag:s24] =	ssyncset.done $0x0  }
0x32: {  	[sflag:s24] =	ssyncadd.s32 $0xFFFFF800  }
0x33: {  	[hbm4b:s16+s3] =	stream.linear.scatter [tilespmem:s21], [sflag:$0x4], $0x4000, $0x38;
	[tilespmem:$0x9800] =	vst v63  }
0x34: {  	_ = 	snop  }
0x35: {  	[hbm4b:s15+s3] =	stream.linear.scatter [tilespmem:s22], [sflag:$0x4], $0x800, $0x38;
	[tilespmem:$0x9800] =	vst v63  }
0x36: {  	_ =	swait.ge [sflag:s25], $0x4000  }
0x37: {  	[sflag:s25] =	ssyncset.done $0x0  }
0x38: {  	[sflag:s25] =	ssyncadd.s32 $0xFFFFC000  }
0x39: {  	_ =	swait.ge [sflag:s25], $0x800  }
0x3a: {  	[sflag:s25] =	ssyncset.done $0x0  }
0x3b: {  	s6 =	simm.s32 $0x100;
	[sflag:s25] =	ssyncadd.s32 $0xFFFFF800  }
0x3c: {  	[tilespmem:s19], [sflag:$0x1] =	stream.indirect.gather [hbm4b:s2+s18], $0x80, s6, s18, $0xb8;
	[tilespmem:$0x9800] =	vst v63  }
0x3d: {  	_ = 	snop  }
0x3e: {  	[tilespmem:s20], [sflag:$0x1] =	stream.indirect.gather [hbm4b:s4+s18], $0x10, s6, s18, $0xb8;
	[tilespmem:$0x9800] =	vst v63  }
0x3f: {  	_ =	swait.ge [sflag:s26], $0x4000  }
0x40: {  	[sflag:s26] =	ssyncset.done $0x0  }
0x41: {  	[sflag:s26] =	ssyncadd.s32 $0xFFFFC000  }
0x42: {  	_ =	swait.ge [sflag:s26], $0x800  }
0x43: {  	s31 =	simm.s32 $0x400;
	s0 =	sadd.s32 $0x200, s15;
	[sflag:s26] =	ssyncset.done $0x0  }
0x44: {  	s1 =	sadd.s32 $0x1000, s16;
	s5 =	simm.s32 $0x180;
	[sflag:s26] =	ssyncadd.s32 $0xFFFFF800  }
0x45: {  	[tilespmem:s21], [sflag:$0x2] =	stream.indirect.gather [hbm4b:s2+s18], $0x80, s5, s18, $0xb8;
	[tilespmem:$0x9800] =	vst v63  }
.LBB2_2:
0x46: {  	[tilespmem:s22], [sflag:$0x2] =	stream.indirect.gather [hbm4b:s4+s18], $0x10, s5, s18, $0xb8;
	[tilespmem:$0x9800] =	vst v63  }
0x47: {  	s5 =	smov.u32 s31  }
0x48: {  	p0 =	sne.s32 s31, $0x1400;
	s31 =	sadd.s32 $0x400, s31;
	_ =	swait.ge [sflag:s23], $0x4000  }
0x49: {  	[sflag:s23] =	ssyncset.done $0x0  }
0x4a: {  	[sflag:s23] =	ssyncadd.s32 $0xFFFFC000  }
0x4b: {  	_ =	swait.ge [sflag:s23], $0x800  }
0x4c: {  	[sflag:s23] =	ssyncset.done $0x0  }
0x4d: {  	s6 =	sadd.s32 $0xFFFFF800, s1;
	[sflag:s23] =	ssyncadd.s32 $0xFFFFF800  }
0x4e: {  	[hbm4b:s6+s3] =	stream.linear.scatter [tilespmem:s19], [sflag:$0x3], $0x4000, $0x38;
	[tilespmem:$0x9800] =	vst v63  }
0x4f: {  	s6 =	sadd.s32 $0xFFFFFF00, s0  }
0x50: {  	[hbm4b:s6+s3] =	stream.linear.scatter [tilespmem:s20], [sflag:$0x3], $0x800, $0x38;
	[tilespmem:$0x9800] =	vst v63  }
0x51: {  	_ =	swait.ge [sflag:s24], $0x4000  }
0x52: {  	[sflag:s24] =	ssyncset.done $0x0  }
0x53: {  	[sflag:s24] =	ssyncadd.s32 $0xFFFFC000  }
0x54: {  	_ =	swait.ge [sflag:s24], $0x800  }
0x55: {  	[sflag:s24] =	ssyncset.done $0x0  }
0x56: {  	[sflag:s24] =	ssyncadd.s32 $0xFFFFF800  }
0x57: {  	[hbm4b:s1+s3] =	stream.linear.scatter [tilespmem:s21], [sflag:$0x4], $0x4000, $0x38;
	[tilespmem:$0x9800] =	vst v63  }
0x58: {  	_ = 	snop  }
0x59: {  	[hbm4b:s0+s3] =	stream.linear.scatter [tilespmem:s22], [sflag:$0x4], $0x800, $0x38;
	[tilespmem:$0x9800] =	vst v63  }
0x5a: {  	_ =	swait.ge [sflag:s25], $0x4000  }
0x5b: {  	[sflag:s25] =	ssyncset.done $0x0  }
0x5c: {  	[sflag:s25] =	ssyncadd.s32 $0xFFFFC000  }
0x5d: {  	_ =	swait.ge [sflag:s25], $0x800  }
0x5e: {  	s5 =	sshra.s32 s5, $0x2;
	[sflag:s25] =	ssyncset.done $0x0  }
0x5f: {  	s6 =	sadd.s32 $0x100, s5;
	[sflag:s25] =	ssyncadd.s32 $0xFFFFF800  }
0x60: {  	[tilespmem:s19], [sflag:$0x1] =	stream.indirect.gather [hbm4b:s2+s18], $0x80, s6, s18, $0xb8;
	[tilespmem:$0x9800] =	vst v63  }
0x61: {  	_ = 	snop  }
0x62: {  	[tilespmem:s20], [sflag:$0x1] =	stream.indirect.gather [hbm4b:s4+s18], $0x10, s6, s18, $0xb8;
	[tilespmem:$0x9800] =	vst v63  }
0x63: {  	_ =	swait.ge [sflag:s26], $0x4000  }
0x64: {  	[sflag:s26] =	ssyncset.done $0x0  }
0x65: {  	[sflag:s26] =	ssyncadd.s32 $0xFFFFC000  }
.Ltmp0:
0x66: {  	_ =	swait.ge [sflag:s26], $0x800;
	(pc) =	sbr.rel @p0 .LBB2_2-.Ltmp0, $4  }
0x67: {  	[sflag:s26] =	ssyncset.done $0x0  }
0x68: {  	s5 =	sadd.s32 $0x180, s5;
	[sflag:s26] =	ssyncadd.s32 $0xFFFFF800  }
0x69: {  	[tilespmem:s21], [sflag:$0x2] =	stream.indirect.gather [hbm4b:s2+s18], $0x80, s5, s18, $0xb8;
	[tilespmem:$0x9800] =	vst v63  }
0x6a: {  	s1 =	sadd.s32 $0x1000, s1;
	s0 =	sadd.s32 $0x200, s0  }
0x6b: {  	[tilespmem:s22], [sflag:$0x2] =	stream.indirect.gather [hbm4b:s4+s18], $0x10, s5, s18, $0xb8;
	[tilespmem:$0x9800] =	vst v63  }
0x6c: {  	_ =	swait.ge [sflag:s23], $0x4000  }
0x6d: {  	[sflag:s23] =	ssyncset.done $0x0  }
0x6e: {  	[sflag:s23] =	ssyncadd.s32 $0xFFFFC000  }
0x6f: {  	_ =	swait.ge [sflag:s23], $0x800  }
0x70: {  	[sflag:s23] =	ssyncset.done $0x0  }
0x71: {  	[sflag:s23] =	ssyncadd.s32 $0xFFFFF800  }
0x72: {  	[hbm4b:s11+s3] =	stream.linear.scatter [tilespmem:s19], [sflag:$0x3], $0x4000, $0x38;
	[tilespmem:$0x9800] =	vst v63  }
0x73: {  	_ = 	snop  }
0x74: {  	[hbm4b:s12+s3] =	stream.linear.scatter [tilespmem:s20], [sflag:$0x3], $0x800, $0x38;
	[tilespmem:$0x9800] =	vst v63  }
0x75: {  	_ =	swait.ge [sflag:s24], $0x4000  }
0x76: {  	[sflag:s24] =	ssyncset.done $0x0  }
0x77: {  	[sflag:s24] =	ssyncadd.s32 $0xFFFFC000  }
0x78: {  	_ =	swait.ge [sflag:s24], $0x800  }
0x79: {  	[sflag:s24] =	ssyncset.done $0x0  }
0x7a: {  	[sflag:s24] =	ssyncadd.s32 $0xFFFFF800  }
0x7b: {  	[hbm4b:s13+s3] =	stream.linear.scatter [tilespmem:s21], [sflag:$0x4], $0x4000, $0x38;
	[tilespmem:$0x9800] =	vst v63  }
0x7c: {  	_ = 	snop  }
0x7d: {  	[hbm4b:s14+s3] =	stream.linear.scatter [tilespmem:s22], [sflag:$0x4], $0x800, $0x38;
	[tilespmem:$0x9800] =	vst v63  }
0x7e: {  	_ =	swait.ge [sflag:s25], $0x4000  }
0x7f: {  	[sflag:s25] =	ssyncset.done $0x0  }
0x80: {  	[sflag:s25] =	ssyncadd.s32 $0xFFFFC000  }
0x81: {  	_ =	swait.ge [sflag:s25], $0x800  }
0x82: {  	[sflag:s25] =	ssyncset.done $0x0  }
0x83: {  	[sflag:s25] =	ssyncadd.s32 $0xFFFFF800  }
0x84: {  	[tilespmem:s19], [sflag:$0x1] =	stream.indirect.gather [hbm4b:s2+s18], $0x80, s28, s18, $0xb8;
	[tilespmem:$0x9800] =	vst v63  }
0x85: {  	_ = 	snop  }
0x86: {  	[tilespmem:s20], [sflag:$0x1] =	stream.indirect.gather [hbm4b:s4+s18], $0x10, s28, s18, $0xb8;
	[tilespmem:$0x9800] =	vst v63  }
0x87: {  	_ =	swait.ge [sflag:s26], $0x4000  }
0x88: {  	[sflag:s26] =	ssyncset.done $0x0  }
0x89: {  	[sflag:s26] =	ssyncadd.s32 $0xFFFFC000  }
0x8a: {  	_ =	swait.ge [sflag:s26], $0x800  }
0x8b: {  	[sflag:s26] =	ssyncset.done $0x0  }
0x8c: {  	[sflag:s26] =	ssyncadd.s32 $0xFFFFF800  }
0x8d: {  	[tilespmem:s21], [sflag:$0x2] =	stream.indirect.gather [hbm4b:s2+s18], $0x80, s29, s18, $0xb8;
	[tilespmem:$0x9800] =	vst v63  }
0x8e: {  	_ = 	snop  }
0x8f: {  	[tilespmem:s22], [sflag:$0x2] =	stream.indirect.gather [hbm4b:s4+s18], $0x10, s29, s18, $0xb8;
	[tilespmem:$0x9800] =	vst v63  }
0x90: {  	_ =	swait.ge [sflag:s23], $0x4000  }
0x91: {  	[sflag:s23] =	ssyncset.done $0x0  }
0x92: {  	[sflag:s23] =	ssyncadd.s32 $0xFFFFC000  }
0x93: {  	_ =	swait.ge [sflag:s23], $0x800  }
0x94: {  	[sflag:s23] =	ssyncset.done $0x0  }
0x95: {  	[sflag:s23] =	ssyncadd.s32 $0xFFFFF800  }
0x96: {  	[hbm4b:s7+s3] =	stream.linear.scatter [tilespmem:s19], [sflag:$0x3], $0x4000, $0x38;
	[tilespmem:$0x9800] =	vst v63  }
0x97: {  	_ = 	snop  }
0x98: {  	[hbm4b:s8+s3] =	stream.linear.scatter [tilespmem:s20], [sflag:$0x3], $0x800, $0x38;
	[tilespmem:$0x9800] =	vst v63  }
0x99: {  	_ =	swait.ge [sflag:s24], $0x4000  }
0x9a: {  	[sflag:s24] =	ssyncset.done $0x0  }
0x9b: {  	[sflag:s24] =	ssyncadd.s32 $0xFFFFC000  }
0x9c: {  	_ =	swait.ge [sflag:s24], $0x800  }
0x9d: {  	[sflag:s24] =	ssyncset.done $0x0  }
0x9e: {  	[sflag:s24] =	ssyncadd.s32 $0xFFFFF800  }
0x9f: {  	[hbm4b:s9+s3] =	stream.linear.scatter [tilespmem:s21], [sflag:$0x4], $0x4000, $0x38;
	[tilespmem:$0x9800] =	vst v63  }
0xa0: {  	_ = 	snop  }
0xa1: {  	[hbm4b:s10+s3] =	stream.linear.scatter [tilespmem:s22], [sflag:$0x4], $0x800, $0x38;
	[tilespmem:$0x9800] =	vst v63  }
0xa2: {  	_ =	swait.ge [sflag:s25], $0x4000  }
0xa3: {  	[sflag:s25] =	ssyncset.done $0x0  }
0xa4: {  	[sflag:s25] =	ssyncadd.s32 $0xFFFFC000  }
0xa5: {  	_ =	swait.ge [sflag:s25], $0x800  }
0xa6: {  	[sflag:s25] =	ssyncset.done $0x0  }
0xa7: {  	[sflag:s25] =	ssyncadd.s32 $0xFFFFF800  }
0xa8: {  	[tilespmem:s19], [sflag:$0x1] =	stream.indirect.gather [hbm4b:s2+s18], $0x80, s29, s18, $0xb8;
	[tilespmem:$0x9800] =	vst v63  }
0xa9: {  	_ = 	snop  }
0xaa: {  	[tilespmem:s20], [sflag:$0x1] =	stream.indirect.gather [hbm4b:s4+s18], $0x10, s29, s18, $0xb8;
	[tilespmem:$0x9800] =	vst v63  }
0xab: {  	_ =	swait.ge [sflag:s26], $0x4000  }
0xac: {  	[sflag:s26] =	ssyncset.done $0x0  }
0xad: {  	[sflag:s26] =	ssyncadd.s32 $0xFFFFC000  }
0xae: {  	_ =	swait.ge [sflag:s26], $0x800  }
0xaf: {  	[sflag:s26] =	ssyncset.done $0x0  }
0xb0: {  	[sflag:s26] =	ssyncadd.s32 $0xFFFFF800  }
0xb1: {  	[tilespmem:s21], [sflag:$0x2] =	stream.indirect.gather [hbm4b:s2+s18], $0x80, s29, s18, $0xb8;
	[tilespmem:$0x9800] =	vst v63  }
0xb2: {  	_ = 	snop  }
0xb3: {  	[tilespmem:s22], [sflag:$0x2] =	stream.indirect.gather [hbm4b:s4+s18], $0x10, s29, s18, $0xb8;
	[tilespmem:$0x9800] =	vst v63  }
0xb4: {  	_ =	swait.ge [sflag:s23], $0x4000  }
0xb5: {  	[sflag:s23] =	ssyncset.done $0x0  }
0xb6: {  	[sflag:s23] =	ssyncadd.s32 $0xFFFFC000  }
0xb7: {  	_ =	swait.ge [sflag:s23], $0x800  }
0xb8: {  	[sflag:s23] =	ssyncset.done $0x0  }
0xb9: {  	[sflag:s23] =	ssyncadd.s32 $0xFFFFF800  }
0xba: {  	_ =	swait.ge [sflag:s24], $0x4000  }
0xbb: {  	[sflag:s24] =	ssyncset.done $0x0  }
0xbc: {  	[sflag:s24] =	ssyncadd.s32 $0xFFFFC000  }
0xbd: {  	_ =	swait.ge [sflag:s24], $0x800  }
0xbe: {  	s30 =	sadd.s32 $0x1, s30;
	s0 =	rddreg [dreg:$0x4]  }
0xbf: {  	p0 =	sne.s32 s30, s0  }
.Ltmp1:
0xc0: {  	_ = 	snop;
	(pc) =	sbr.rel @p0 .LBB2_1-.Ltmp1, $3  }
0xc1: {  	_ =	sdelay $0x1  }
0xc2: {  	[sflag:s24] =	ssyncset.done $0x0  }
0xc3: {  	[sflag:s24] =	ssyncadd.s32 $0xFFFFF800  }
0xc4: {  	_ =	sfence.sel $0x180000  }
0xc5: {  	[bflag:$0x0] =	sbarrier.arrive $0xFFFF  }
0xc6: {  	_ =	strace $0x90000047  }
0xc7: {  	s0 =	stileid.u32;
	[bflag:$0x2] =	sbarrier.arrive $0xFFFF  }
0xc8: {  	p0 =	sne.s32 s0, $0x0;
	s0 =	rddreg [dreg:$0x2]  }
0xc9: {  	s0 =	sadd.s32 @!p0 $0x100000, s0  }
0xca: {  	[sflag:s0] =	ssyncadd.tile.s32 @!p0 $0x1;
	_ =	shalt  }
.Lfunc_end2:
_tile_overlayer_lowered:
.L_overlay_start_2:
0xcb: {  	(tag) =	ssettag $0x2  }
0xcc: {  	s0 =	rddreg [dreg:$0x0];
	s2 =	stileid.u32  }
0xcd: {  	s1 =	rddreg [dreg:$0x1];
	p0 =	sne.s32 s2, $0x0  }
0xce: {  	s3 =	rddreg [dreg:$0x2];
	[bflag:$0x3] =	sbarrier.arrive $0xFFFF;
	s2 =	simm.s32 @!p0 $0x1C05  }
0xcf: {  	[timem:s3], [sflag:s2] =	dma.local @!p0 [hbm:s0], s1  }
0xd0: {  	s0 =	simm.s32 @!p0 $0x5  }
0xd1: {  	_ =	swait.ge @!p0 [sflag:s0], s1  }
0xd2: {  	s1 =	ssub.s32 @!p0 $0x0, s1;
	[sflag:s0] =	ssyncset.done @!p0 $0x0  }
0xd3: {  	[sflag:s0] =	ssyncadd.s32 @!p0 s1  }
0xd4: {  	[bflag:$0x3] =	sbarrier.arrive $0xFFFF  }
0xd5: {  	_ =	shalt  }

// kernel: kernel.8.cloned.1.call-start
scs
__scs_entry_jumppad:
0x0: {  	(pc) =	sbr.rel $0x88, $3  }
0x1: {  	(tag) =	ssettag $0x0;
	lr =	simm.s32 $0x1  }
0x2: {  	[smem:$0x3F94] =	sst lr;
	_ =	strace $0xD0000000  }
0x3: {  	_ = 	snop  }
0x4: {  	_ = 	snop  }
0x5: {  	_ = 	snop  }
0x6: {  	_ = 	snop  }
0x7: {  	_ = 	snop  }
__scs_overlays_trampoline_lowered:
0x8: {  	[smem:$0x3FA3] =	sst s0  }
0x9: {  	[smem:$0x3FA4] =	sst s1  }
0xa: {  	[smem:$0x3FA5] =	sst s2  }
0xb: {  	[smem:$0x3FA6] =	sst s3  }
0xc: {  	[smem:$0x3FA7] =	sst s4  }
0xd: {  	[smem:$0x3FA8] =	sst s5  }
0xe: {  	[smem:$0x3FA9] =	sst s6  }
0xf: {  	[smem:$0x3FAA] =	sst s7  }
0x10: {  	[smem:$0x3FAB] =	sst s8  }
0x11: {  	[smem:$0x3FAC] =	sst s9;
	s0 =	simm.s32 @!p0 $0x0  }
0x12: {  	s1 =	sld [smem:$0x3F92];
	s0 =	simm.s32 @p0 $0x1  }
0x13: {  	[smem:$0x3FAD] =	sst s0;
	s0 =	simm.s32 @!p1 $0x0  }
0x14: {  	s2 =	sld [smem:$0x3F91];
	s0 =	simm.s32 @p1 $0x1  }
0x15: {  	[smem:$0x3FAE] =	sst s0;
	s0 =	simm.s32 @!p2 $0x0  }
0x16: {  	s3 =	sld [smem:$0x3FDB];
	s0 =	simm.s32 @p2 $0x1  }
0x17: {  	s4 =	simm.s32 $0x1BF5;
	[smem:$0x3FB0] =	sst s0  }
0x18: {  	s0 =	sld [smem:$0x3F93];
	_ =	swait.ge [sflag:s4], $0x0  }
0x19: {  	s7 =	sld [smem:$0x3F94]  }
0x1a: {  	s8 =	sadd.s32 $0xFFFFE003, lr  }
0x1b: {  	s9 =	sadd.s32 $0xFFFFFEF7, lr;
	s5 =	simm.s32 $0xFFFFFFFF;
	p2 =	slt.u32 s8, $0xFFFFF086  }
0x1c: {  	p1 =	slt.u32 s9, $0xF7A;
	s5 =	simm.s32 @!p2 $0x0  }
0x1d: {  	s5 =	simm.s32 @p1 $0x1;
	p0 =	seq.s32 s7, s2  }
0x1e: {  	s7 =	smul.u32 @!p0 $0xF7A, s2;
	p2 =	seq.s32 @!p0 s5, $0x0  }
0x1f: {  	s9 =	smul.u32 $0xF7A, s1;
	s8 =	simm.s32 @!p0 $0x1BF5;
	p2 =	por !p2, p0  }
0x20: {  	[sflag:s8] =	ssyncset.s32 @!p0 $0xFFFFF086;
	s6 =	sadd.s32 @!p0 s3, s7;
	s7 =	simm.s32 @!p0 $0x108  }
0x21: {  	s3 =	sadd.s32 s3, s9;
	s6 =	sadd.s32 @!p0 $0x88, s6;
	s7 =	simm.s32 @p2 $0x1082  }
0x22: {  	[simem:s7], [sflag:s8] =	dma.local @!p0 [hbm:s6], $0xF7A  }
0x23: {  	s9 =	sor.u32 $0xD0000000, s2;
	s6 =	simm.s32 $0x108;
	_ =	swait.ge @!p0 [sflag:s8], $0x0  }
0x24: {  	s3 =	sadd.s32 $0x88, s3;
	s6 =	simm.s32 @!p1 $0x1082;
	[sflag:s4] =	ssyncset.s32 $0xFFFFF086  }
0x25: {  	[simem:s6], [sflag:s4] =	dma.local [hbm:s3], $0xF7A  }
0x26: {  	[smem:$0x3F94] =	sst s1;
	(tag) =	ssettag s2;
	_ =	strace s9  }
0x27: {  	s1 =	sld [smem:$0x3FA4]  }
0x28: {  	s2 =	sld [smem:$0x3FA5]  }
0x29: {  	s4 =	sld [smem:$0x3FA7]  }
0x2a: {  	p0 =	seq.s32 s5, $0x0;
	s5 =	sld [smem:$0x3FA8]  }
0x2b: {  	s6 =	sld [smem:$0x3FA9]  }
0x2c: {  	s7 =	sld [smem:$0x3FAA]  }
0x2d: {  	s3 =	simm.s32 $0x108;
	s8 =	sld [smem:$0x3FAB]  }
0x2e: {  	s3 =	simm.s32 @!p0 $0x1082;
	s9 =	sld [smem:$0x3FAC]  }
0x2f: {  	lr =	sadd.s32 s0, s3;
	s0 =	sld [smem:$0x3FA3]  }
0x30: {  	s3 =	sld [smem:$0x3FA6]  }
0x31: {  	[smem:$0x3FAF] =	sst s10  }
0x32: {  	s10 =	sld [smem:$0x3FAD];
	_ =	sdelay $0x3  }
0x33: {  	p0 =	seq.s32 s10, $0x1;
	s10 =	sld [smem:$0x3FAF];
	_ =	sdelay $0x3  }
0x34: {  	[smem:$0x3FAF] =	sst s10  }
0x35: {  	s10 =	sld [smem:$0x3FAE];
	_ =	sdelay $0x3  }
0x36: {  	p1 =	seq.s32 s10, $0x1;
	s10 =	sld [smem:$0x3FAF];
	_ =	sdelay $0x3  }
0x37: {  	[smem:$0x3FAF] =	sst s10  }
0x38: {  	s10 =	sld [smem:$0x3FB0]  }
0x39: {  	_ = 	snop;
	(pc) =	sbr.ind lr, $3  }
0x3a: {  	_ = 	snop  }
0x3b: {  	_ = 	snop  }
0x3c: {  	p2 =	seq.s32 s10, $0x1;
	s10 =	sld [smem:$0x3FAF]  }
0x3d: {  	_ =	shalt  }
0x3e: {  	_ =	shalt  }
0x3f: {  	_ =	shalt  }
0x40: {  	_ =	shalt  }
0x41: {  	_ =	shalt  }
0x42: {  	_ =	shalt  }
0x43: {  	_ =	shalt  }
0x44: {  	_ =	shalt  }
0x45: {  	_ =	shalt  }
0x46: {  	_ =	shalt  }
0x47: {  	_ =	shalt  }
0x48: {  	_ =	shalt  }
0x49: {  	_ =	shalt  }
0x4a: {  	_ =	shalt  }
0x4b: {  	_ =	shalt  }
0x4c: {  	_ =	shalt  }
0x4d: {  	_ =	shalt  }
0x4e: {  	_ =	shalt  }
0x4f: {  	_ =	shalt  }
0x50: {  	_ =	shalt  }
0x51: {  	_ =	shalt  }
0x52: {  	_ =	shalt  }
0x53: {  	_ =	shalt  }
0x54: {  	_ =	shalt  }
0x55: {  	_ =	shalt  }
0x56: {  	_ =	shalt  }
0x57: {  	_ =	shalt  }
0x58: {  	_ =	shalt  }
0x59: {  	_ =	shalt  }
0x5a: {  	_ =	shalt  }
0x5b: {  	_ =	shalt  }
0x5c: {  	_ =	shalt  }
0x5d: {  	_ =	shalt  }
0x5e: {  	_ =	shalt  }
0x5f: {  	_ =	shalt  }
0x60: {  	_ =	shalt  }
0x61: {  	_ =	shalt  }
0x62: {  	_ =	shalt  }
0x63: {  	_ =	shalt  }
0x64: {  	_ =	shalt  }
0x65: {  	_ =	shalt  }
0x66: {  	_ =	shalt  }
0x67: {  	_ =	shalt  }
0x68: {  	_ =	shalt  }
0x69: {  	_ =	shalt  }
0x6a: {  	_ =	shalt  }
0x6b: {  	_ =	shalt  }
0x6c: {  	_ =	shalt  }
0x6d: {  	_ =	shalt  }
0x6e: {  	_ =	shalt  }
0x6f: {  	_ =	shalt  }
0x70: {  	_ =	shalt  }
0x71: {  	_ =	shalt  }
0x72: {  	_ =	shalt  }
0x73: {  	_ =	shalt  }
0x74: {  	_ =	shalt  }
0x75: {  	_ =	shalt  }
0x76: {  	_ =	shalt  }
0x77: {  	_ =	shalt  }
0x78: {  	_ =	shalt  }
0x79: {  	_ =	shalt  }
0x7a: {  	_ =	shalt  }
0x7b: {  	_ =	shalt  }
0x7c: {  	_ =	shalt  }
0x7d: {  	_ =	shalt  }
0x7e: {  	_ =	shalt  }
0x7f: {  	_ =	shalt  }
0x80: {  	_ =	shalt  }
0x81: {  	_ =	shalt  }
0x82: {  	_ =	shalt  }
0x83: {  	_ =	shalt  }
0x84: {  	_ =	shalt  }
0x85: {  	_ =	shalt  }
0x86: {  	_ =	shalt  }
0x87: {  	_ =	shalt  }
.Lfunc_end0:
.L_simem_size_0:
called_computation_lowered:
.L_overlay_start_0:
0x88: {  	s2 =	sld [smem:$0x3FD9]  }
0x89: {  	s3 =	sld [smem:$0x3FFE];
	_ =	sdelay $0x1  }
0x8a: {  	s1 =	srdreg.scid  }
0x8b: {  	s0 =	sand.u32 $0x1, s1  }
0x8c: {  	s17 =	sshll.u32 s0, $0xA;
	s2 =	sadd.s32 s3, s2  }
0x8d: {  	s2 =	sadd.s32 s2, s17  }
0x8e: {  	[smem:$0x3FBB] =	sst s2  }
0x8f: {  	_ = 	snop  }
0x90: {  	s4 =	sld [smem:$0x3FC9]  }
0x91: {  	s18 =	sld [smem:$0x3FD0];
	(tm) =	ssettm $0x1  }
0x92: {  	s19 =	sld [smem:$0x3FFB];
	_ =	sdelay $0x3  }
0x93: {  	_ =	strace s19  }
0x94: {  	s2 =	sld [smem:$0x3FFC];
	_ =	sdelay $0x3  }
0x95: {  	_ =	strace s2  }
0x96: {  	s2 =	sld [smem:$0x3FFD];
	_ =	sdelay $0x3  }
0x97: {  	_ =	strace s2  }
0x98: {  	_ =	strace $0x8FFFFFFF  }
0x99: {  	s20 =	sld [smem:$0x3FDB];
	_ =	sdelay $0x1  }
0x9a: {  	s5 =	simm.s32 $_scs_section_size  }
0x9b: {  	s6 =	simm.s32 $_size__tile_overlayer_lowered;
	s7 =	simm.s32 $_tile_overlayer_lowered  }
0x9c: {  	s8 =	simm.s32 $0x1BFF;
	s21 =	sshll.u32 s7, $0x1;
	s5 =	sadd.s32 s5, s20  }
0x9d: {  	s22 =	simm.s32 $0x0;
	s6 =	sshll.u32 s6, $0x1;
	s7 =	sadd.s32 s21, s5  }
0x9e: {  	[timem:s22], [sflag:s8] =	dma.local [hbm:s7], s6  }
0x9f: {  	_ =	swait.ge [sflag:s8], s6  }
0xa0: {  	s6 =	ssub.s32 $0x0, s6;
	[sflag:s8] =	ssyncset.done $0x0  }
0xa1: {  	[sflag:s8] =	ssyncadd.s32 s6;
	_ =	sdelay $0x1  }
0xa2: {  	s23 =	simm.s32 $0x1B8B  }
0xa3: {  	_ =	swait.ge [sflag:s23], $0x1  }
0xa4: {  	[sflag:s23] =	ssyncset.done $0x0  }
0xa5: {  	[sflag:s23] =	ssyncadd.s32 $0xFFFFFFFF  }
0xa6: {  	s6 =	sld [smem:$0x0]  }
0xa7: {  	s7 =	sand.u32 $0xFFFFFFFE, s1  }
0xa8: {  	p0 =	sne.s32 s1, s7  }
0xa9: {  	s7 =	sshll.u32 @p0 s7, $0xE  }
0xaa: {  	s7 =	sadd.s32 @p0 $0x11B8D, s7;
	s8 =	sshll.u32 @p0 s6, $0x11  }
0xab: {  	s7 =	sor.u32 @p0 s8, s7  }
0xac: {  	[sflag:s7] =	ssyncadd.remote.s32 @p0 $0x1;
	_ =	sdelay $0x1  }
0xad: {  	s7 =	simm.s32 @p0 $0x1B8D  }
0xae: {  	_ =	swait.eq @p0 [sflag:s7], $0x1  }
0xaf: {  	[sflag:s7] =	ssyncadd.s32 @p0 $0xFFFFFFFF  }
0xb0: {  	s8 =	sshll.u32 @!p0 s1, $0xE  }
0xb1: {  	s8 =	sor.u32 @!p0 $0x4000, s8;
	s7 =	simm.s32 @!p0 $0x1B8D  }
0xb2: {  	s6 =	sshll.u32 @!p0 s6, $0x11;
	s8 =	sadd.s32 @!p0 $0x11B8D, s8;
	_ =	swait.eq @!p0 [sflag:s7], $0x1  }
0xb3: {  	s6 =	sor.u32 @!p0 s6, s8;
	[sflag:s7] =	ssyncadd.s32 @!p0 $0xFFFFFFFF  }
0xb4: {  	s25 =	simm.s32 $0x1B8E;
	s24 =	sld [smem:$0x3FFE];
	[sflag:s6] =	ssyncadd.remote.s32 @!p0 $0x1  }
0xb5: {  	s26 =	simm.s32 $execute0_lowered;
	[smem:$0x3FD2] =	sst s25  }
0xb6: {  	s7 =	sshll.u32 s26, $0x1;
	_ =	strace $0x80000049;
	[dreg:$0x1] =	wrdreg $0xFFFFFFFF  }
0xb7: {  	s28 =	simm.s32 $_size_execute0_lowered;
	s5 =	sadd.s32 s5, s7;
	[dreg:$0x0] =	wrdreg $0x0  }
0xb8: {  	s7 =	sshll.u32 s28, $0x1;
	[dreg:$0x2] =	wrdreg s5  }
0xb9: {  	[dreg:$0x3] =	wrdreg s7  }
0xba: {  	[dreg:$0x4] =	wrdreg $0xC0  }
0xbb: {  	_ =	task [dreg:s22], $0x5FFFF  }
0xbc: {  	[dreg:$0x1] =	wrdreg $0xFFFFFFFF  }
0xbd: {  	[dreg:$0x0] =	wrdreg $0x60  }
0xbe: {  	[dreg:$0x2] =	wrdreg s4  }
0xbf: {  	[dreg:$0x3] =	wrdreg s24  }
0xc0: {  	[dreg:$0x4] =	wrdreg s18  }
0xc1: {  	[dreg:$0x5] =	wrdreg $0x9  }
0xc2: {  	_ =	task.clear_ibuf [dreg:s22], $0x6FFFF;
	_ =	strace $0x90000049  }
0xc3: {  	s29 =	simm.s32 $0x9;
	_ =	strace $0x8000004B  }
0xc4: {  	_ =	swait.ge [sflag:s29], $0x1  }
0xc5: {  	[sflag:s29] =	ssyncadd.s32 $0xFFFFFFFF  }
0xc6: {  	_ =	strace $0x9000004B  }
0xc7: {  	_ =	sfence  }
0xc8: {  	s30 =	sld [smem:$0x0];
	_ =	sdelay $0x2  }
0xc9: {  	s31 =	sshll.u32 s1, $0xD;
	s1 =	sshrl.u32 s1, $0x2  }
0xca: {  	s4 =	sand.u32 $0x4000, s31;
	s1 =	sadd.s32 s1, s30  }
0xcb: {  	s0 =	sor.u32 s4, s0;
	s1 =	sshll.u32 s1, $0x11  }
0xcc: {  	s0 =	sor.u32 s1, s0  }
0xcd: {  	s0 =	sadd.s32 $0x8F2B, s0  }
0xce: {  	[sflag:s0] =	ssyncadd.remote.s32 $0x1  }
0xcf: {  	_ =	sfence.sel $0xFFFF  }
0xd0: {  	[dreg:$0x0] =	wrdreg $0xFFFFFFFF;
	(pc) =	sbr.abs _section_cstart, $3  }
0xd1: {  	[dreg:$0x1] =	wrdreg $0xFFFFFFFF  }
0xd2: {  	_ =	task.clear_ibuf [dreg:s22], $0x2FFFF;
	_ =	strace $0x9FFFFFFF  }
0xd3: {  	(tm) =	ssettm $0x7FFFFFFF  }
tec
execute0_lowered:
.L_overlay_start_1:
0x0: {  	(tag) =	ssettag $0x1  }
0x1: {  	s1 =	rddreg [dreg:$0x0]  }
0x2: {  	s0 =	rddreg [dreg:$0x1]  }
0x3: {  	s2 =	rddreg [dreg:$0x2]  }
0x4: {  	s4 =	srdreg.scid;
	s3 =	simm.s32 $0x0;
	s16 =	stileid.u32  }
0x5: {  	s18 =	simm.s32 $0x80;
	s19 =	simm.s32 $0x800;
	s20 =	simm.s32 $0x8800  }
0x6: {  	s28 =	simm.s32 $0x700;
	s29 =	simm.s32 $0x780;
	s30 =	simm.s32 $0x0  }
0x7: {  	s5 =	sand.u32 $0x1, s4;
	[smem:$0x7FF] =	sst s3;
	s21 =	sshll.u32 s16, $0xC  }
0x8: {  	s4 =	sadd.s32 $0x4C00, s0;
	s15 =	sshll.u32 s16, $0xD;
	s16 =	sshll.u32 s16, $0x10  }
0x9: {  	s6 =	sshll.u32 s5, $0xB;
	_ =	strace $0x8000004A;
	s22 =	ssub.s32 $0x2, s5  }
0xa: {  	s15 =	sadd.s32 s15, s2;
	s17 =	sshll.u32 s5, $0xC;
	s5 =	sshll.u32 s5, $0xF  }
0xb: {  	s11 =	sor.u32 s6, s21;
	s8 =	sshrl.u32 s22, $0x1;
	s31 =	sadd.s32 s17, s15  }
0xc: {  	s17 =	simm.s32 $0x5;
	s21 =	simm.s32 $0x4800;
	s7 =	sshrl.u32 s11, $0x3  }
0xd: {  	s6 =	ssub.s32 s22, s8;
	s23 =	sor.u32 $0x700, s11;
	s10 =	sor.u32 $0x780, s11  }
0xe: {  	s12 =	sor.u32 $0x600, s11;
	s14 =	sor.u32 $0x680, s11;
	s15 =	sadd.s32 $0x100, s31  }
0xf: {  	s22 =	simm.s32 $0x9000;
	s7 =	sadd.s32 s7, s0;
	s0 =	sadd.s32 $0x12AC00, s0  }
0x10: {  	s6 =	smax.u32 s6, $0x1;
	s24 =	sshll.u32 s23, $0x4;
	s9 =	sshll.u32 s23, $0x1  }
0x11: {  	s25 =	sshll.u32 s10, $0x4;
	s10 =	sshll.u32 s10, $0x1;
	s13 =	sshll.u32 s12, $0x4  }
0x12: {  	s12 =	sshll.u32 s12, $0x1;
	s26 =	sshll.u32 s14, $0x4;
	s14 =	sshll.u32 s14, $0x1  }
0x13: {  	s23 =	simm.s32 $0x1;
	s7 =	sadd.s32 $0x128C00, s7;
	[dreg:$0x5] =	wrdreg s6  }
0x14: {  	s8 =	sadd.s32 s2, s9;
	s9 =	sadd.s32 s0, s25;
	s10 =	sadd.s32 s2, s10  }
0x15: {  	s11 =	sadd.s32 s0, s13;
	s12 =	sadd.s32 s2, s12;
	s13 =	sadd.s32 s0, s26  }
0x16: {  	[dreg:$0x4] =	wrdreg s7;
	s7 =	sadd.s32 s0, s24;
	s0 =	sadd.s32 s16, s0  }
0x17: {  	s14 =	sadd.s32 s2, s14;
	s25 =	simm.s32 $0x3;
	s0 =	sadd.s32 s5, s0  }
0x18: {  	s26 =	simm.s32 $0x4;
	s24 =	simm.s32 $0x2;
	s16 =	sadd.s32 $0x800, s0  }
.LBB2_1:
0x19: {  	s0 =	rddreg [dreg:$0x4]  }
0x1a: {  	[tilespmem:s3], [sflag:$0x5] =	stream.linear.gather [hbm4b:s0+s3], $0x800, $0x38;
	[tilespmem:$0x9800] =	vst v63  }
0x1b: {  	_ =	swait.ge [sflag:s17], $0x800  }
0x1c: {  	[sflag:s17] =	ssyncset.done $0x0  }
0x1d: {  	[sflag:s17] =	ssyncadd.s32 $0xFFFFF800  }
0x1e: {  	[tilespmem:s19], [sflag:$0x1] =	stream.indirect.gather [hbm4b:s1+s18], $0x80, s3, s18, $0xb8;
	[tilespmem:$0x9800] =	vst v63  }
0x1f: {  	_ = 	snop  }
0x20: {  	[tilespmem:s20], [sflag:$0x1] =	stream.indirect.gather [hbm4b:s4+s18], $0x10, s3, s18, $0xb8;
	[tilespmem:$0x9800] =	vst v63  }
0x21: {  	_ = 	snop  }
0x22: {  	[tilespmem:s21], [sflag:$0x2] =	stream.indirect.gather [hbm4b:s1+s18], $0x80, s18, s18, $0xb8;
	[tilespmem:$0x9800] =	vst v63  }
0x23: {  	_ = 	snop  }
0x24: {  	[tilespmem:s22], [sflag:$0x2] =	stream.indirect.gather [hbm4b:s4+s18], $0x10, s18, s18, $0xb8;
	[tilespmem:$0x9800] =	vst v63  }
0x25: {  	_ =	swait.ge [sflag:s23], $0x4000  }
0x26: {  	[sflag:s23] =	ssyncset.done $0x0  }
0x27: {  	[sflag:s23] =	ssyncadd.s32 $0xFFFFC000  }
0x28: {  	_ =	swait.ge [sflag:s23], $0x800  }
0x29: {  	[sflag:s23] =	ssyncset.done $0x0  }
0x2a: {  	s2 =	sadd.s32 $0xFFFFF800, s16;
	[sflag:s23] =	ssyncadd.s32 $0xFFFFF800  }
0x2b: {  	[hbm4b:s2+s3] =	stream.linear.scatter [tilespmem:s19], [sflag:$0x3], $0x4000, $0x38;
	[tilespmem:$0x9800] =	vst v63  }
0x2c: {  	s5 =	sadd.s32 $0xFFFFFF00, s15  }
0x2d: {  	[hbm4b:s5+s3] =	stream.linear.scatter [tilespmem:s20], [sflag:$0x3], $0x800, $0x38;
	[tilespmem:$0x9800] =	vst v63  }
0x2e: {  	_ =	swait.ge [sflag:s24], $0x4000  }
0x2f: {  	[sflag:s24] =	ssyncset.done $0x0  }
0x30: {  	[sflag:s24] =	ssyncadd.s32 $0xFFFFC000  }
0x31: {  	_ =	swait.ge [sflag:s24], $0x800  }
0x32: {  	[sflag:s24] =	ssyncset.done $0x0  }
0x33: {  	[sflag:s24] =	ssyncadd.s32 $0xFFFFF800  }
0x34: {  	[hbm4b:s16+s3] =	stream.linear.scatter [tilespmem:s21], [sflag:$0x4], $0x4000, $0x38;
	[tilespmem:$0x9800] =	vst v63  }
0x35: {  	_ = 	snop  }
0x36: {  	[hbm4b:s15+s3] =	stream.linear.scatter [tilespmem:s22], [sflag:$0x4], $0x800, $0x38;
	[tilespmem:$0x9800] =	vst v63  }
0x37: {  	_ =	swait.ge [sflag:s25], $0x4000  }
0x38: {  	[sflag:s25] =	ssyncset.done $0x0  }
0x39: {  	[sflag:s25] =	ssyncadd.s32 $0xFFFFC000  }
0x3a: {  	_ =	swait.ge [sflag:s25], $0x800  }
0x3b: {  	[sflag:s25] =	ssyncset.done $0x0  }
0x3c: {  	s6 =	simm.s32 $0x100;
	[sflag:s25] =	ssyncadd.s32 $0xFFFFF800  }
0x3d: {  	[tilespmem:s19], [sflag:$0x1] =	stream.indirect.gather [hbm4b:s1+s18], $0x80, s6, s18, $0xb8;
	[tilespmem:$0x9800] =	vst v63  }
0x3e: {  	_ = 	snop  }
0x3f: {  	[tilespmem:s20], [sflag:$0x1] =	stream.indirect.gather [hbm4b:s4+s18], $0x10, s6, s18, $0xb8;
	[tilespmem:$0x9800] =	vst v63  }
0x40: {  	_ =	swait.ge [sflag:s26], $0x4000  }
0x41: {  	[sflag:s26] =	ssyncset.done $0x0  }
0x42: {  	[sflag:s26] =	ssyncadd.s32 $0xFFFFC000  }
0x43: {  	_ =	swait.ge [sflag:s26], $0x800  }
0x44: {  	s31 =	simm.s32 $0x400;
	s0 =	sadd.s32 $0x200, s15;
	[sflag:s26] =	ssyncset.done $0x0  }
0x45: {  	s2 =	sadd.s32 $0x1000, s16;
	s5 =	simm.s32 $0x180;
	[sflag:s26] =	ssyncadd.s32 $0xFFFFF800  }
0x46: {  	[tilespmem:s21], [sflag:$0x2] =	stream.indirect.gather [hbm4b:s1+s18], $0x80, s5, s18, $0xb8;
	[tilespmem:$0x9800] =	vst v63  }
.LBB2_2:
0x47: {  	[tilespmem:s22], [sflag:$0x2] =	stream.indirect.gather [hbm4b:s4+s18], $0x10, s5, s18, $0xb8;
	[tilespmem:$0x9800] =	vst v63  }
0x48: {  	s5 =	smov.u32 s31  }
0x49: {  	p0 =	sne.s32 s31, $0x1400;
	s31 =	sadd.s32 $0x400, s31;
	_ =	swait.ge [sflag:s23], $0x4000  }
0x4a: {  	[sflag:s23] =	ssyncset.done $0x0  }
0x4b: {  	[sflag:s23] =	ssyncadd.s32 $0xFFFFC000  }
0x4c: {  	_ =	swait.ge [sflag:s23], $0x800  }
0x4d: {  	[sflag:s23] =	ssyncset.done $0x0  }
0x4e: {  	s6 =	sadd.s32 $0xFFFFF800, s2;
	[sflag:s23] =	ssyncadd.s32 $0xFFFFF800  }
0x4f: {  	[hbm4b:s6+s3] =	stream.linear.scatter [tilespmem:s19], [sflag:$0x3], $0x4000, $0x38;
	[tilespmem:$0x9800] =	vst v63  }
0x50: {  	s6 =	sadd.s32 $0xFFFFFF00, s0  }
0x51: {  	[hbm4b:s6+s3] =	stream.linear.scatter [tilespmem:s20], [sflag:$0x3], $0x800, $0x38;
	[tilespmem:$0x9800] =	vst v63  }
0x52: {  	_ =	swait.ge [sflag:s24], $0x4000  }
0x53: {  	[sflag:s24] =	ssyncset.done $0x0  }
0x54: {  	[sflag:s24] =	ssyncadd.s32 $0xFFFFC000  }
0x55: {  	_ =	swait.ge [sflag:s24], $0x800  }
0x56: {  	[sflag:s24] =	ssyncset.done $0x0  }
0x57: {  	[sflag:s24] =	ssyncadd.s32 $0xFFFFF800  }
0x58: {  	[hbm4b:s2+s3] =	stream.linear.scatter [tilespmem:s21], [sflag:$0x4], $0x4000, $0x38;
	[tilespmem:$0x9800] =	vst v63  }
0x59: {  	_ = 	snop  }
0x5a: {  	[hbm4b:s0+s3] =	stream.linear.scatter [tilespmem:s22], [sflag:$0x4], $0x800, $0x38;
	[tilespmem:$0x9800] =	vst v63  }
0x5b: {  	_ =	swait.ge [sflag:s25], $0x4000  }
0x5c: {  	[sflag:s25] =	ssyncset.done $0x0  }
0x5d: {  	[sflag:s25] =	ssyncadd.s32 $0xFFFFC000  }
0x5e: {  	_ =	swait.ge [sflag:s25], $0x800  }
0x5f: {  	s5 =	sshra.s32 s5, $0x2;
	[sflag:s25] =	ssyncset.done $0x0  }
0x60: {  	s6 =	sadd.s32 $0x100, s5;
	[sflag:s25] =	ssyncadd.s32 $0xFFFFF800  }
0x61: {  	[tilespmem:s19], [sflag:$0x1] =	stream.indirect.gather [hbm4b:s1+s18], $0x80, s6, s18, $0xb8;
	[tilespmem:$0x9800] =	vst v63  }
0x62: {  	_ = 	snop  }
0x63: {  	[tilespmem:s20], [sflag:$0x1] =	stream.indirect.gather [hbm4b:s4+s18], $0x10, s6, s18, $0xb8;
	[tilespmem:$0x9800] =	vst v63  }
0x64: {  	_ =	swait.ge [sflag:s26], $0x4000  }
0x65: {  	[sflag:s26] =	ssyncset.done $0x0  }
0x66: {  	[sflag:s26] =	ssyncadd.s32 $0xFFFFC000  }
.Ltmp0:
0x67: {  	_ =	swait.ge [sflag:s26], $0x800;
	(pc) =	sbr.rel @p0 .LBB2_2-.Ltmp0, $4  }
0x68: {  	[sflag:s26] =	ssyncset.done $0x0  }
0x69: {  	s5 =	sadd.s32 $0x180, s5;
	[sflag:s26] =	ssyncadd.s32 $0xFFFFF800  }
0x6a: {  	[tilespmem:s21], [sflag:$0x2] =	stream.indirect.gather [hbm4b:s1+s18], $0x80, s5, s18, $0xb8;
	[tilespmem:$0x9800] =	vst v63  }
0x6b: {  	s2 =	sadd.s32 $0x1000, s2;
	s0 =	sadd.s32 $0x200, s0  }
0x6c: {  	[tilespmem:s22], [sflag:$0x2] =	stream.indirect.gather [hbm4b:s4+s18], $0x10, s5, s18, $0xb8;
	[tilespmem:$0x9800] =	vst v63  }
0x6d: {  	_ =	swait.ge [sflag:s23], $0x4000  }
0x6e: {  	[sflag:s23] =	ssyncset.done $0x0  }
0x6f: {  	[sflag:s23] =	ssyncadd.s32 $0xFFFFC000  }
0x70: {  	_ =	swait.ge [sflag:s23], $0x800  }
0x71: {  	[sflag:s23] =	ssyncset.done $0x0  }
0x72: {  	[sflag:s23] =	ssyncadd.s32 $0xFFFFF800  }
0x73: {  	[hbm4b:s11+s3] =	stream.linear.scatter [tilespmem:s19], [sflag:$0x3], $0x4000, $0x38;
	[tilespmem:$0x9800] =	vst v63  }
0x74: {  	_ = 	snop  }
0x75: {  	[hbm4b:s12+s3] =	stream.linear.scatter [tilespmem:s20], [sflag:$0x3], $0x800, $0x38;
	[tilespmem:$0x9800] =	vst v63  }
0x76: {  	_ =	swait.ge [sflag:s24], $0x4000  }
0x77: {  	[sflag:s24] =	ssyncset.done $0x0  }
0x78: {  	[sflag:s24] =	ssyncadd.s32 $0xFFFFC000  }
0x79: {  	_ =	swait.ge [sflag:s24], $0x800  }
0x7a: {  	[sflag:s24] =	ssyncset.done $0x0  }
0x7b: {  	[sflag:s24] =	ssyncadd.s32 $0xFFFFF800  }
0x7c: {  	[hbm4b:s13+s3] =	stream.linear.scatter [tilespmem:s21], [sflag:$0x4], $0x4000, $0x38;
	[tilespmem:$0x9800] =	vst v63  }
0x7d: {  	_ = 	snop  }
0x7e: {  	[hbm4b:s14+s3] =	stream.linear.scatter [tilespmem:s22], [sflag:$0x4], $0x800, $0x38;
	[tilespmem:$0x9800] =	vst v63  }
0x7f: {  	_ =	swait.ge [sflag:s25], $0x4000  }
0x80: {  	[sflag:s25] =	ssyncset.done $0x0  }
0x81: {  	[sflag:s25] =	ssyncadd.s32 $0xFFFFC000  }
0x82: {  	_ =	swait.ge [sflag:s25], $0x800  }
0x83: {  	[sflag:s25] =	ssyncset.done $0x0  }
0x84: {  	[sflag:s25] =	ssyncadd.s32 $0xFFFFF800  }
0x85: {  	[tilespmem:s19], [sflag:$0x1] =	stream.indirect.gather [hbm4b:s1+s18], $0x80, s28, s18, $0xb8;
	[tilespmem:$0x9800] =	vst v63  }
0x86: {  	_ = 	snop  }
0x87: {  	[tilespmem:s20], [sflag:$0x1] =	stream.indirect.gather [hbm4b:s4+s18], $0x10, s28, s18, $0xb8;
	[tilespmem:$0x9800] =	vst v63  }
0x88: {  	_ =	swait.ge [sflag:s26], $0x4000  }
0x89: {  	[sflag:s26] =	ssyncset.done $0x0  }
0x8a: {  	[sflag:s26] =	ssyncadd.s32 $0xFFFFC000  }
0x8b: {  	_ =	swait.ge [sflag:s26], $0x800  }
0x8c: {  	[sflag:s26] =	ssyncset.done $0x0  }
0x8d: {  	[sflag:s26] =	ssyncadd.s32 $0xFFFFF800  }
0x8e: {  	[tilespmem:s21], [sflag:$0x2] =	stream.indirect.gather [hbm4b:s1+s18], $0x80, s29, s18, $0xb8;
	[tilespmem:$0x9800] =	vst v63  }
0x8f: {  	_ = 	snop  }
0x90: {  	[tilespmem:s22], [sflag:$0x2] =	stream.indirect.gather [hbm4b:s4+s18], $0x10, s29, s18, $0xb8;
	[tilespmem:$0x9800] =	vst v63  }
0x91: {  	_ =	swait.ge [sflag:s23], $0x4000  }
0x92: {  	[sflag:s23] =	ssyncset.done $0x0  }
0x93: {  	[sflag:s23] =	ssyncadd.s32 $0xFFFFC000  }
0x94: {  	_ =	swait.ge [sflag:s23], $0x800  }
0x95: {  	[sflag:s23] =	ssyncset.done $0x0  }
0x96: {  	[sflag:s23] =	ssyncadd.s32 $0xFFFFF800  }
0x97: {  	[hbm4b:s7+s3] =	stream.linear.scatter [tilespmem:s19], [sflag:$0x3], $0x4000, $0x38;
	[tilespmem:$0x9800] =	vst v63  }
0x98: {  	_ = 	snop  }
0x99: {  	[hbm4b:s8+s3] =	stream.linear.scatter [tilespmem:s20], [sflag:$0x3], $0x800, $0x38;
	[tilespmem:$0x9800] =	vst v63  }
0x9a: {  	_ =	swait.ge [sflag:s24], $0x4000  }
0x9b: {  	[sflag:s24] =	ssyncset.done $0x0  }
0x9c: {  	[sflag:s24] =	ssyncadd.s32 $0xFFFFC000  }
0x9d: {  	_ =	swait.ge [sflag:s24], $0x800  }
0x9e: {  	[sflag:s24] =	ssyncset.done $0x0  }
0x9f: {  	[sflag:s24] =	ssyncadd.s32 $0xFFFFF800  }
0xa0: {  	[hbm4b:s9+s3] =	stream.linear.scatter [tilespmem:s21], [sflag:$0x4], $0x4000, $0x38;
	[tilespmem:$0x9800] =	vst v63  }
0xa1: {  	_ = 	snop  }
0xa2: {  	[hbm4b:s10+s3] =	stream.linear.scatter [tilespmem:s22], [sflag:$0x4], $0x800, $0x38;
	[tilespmem:$0x9800] =	vst v63  }
0xa3: {  	_ =	swait.ge [sflag:s25], $0x4000  }
0xa4: {  	[sflag:s25] =	ssyncset.done $0x0  }
0xa5: {  	[sflag:s25] =	ssyncadd.s32 $0xFFFFC000  }
0xa6: {  	_ =	swait.ge [sflag:s25], $0x800  }
0xa7: {  	[sflag:s25] =	ssyncset.done $0x0  }
0xa8: {  	[sflag:s25] =	ssyncadd.s32 $0xFFFFF800  }
0xa9: {  	[tilespmem:s19], [sflag:$0x1] =	stream.indirect.gather [hbm4b:s1+s18], $0x80, s29, s18, $0xb8;
	[tilespmem:$0x9800] =	vst v63  }
0xaa: {  	_ = 	snop  }
0xab: {  	[tilespmem:s20], [sflag:$0x1] =	stream.indirect.gather [hbm4b:s4+s18], $0x10, s29, s18, $0xb8;
	[tilespmem:$0x9800] =	vst v63  }
0xac: {  	_ =	swait.ge [sflag:s26], $0x4000  }
0xad: {  	[sflag:s26] =	ssyncset.done $0x0  }
0xae: {  	[sflag:s26] =	ssyncadd.s32 $0xFFFFC000  }
0xaf: {  	_ =	swait.ge [sflag:s26], $0x800  }
0xb0: {  	[sflag:s26] =	ssyncset.done $0x0  }
0xb1: {  	[sflag:s26] =	ssyncadd.s32 $0xFFFFF800  }
0xb2: {  	[tilespmem:s21], [sflag:$0x2] =	stream.indirect.gather [hbm4b:s1+s18], $0x80, s29, s18, $0xb8;
	[tilespmem:$0x9800] =	vst v63  }
0xb3: {  	_ = 	snop  }
0xb4: {  	[tilespmem:s22], [sflag:$0x2] =	stream.indirect.gather [hbm4b:s4+s18], $0x10, s29, s18, $0xb8;
	[tilespmem:$0x9800] =	vst v63  }
0xb5: {  	_ =	swait.ge [sflag:s23], $0x4000  }
0xb6: {  	[sflag:s23] =	ssyncset.done $0x0  }
0xb7: {  	[sflag:s23] =	ssyncadd.s32 $0xFFFFC000  }
0xb8: {  	_ =	swait.ge [sflag:s23], $0x800  }
0xb9: {  	[sflag:s23] =	ssyncset.done $0x0  }
0xba: {  	[sflag:s23] =	ssyncadd.s32 $0xFFFFF800  }
0xbb: {  	_ =	swait.ge [sflag:s24], $0x4000  }
0xbc: {  	[sflag:s24] =	ssyncset.done $0x0  }
0xbd: {  	[sflag:s24] =	ssyncadd.s32 $0xFFFFC000  }
0xbe: {  	_ =	swait.ge [sflag:s24], $0x800  }
0xbf: {  	s30 =	sadd.s32 $0x1, s30;
	s0 =	rddreg [dreg:$0x5]  }
0xc0: {  	p0 =	sne.s32 s30, s0  }
.Ltmp1:
0xc1: {  	_ = 	snop;
	(pc) =	sbr.rel @p0 .LBB2_1-.Ltmp1, $3  }
0xc2: {  	_ =	sdelay $0x1  }
0xc3: {  	[sflag:s24] =	ssyncset.done $0x0  }
0xc4: {  	[sflag:s24] =	ssyncadd.s32 $0xFFFFF800  }
0xc5: {  	_ =	sfence.sel $0x180000  }
0xc6: {  	[bflag:$0x0] =	sbarrier.arrive $0xFFFF  }
0xc7: {  	_ =	strace $0x9000004A  }
0xc8: {  	s0 =	stileid.u32;
	[bflag:$0x2] =	sbarrier.arrive $0xFFFF  }
0xc9: {  	p0 =	sne.s32 s0, $0x0;
	s0 =	rddreg [dreg:$0x3]  }
0xca: {  	s0 =	sadd.s32 @!p0 $0x100000, s0  }
0xcb: {  	[sflag:s0] =	ssyncadd.tile.s32 @!p0 $0x1;
	_ =	shalt  }
.Lfunc_end2:
_tile_overlayer_lowered:
.L_overlay_start_2:
0xcc: {  	(tag) =	ssettag $0x2  }
0xcd: {  	s0 =	rddreg [dreg:$0x0];
	s2 =	stileid.u32  }
0xce: {  	s1 =	rddreg [dreg:$0x1];
	p0 =	sne.s32 s2, $0x0  }
0xcf: {  	s3 =	rddreg [dreg:$0x2];
	[bflag:$0x3] =	sbarrier.arrive $0xFFFF;
	s2 =	simm.s32 @!p0 $0x1C05  }
0xd0: {  	[timem:s3], [sflag:s2] =	dma.local @!p0 [hbm:s0], s1  }
0xd1: {  	s0 =	simm.s32 @!p0 $0x5  }
0xd2: {  	_ =	swait.ge @!p0 [sflag:s0], s1  }
0xd3: {  	s1 =	ssub.s32 @!p0 $0x0, s1;
	[sflag:s0] =	ssyncset.done @!p0 $0x0  }
0xd4: {  	[sflag:s0] =	ssyncadd.s32 @!p0 s1  }
0xd5: {  	[bflag:$0x3] =	sbarrier.arrive $0xFFFF  }
0xd6: {  	_ =	shalt  }

</sc_bundles>
